<compile_context>
chip_gen: v7x
topology: tpu7x:2x2x1
jax: 0.10.2.dev20260603
libtpu: 0.0.44.dev20260713+nightly
codegen_flags: <defaults>
</compile_context>

<pallas_src>
import functools

import jax
import jax.numpy as jnp
from jax import lax
from jax.experimental import pallas as pl
from jax.experimental.pallas import tpu as pltpu
from jax.experimental.pallas import tpu_sc as plsc

ROWS = 128
COLS = 100000
NCORES = 2
NSUB = 16
NW = NCORES * NSUB
SPAN = 3128
LAST_OFF = COLS - SPAN
CR = 64
NC = -(-SPAN // CR)
LAST_COFF = SPAN - CR
NB = 4
UNR = 4
BIG = 1 << 24


def _pass1_body(xt_hbm, outm_hbm, outg_hbm, b0, b1, b2, b3, mres, gres, sems):
    bufs = (b0, b1, b2, b3)
    cidx = lax.axis_index("c")
    s = lax.axis_index("s")
    w = s * NCORES + cidx
    voff = jnp.minimum(w * SPAN, LAST_OFF)

    def chunk_src(coff):
        return xt_hbm.at[pl.ds(voff + coff, CR), :]

    def coff_of(k):
        return jnp.minimum(k * CR, LAST_COFF)

    for b in range(NB):
        pltpu.async_copy(chunk_src(coff_of(b)), bufs[b], sems.at[b])

    def process(buf, coff, carry):
        def body(i, carry):
            ms, gs = list(carry[:8]), list(carry[8:])
            for u in range(UNR):
                v_idx = i * UNR + u
                vid = voff + coff + v_idx
                for q in range(8):
                    v = buf[v_idx, pl.ds(q * 16, 16)]
                    gt = v > ms[q]
                    ms[q] = jnp.maximum(ms[q], v)
                    gs[q] = jnp.where(gt, vid, gs[q])
            return tuple(ms) + tuple(gs)

        return lax.fori_loop(0, CR // UNR, body, carry)

    def outer(k4, carry):
        for b in range(NB):
            k = k4 * NB + b
            coff = coff_of(k)
            pltpu.make_async_copy(chunk_src(coff), bufs[b], sems.at[b]).wait()
            carry = process(bufs[b], coff, carry)

            @pl.when(k + NB < NC)
            def _():
                pltpu.async_copy(chunk_src(coff_of(k + NB)), bufs[b],
                                 sems.at[b])
        return carry

    neg = jnp.full((16,), -jnp.inf, jnp.float32)
    zero = jnp.zeros((16,), jnp.int32)
    carry = lax.fori_loop(0, NC // NB, outer, (neg,) * 8 + (zero,) * 8)
    for k in range((NC // NB) * NB, NC):
        b = k % NB
        coff = coff_of(k)
        pltpu.make_async_copy(chunk_src(coff), bufs[b], sems.at[b]).wait()
        carry = process(bufs[b], coff, carry)

    for q in range(8):
        mres[pl.ds(q * 16, 16)] = carry[q]
        gres[pl.ds(q * 16, 16)] = carry[8 + q]
    pltpu.sync_copy(mres, outm_hbm.at[pl.ds(w * ROWS, ROWS)])
    pltpu.sync_copy(gres, outg_hbm.at[pl.ds(w * ROWS, ROWS)])


def _merge_body(pm_hbm, pg_hbm, out_hbm, mv, gv, res, sem):
    cidx = lax.axis_index("c")
    s = lax.axis_index("s")
    lanes = lax.iota(jnp.int32, 16)

    pltpu.async_copy(pm_hbm, mv, sem).wait()
    pltpu.async_copy(pg_hbm, gv, sem).wait()

    resv = jnp.zeros((16,), jnp.int32)
    for q in range(8):
        r = s * 8 + q
        idx0 = lanes * ROWS + r
        idx1 = idx0 + 16 * ROWS
        m0 = plsc.load_gather(mv, [idx0])
        m1 = plsc.load_gather(mv, [idx1])
        g0 = plsc.load_gather(gv, [idx0])
        g1 = plsc.load_gather(gv, [idx1])
        mm = jnp.max(jnp.maximum(m0, m1))
        c0 = jnp.where(m0 == mm, g0, BIG)
        c1 = jnp.where(m1 == mm, g1, BIG)
        best = jnp.min(jnp.minimum(c0, c1))
        resv = jnp.where(lanes == q, best, resv)
    res[...] = resv

    @pl.when(cidx == 0)
    def _():
        pltpu.sync_copy(res.at[pl.ds(0, 8)], out_hbm.at[pl.ds(s * 8, 8)])


@functools.partial(jax.jit, static_argnames=())
def kernel(inputs):
    xt = inputs.T
    mesh = plsc.VectorSubcoreMesh(
        core_axis_name="c", subcore_axis_name="s",
        num_cores=NCORES, num_subcores=NSUB)
    cp = pltpu.CompilerParams(needs_layout_passes=False)
    pm, pg = pl.kernel(
        _pass1_body,
        out_type=(jax.ShapeDtypeStruct((NW * ROWS,), jnp.float32),
                  jax.ShapeDtypeStruct((NW * ROWS,), jnp.int32)),
        mesh=mesh,
        compiler_params=cp,
        scratch_types=[
            pltpu.VMEM((CR, ROWS), jnp.float32),
            pltpu.VMEM((CR, ROWS), jnp.float32),
            pltpu.VMEM((CR, ROWS), jnp.float32),
            pltpu.VMEM((CR, ROWS), jnp.float32),
            pltpu.VMEM((ROWS,), jnp.float32),
            pltpu.VMEM((ROWS,), jnp.int32),
            pltpu.SemaphoreType.DMA((NB,)),
        ],
    )(xt)
    out = pl.kernel(
        _merge_body,
        out_type=jax.ShapeDtypeStruct((ROWS,), jnp.int32),
        mesh=mesh,
        compiler_params=cp,
        scratch_types=[
            pltpu.VMEM((NW * ROWS,), jnp.float32),
            pltpu.VMEM((NW * ROWS,), jnp.int32),
            pltpu.VMEM((16,), jnp.int32),
            pltpu.SemaphoreType.DMA,
        ],
    )(pm, pg)
    return out

# --- scband reference (transcript-rebuilt; emitter-appended) ---
"""Pipeline reference for scband-argmax-layer-60163901883062 (READ-ONLY COPY).

The authoritative reference and input builder live on the scoring server;
editing this copy changes nothing except your own understanding.
"""

import jax, jax.numpy as jnp
import numpy as np

def setup_inputs(seed: int = 0) -> dict:
    key = jax.random.key(seed)
    inputs = jax.random.normal(key, (128, 100000), dtype=jnp.float32)
    return {"inputs": inputs}

def reference(inputs) -> jnp.ndarray:
    # Faithful translation of tf.argmax(inputs, axis=-1, output_type=tf.int32)
    return jnp.argmax(inputs, axis=-1).astype(jnp.int32)

if __name__ == "__main__":
    import jax
    _d = setup_inputs()
    print(jax.jit(kernel)(*tuple(_d.values())))

</pallas_src>

<mosaic_0001>
#map = affine_map<(d0, d1) -> (0, 0)>
#map1 = affine_map<(d0, d1) -> (0)>
module attributes {stable_mosaic.version = 14 : i64} {
  func.func @_pass1_body(%arg0: i32, %arg1: i32, %arg2: memref<100000x128xf32, #tpu.memory_space<hbm>>, %arg3: memref<4096xf32, #tpu.memory_space<hbm>>, %arg4: memref<4096xi32, #tpu.memory_space<hbm>>, %arg5: memref<64x128xf32, #tpu.memory_space<vmem>>, %arg6: memref<64x128xf32, #tpu.memory_space<vmem>>, %arg7: memref<64x128xf32, #tpu.memory_space<vmem>>, %arg8: memref<64x128xf32, #tpu.memory_space<vmem>>, %arg9: memref<128xf32, #tpu.memory_space<vmem>>, %arg10: memref<128xi32, #tpu.memory_space<vmem>>, %arg11: memref<4x!tpu.dma_semaphore, #tpu.memory_space<semaphore_mem>>) attributes {dimension_semantics = [#tpu.dimension_semantics<core_parallel>, #tpu.dimension_semantics<subcore_parallel>], iteration_bounds = array<i64: 2, 16>, scalar_prefetch = 0 : i64, scratch_operands = 7 : i64, tpu.core_type = #tpu.core_type<sc_vector_subcore>, window_params = [{transform_indices = #map}, {transform_indices = #map1}, {transform_indices = #map1}]} {
    %mul3A = arith.constant 2 : i32
    %mul3A_0 = arith.muli %arg1, %mul3A : i32
    %add3A = arith.addi %mul3A_0, %arg0 : i32
    %mul3A_1 = arith.constant 3128 : i32
    %mul3A_2 = arith.muli %add3A, %mul3A_1 : i32
    %min3A = arith.constant 96872 : i32
    %min3A_3 = arith.minsi %mul3A_2, %min3A : i32
    %min3A_4 = arith.constant 0 : i32
    %min3A_5 = arith.constant 3064 : i32
    %min3A_6 = arith.minsi %min3A_4, %min3A_5 : i32
    %add3A_7 = arith.addi %min3A_3, %min3A_6 : i32
    %dma_start3A = arith.constant 0 : i32
    %dma_start3A_8 = arith.constant 0 : i32
    %dma_start3A_9 = tpu.memref_slice %arg2[%add3A_7, %dma_start3A_8] : memref<100000x128xf32, #tpu.memory_space<hbm>> -> memref<64x128xf32, #tpu.memory_space<hbm>>
    %dma_start3A_10 = tpu.memref_slice %arg11[%dma_start3A] : memref<4x!tpu.dma_semaphore, #tpu.memory_space<semaphore_mem>> -> memref<1x!tpu.dma_semaphore, #tpu.memory_space<semaphore_mem>>
    %dma_start3A_11 = tpu.memref_squeeze %dma_start3A_10 : memref<1x!tpu.dma_semaphore, #tpu.memory_space<semaphore_mem>> -> memref<!tpu.dma_semaphore, #tpu.memory_space<semaphore_mem>>
    %dma_start3A_12 = arith.constant 0 : i32
    %dma_start3A_13 = tpu.memref_slice %arg2[%add3A_7, %dma_start3A_12] : memref<100000x128xf32, #tpu.memory_space<hbm>> -> memref<64x128xf32, #tpu.memory_space<hbm>>
    tpu.enqueue_dma source(%dma_start3A_13 : memref<64x128xf32, #tpu.memory_space<hbm>>) target(%arg5 : memref<64x128xf32, #tpu.memory_space<vmem>>) target_semaphore(%dma_start3A_11 : memref<!tpu.dma_semaphore, #tpu.memory_space<semaphore_mem>>)
    %min3A_14 = arith.constant 64 : i32
    %min3A_15 = arith.constant 3064 : i32
    %min3A_16 = arith.minsi %min3A_14, %min3A_15 : i32
    %add3A_17 = arith.addi %min3A_3, %min3A_16 : i32
    %dma_start3A_18 = arith.constant 1 : i32
    %dma_start3A_19 = arith.constant 0 : i32
    %dma_start3A_20 = tpu.memref_slice %arg2[%add3A_17, %dma_start3A_19] : memref<100000x128xf32, #tpu.memory_space<hbm>> -> memref<64x128xf32, #tpu.memory_space<hbm>>
    %dma_start3A_21 = tpu.memref_slice %arg11[%dma_start3A_18] : memref<4x!tpu.dma_semaphore, #tpu.memory_space<semaphore_mem>> -> memref<1x!tpu.dma_semaphore, #tpu.memory_space<semaphore_mem>>
    %dma_start3A_22 = tpu.memref_squeeze %dma_start3A_21 : memref<1x!tpu.dma_semaphore, #tpu.memory_space<semaphore_mem>> -> memref<!tpu.dma_semaphore, #tpu.memory_space<semaphore_mem>>
    %dma_start3A_23 = arith.constant 0 : i32
    %dma_start3A_24 = tpu.memref_slice %arg2[%add3A_17, %dma_start3A_23] : memref<100000x128xf32, #tpu.memory_space<hbm>> -> memref<64x128xf32, #tpu.memory_space<hbm>>
    tpu.enqueue_dma source(%dma_start3A_24 : memref<64x128xf32, #tpu.memory_space<hbm>>) target(%arg6 : memref<64x128xf32, #tpu.memory_space<vmem>>) target_semaphore(%dma_start3A_22 : memref<!tpu.dma_semaphore, #tpu.memory_space<semaphore_mem>>)
    %min3A_25 = arith.constant 128 : i32
    %min3A_26 = arith.constant 3064 : i32
    %min3A_27 = arith.minsi %min3A_25, %min3A_26 : i32
    %add3A_28 = arith.addi %min3A_3, %min3A_27 : i32
    %dma_start3A_29 = arith.constant 2 : i32
    %dma_start3A_30 = arith.constant 0 : i32
    %dma_start3A_31 = tpu.memref_slice %arg2[%add3A_28, %dma_start3A_30] : memref<100000x128xf32, #tpu.memory_space<hbm>> -> memref<64x128xf32, #tpu.memory_space<hbm>>
    %dma_start3A_32 = tpu.memref_slice %arg11[%dma_start3A_29] : memref<4x!tpu.dma_semaphore, #tpu.memory_space<semaphore_mem>> -> memref<1x!tpu.dma_semaphore, #tpu.memory_space<semaphore_mem>>
    %dma_start3A_33 = tpu.memref_squeeze %dma_start3A_32 : memref<1x!tpu.dma_semaphore, #tpu.memory_space<semaphore_mem>> -> memref<!tpu.dma_semaphore, #tpu.memory_space<semaphore_mem>>
    %dma_start3A_34 = arith.constant 0 : i32
    %dma_start3A_35 = tpu.memref_slice %arg2[%add3A_28, %dma_start3A_34] : memref<100000x128xf32, #tpu.memory_space<hbm>> -> memref<64x128xf32, #tpu.memory_space<hbm>>
    tpu.enqueue_dma source(%dma_start3A_35 : memref<64x128xf32, #tpu.memory_space<hbm>>) target(%arg7 : memref<64x128xf32, #tpu.memory_space<vmem>>) target_semaphore(%dma_start3A_33 : memref<!tpu.dma_semaphore, #tpu.memory_space<semaphore_mem>>)
    %min3A_36 = arith.constant 192 : i32
    %min3A_37 = arith.constant 3064 : i32
    %min3A_38 = arith.minsi %min3A_36, %min3A_37 : i32
    %add3A_39 = arith.addi %min3A_3, %min3A_38 : i32
    %dma_start3A_40 = arith.constant 3 : i32
    %dma_start3A_41 = arith.constant 0 : i32
    %dma_start3A_42 = tpu.memref_slice %arg2[%add3A_39, %dma_start3A_41] : memref<100000x128xf32, #tpu.memory_space<hbm>> -> memref<64x128xf32, #tpu.memory_space<hbm>>
    %dma_start3A_43 = tpu.memref_slice %arg11[%dma_start3A_40] : memref<4x!tpu.dma_semaphore, #tpu.memory_space<semaphore_mem>> -> memref<1x!tpu.dma_semaphore, #tpu.memory_space<semaphore_mem>>
    %dma_start3A_44 = tpu.memref_squeeze %dma_start3A_43 : memref<1x!tpu.dma_semaphore, #tpu.memory_space<semaphore_mem>> -> memref<!tpu.dma_semaphore, #tpu.memory_space<semaphore_mem>>
    %dma_start3A_45 = arith.constant 0 : i32
    %dma_start3A_46 = tpu.memref_slice %arg2[%add3A_39, %dma_start3A_45] : memref<100000x128xf32, #tpu.memory_space<hbm>> -> memref<64x128xf32, #tpu.memory_space<hbm>>
    tpu.enqueue_dma source(%dma_start3A_46 : memref<64x128xf32, #tpu.memory_space<hbm>>) target(%arg8 : memref<64x128xf32, #tpu.memory_space<vmem>>) target_semaphore(%dma_start3A_44 : memref<!tpu.dma_semaphore, #tpu.memory_space<semaphore_mem>>)
    %broadcast_in_dim3A = arith.constant 0xFF800000 : f32
    %broadcast_in_dim3A_47 = vector.broadcast %broadcast_in_dim3A : f32 to vector<16xf32>
    %broadcast_in_dim3A_48 = arith.constant 0 : i32
    %broadcast_in_dim3A_49 = vector.broadcast %broadcast_in_dim3A_48 : i32 to vector<16xi32>
    %scan3A = arith.constant 0 : i32
    %scan3A_50 = arith.constant 12 : i32
    %scan3A_51 = arith.addi %scan3A, %scan3A_50 : i32
    %scan3A_52 = arith.constant 1 : i32
    %scan3A_53:16 = scf.for %scan3A_106 = %scan3A to %scan3A_51 step %scan3A_52 iter_args(%scan3A_107 = %broadcast_in_dim3A_47, %scan3A_108 = %broadcast_in_dim3A_47, %scan3A_109 = %broadcast_in_dim3A_47, %scan3A_110 = %broadcast_in_dim3A_47, %scan3A_111 = %broadcast_in_dim3A_47, %scan3A_112 = %broadcast_in_dim3A_47, %scan3A_113 = %broadcast_in_dim3A_47, %scan3A_114 = %broadcast_in_dim3A_47, %scan3A_115 = %broadcast_in_dim3A_49, %scan3A_116 = %broadcast_in_dim3A_49, %scan3A_117 = %broadcast_in_dim3A_49, %scan3A_118 = %broadcast_in_dim3A_49, %scan3A_119 = %broadcast_in_dim3A_49, %scan3A_120 = %broadcast_in_dim3A_49, %scan3A_121 = %broadcast_in_dim3A_49, %scan3A_122 = %broadcast_in_dim3A_49) -> (vector<16xf32>, vector<16xf32>, vector<16xf32>, vector<16xf32>, vector<16xf32>, vector<16xf32>, vector<16xf32>, vector<16xf32>, vector<16xi32>, vector<16xi32>, vector<16xi32>, vector<16xi32>, vector<16xi32>, vector<16xi32>, vector<16xi32>, vector<16xi32>)  : i32 {
      %mul3A_123 = arith.constant 4 : i32
      %mul3A_124 = arith.muli %scan3A_106, %mul3A_123 : i32
      %add3A_125 = arith.constant 0 : i32
      %add3A_126 = arith.addi %mul3A_124, %add3A_125 : i32
      %mul3A_127 = arith.constant 64 : i32
      %mul3A_128 = arith.muli %add3A_126, %mul3A_127 : i32
      %min3A_129 = arith.constant 3064 : i32
      %min3A_130 = arith.minsi %mul3A_128, %min3A_129 : i32
      %add3A_131 = arith.addi %min3A_3, %min3A_130 : i32
      %dma_wait3A_132 = arith.constant 0 : i32
      %dma_wait3A_133 = arith.constant 0 : i32
      %dma_wait3A_134 = tpu.memref_slice %arg2[%add3A_131, %dma_wait3A_133] : memref<100000x128xf32, #tpu.memory_space<hbm>> -> memref<64x128xf32, #tpu.memory_space<hbm>>
      %dma_wait3A_135 = tpu.memref_slice %arg11[%dma_wait3A_132] : memref<4x!tpu.dma_semaphore, #tpu.memory_space<semaphore_mem>> -> memref<1x!tpu.dma_semaphore, #tpu.memory_space<semaphore_mem>>
      %dma_wait3A_136 = tpu.memref_squeeze %dma_wait3A_135 : memref<1x!tpu.dma_semaphore, #tpu.memory_space<semaphore_mem>> -> memref<!tpu.dma_semaphore, #tpu.memory_space<semaphore_mem>>
      %dma_wait3A_137 = arith.constant 0 : i32
      %dma_wait3A_138 = tpu.memref_slice %arg2[%add3A_131, %dma_wait3A_137] : memref<100000x128xf32, #tpu.memory_space<hbm>> -> memref<64x128xf32, #tpu.memory_space<hbm>>
      tpu.wait_dma2 semaphore(%dma_wait3A_136 : memref<!tpu.dma_semaphore, #tpu.memory_space<semaphore_mem>>) src(%dma_wait3A_138 : memref<64x128xf32, #tpu.memory_space<hbm>>) dst(%arg5 : memref<64x128xf32, #tpu.memory_space<vmem>>)
      %scan3A_139 = arith.constant 0 : i32
      %scan3A_140 = arith.constant 16 : i32
      %scan3A_141 = arith.addi %scan3A_139, %scan3A_140 : i32
      %scan3A_142 = arith.constant 1 : i32
      %scan3A_143:16 = scf.for %scan3A_236 = %scan3A_139 to %scan3A_141 step %scan3A_142 iter_args(%scan3A_237 = %scan3A_107, %scan3A_238 = %scan3A_108, %scan3A_239 = %scan3A_109, %scan3A_240 = %scan3A_110, %scan3A_241 = %scan3A_111, %scan3A_242 = %scan3A_112, %scan3A_243 = %scan3A_113, %scan3A_244 = %scan3A_114, %scan3A_245 = %scan3A_115, %scan3A_246 = %scan3A_116, %scan3A_247 = %scan3A_117, %scan3A_248 = %scan3A_118, %scan3A_249 = %scan3A_119, %scan3A_250 = %scan3A_120, %scan3A_251 = %scan3A_121, %scan3A_252 = %scan3A_122) -> (vector<16xf32>, vector<16xf32>, vector<16xf32>, vector<16xf32>, vector<16xf32>, vector<16xf32>, vector<16xf32>, vector<16xf32>, vector<16xi32>, vector<16xi32>, vector<16xi32>, vector<16xi32>, vector<16xi32>, vector<16xi32>, vector<16xi32>, vector<16xi32>)  : i32 {
        %mul3A_253 = arith.constant 4 : i32
        %mul3A_254 = arith.muli %scan3A_236, %mul3A_253 : i32
        %add3A_255 = arith.constant 0 : i32
        %add3A_256 = arith.addi %mul3A_254, %add3A_255 : i32
        %add3A_257 = arith.addi %min3A_3, %min3A_130 : i32
        %add3A_258 = arith.addi %add3A_257, %add3A_256 : i32
        %get3A = arith.index_cast %add3A_256 : i32 to index
        %get3A_259 = arith.constant 0 : index
        %get3A_260 = tpu.vector_load %arg5[%get3A, %get3A_259] {strides = array<i32>} : memref<64x128xf32, #tpu.memory_space<vmem>>, vector<16xf32>,
        %gt3A = arith.cmpf ogt, %get3A_260, %scan3A_237 : vector<16xf32>
        %max3A = arith.maximumf %scan3A_237, %get3A_260 : vector<16xf32>
        %broadcast_in_dim3A_261 = vector.broadcast %add3A_258 : i32 to vector<16xi32>
        %select_n3A = arith.select %gt3A, %broadcast_in_dim3A_261, %scan3A_245 : vector<16xi1>, vector<16xi32>
        %get3A_262 = arith.index_cast %add3A_256 : i32 to index
        %get3A_263 = arith.constant 16 : index
        %get3A_264 = tpu.vector_load %arg5[%get3A_262, %get3A_263] {strides = array<i32>} : memref<64x128xf32, #tpu.memory_space<vmem>>, vector<16xf32>,
        %gt3A_265 = arith.cmpf ogt, %get3A_264, %scan3A_238 : vector<16xf32>
        %max3A_266 = arith.maximumf %scan3A_238, %get3A_264 : vector<16xf32>
        %broadcast_in_dim3A_267 = vector.broadcast %add3A_258 : i32 to vector<16xi32>
        %select_n3A_268 = arith.select %gt3A_265, %broadcast_in_dim3A_267, %scan3A_246 : vector<16xi1>, vector<16xi32>
        %get3A_269 = arith.index_cast %add3A_256 : i32 to index
        %get3A_270 = arith.constant 32 : index
        %get3A_271 = tpu.vector_load %arg5[%get3A_269, %get3A_270] {strides = array<i32>} : memref<64x128xf32, #tpu.memory_space<vmem>>, vector<16xf32>,
        %gt3A_272 = arith.cmpf ogt, %get3A_271, %scan3A_239 : vector<16xf32>
        %max3A_273 = arith.maximumf %scan3A_239, %get3A_271 : vector<16xf32>
        %broadcast_in_dim3A_274 = vector.broadcast %add3A_258 : i32 to vector<16xi32>
        %select_n3A_275 = arith.select %gt3A_272, %broadcast_in_dim3A_274, %scan3A_247 : vector<16xi1>, vector<16xi32>
        %get3A_276 = arith.index_cast %add3A_256 : i32 to index
        %get3A_277 = arith.constant 48 : index
        %get3A_278 = tpu.vector_load %arg5[%get3A_276, %get3A_277] {strides = array<i32>} : memref<64x128xf32, #tpu.memory_space<vmem>>, vector<16xf32>,
        %gt3A_279 = arith.cmpf ogt, %get3A_278, %scan3A_240 : vector<16xf32>
        %max3A_280 = arith.maximumf %scan3A_240, %get3A_278 : vector<16xf32>
        %broadcast_in_dim3A_281 = vector.broadcast %add3A_258 : i32 to vector<16xi32>
        %select_n3A_282 = arith.select %gt3A_279, %broadcast_in_dim3A_281, %scan3A_248 : vector<16xi1>, vector<16xi32>
        %get3A_283 = arith.index_cast %add3A_256 : i32 to index
        %get3A_284 = arith.constant 64 : index
        %get3A_285 = tpu.vector_load %arg5[%get3A_283, %get3A_284] {strides = array<i32>} : memref<64x128xf32, #tpu.memory_space<vmem>>, vector<16xf32>,
        %gt3A_286 = arith.cmpf ogt, %get3A_285, %scan3A_241 : vector<16xf32>
        %max3A_287 = arith.maximumf %scan3A_241, %get3A_285 : vector<16xf32>
        %broadcast_in_dim3A_288 = vector.broadcast %add3A_258 : i32 to vector<16xi32>
        %select_n3A_289 = arith.select %gt3A_286, %broadcast_in_dim3A_288, %scan3A_249 : vector<16xi1>, vector<16xi32>
        %get3A_290 = arith.index_cast %add3A_256 : i32 to index
        %get3A_291 = arith.constant 80 : index
        %get3A_292 = tpu.vector_load %arg5[%get3A_290, %get3A_291] {strides = array<i32>} : memref<64x128xf32, #tpu.memory_space<vmem>>, vector<16xf32>,
        %gt3A_293 = arith.cmpf ogt, %get3A_292, %scan3A_242 : vector<16xf32>
        %max3A_294 = arith.maximumf %scan3A_242, %get3A_292 : vector<16xf32>
        %broadcast_in_dim3A_295 = vector.broadcast %add3A_258 : i32 to vector<16xi32>
        %select_n3A_296 = arith.select %gt3A_293, %broadcast_in_dim3A_295, %scan3A_250 : vector<16xi1>, vector<16xi32>
        %get3A_297 = arith.index_cast %add3A_256 : i32 to index
        %get3A_298 = arith.constant 96 : index
        %get3A_299 = tpu.vector_load %arg5[%get3A_297, %get3A_298] {strides = array<i32>} : memref<64x128xf32, #tpu.memory_space<vmem>>, vector<16xf32>,
        %gt3A_300 = arith.cmpf ogt, %get3A_299, %scan3A_243 : vector<16xf32>
        %max3A_301 = arith.maximumf %scan3A_243, %get3A_299 : vector<16xf32>
        %broadcast_in_dim3A_302 = vector.broadcast %add3A_258 : i32 to vector<16xi32>
        %select_n3A_303 = arith.select %gt3A_300, %broadcast_in_dim3A_302, %scan3A_251 : vector<16xi1>, vector<16xi32>
        %get3A_304 = arith.index_cast %add3A_256 : i32 to index
        %get3A_305 = arith.constant 112 : index
        %get3A_306 = tpu.vector_load %arg5[%get3A_304, %get3A_305] {strides = array<i32>} : memref<64x128xf32, #tpu.memory_space<vmem>>, vector<16xf32>,
        %gt3A_307 = arith.cmpf ogt, %get3A_306, %scan3A_244 : vector<16xf32>
        %max3A_308 = arith.maximumf %scan3A_244, %get3A_306 : vector<16xf32>
        %broadcast_in_dim3A_309 = vector.broadcast %add3A_258 : i32 to vector<16xi32>
        %select_n3A_310 = arith.select %gt3A_307, %broadcast_in_dim3A_309, %scan3A_252 : vector<16xi1>, vector<16xi32>
        %mul3A_311 = arith.constant 4 : i32
        %mul3A_312 = arith.muli %scan3A_236, %mul3A_311 : i32
        %add3A_313 = arith.constant 1 : i32
        %add3A_314 = arith.addi %mul3A_312, %add3A_313 : i32
        %add3A_315 = arith.addi %min3A_3, %min3A_130 : i32
        %add3A_316 = arith.addi %add3A_315, %add3A_314 : i32
        %get3A_317 = arith.index_cast %add3A_314 : i32 to index
        %get3A_318 = arith.constant 0 : index
        %get3A_319 = tpu.vector_load %arg5[%get3A_317, %get3A_318] {strides = array<i32>} : memref<64x128xf32, #tpu.memory_space<vmem>>, vector<16xf32>,
        %gt3A_320 = arith.cmpf ogt, %get3A_319, %max3A : vector<16xf32>
        %max3A_321 = arith.maximumf %max3A, %get3A_319 : vector<16xf32>
        %broadcast_in_dim3A_322 = vector.broadcast %add3A_316 : i32 to vector<16xi32>
        %select_n3A_323 = arith.select %gt3A_320, %broadcast_in_dim3A_322, %select_n3A : vector<16xi1>, vector<16xi32>
        %get3A_324 = arith.index_cast %add3A_314 : i32 to index
        %get3A_325 = arith.constant 16 : index
        %get3A_326 = tpu.vector_load %arg5[%get3A_324, %get3A_325] {strides = array<i32>} : memref<64x128xf32, #tpu.memory_space<vmem>>, vector<16xf32>,
        %gt3A_327 = arith.cmpf ogt, %get3A_326, %max3A_266 : vector<16xf32>
        %max3A_328 = arith.maximumf %max3A_266, %get3A_326 : vector<16xf32>
        %broadcast_in_dim3A_329 = vector.broadcast %add3A_316 : i32 to vector<16xi32>
        %select_n3A_330 = arith.select %gt3A_327, %broadcast_in_dim3A_329, %select_n3A_268 : vector<16xi1>, vector<16xi32>
        %get3A_331 = arith.index_cast %add3A_314 : i32 to index
        %get3A_332 = arith.constant 32 : index
        %get3A_333 = tpu.vector_load %arg5[%get3A_331, %get3A_332] {strides = array<i32>} : memref<64x128xf32, #tpu.memory_space<vmem>>, vector<16xf32>,
        %gt3A_334 = arith.cmpf ogt, %get3A_333, %max3A_273 : vector<16xf32>
        %max3A_335 = arith.maximumf %max3A_273, %get3A_333 : vector<16xf32>
        %broadcast_in_dim3A_336 = vector.broadcast %add3A_316 : i32 to vector<16xi32>
        %select_n3A_337 = arith.select %gt3A_334, %broadcast_in_dim3A_336, %select_n3A_275 : vector<16xi1>, vector<16xi32>
        %get3A_338 = arith.index_cast %add3A_314 : i32 to index
        %get3A_339 = arith.constant 48 : index
        %get3A_340 = tpu.vector_load %arg5[%get3A_338, %get3A_339] {strides = array<i32>} : memref<64x128xf32, #tpu.memory_space<vmem>>, vector<16xf32>,
        %gt3A_341 = arith.cmpf ogt, %get3A_340, %max3A_280 : vector<16xf32>
        %max3A_342 = arith.maximumf %max3A_280, %get3A_340 : vector<16xf32>
        %broadcast_in_dim3A_343 = vector.broadcast %add3A_316 : i32 to vector<16xi32>
        %select_n3A_344 = arith.select %gt3A_341, %broadcast_in_dim3A_343, %select_n3A_282 : vector<16xi1>, vector<16xi32>
        %get3A_345 = arith.index_cast %add3A_314 : i32 to index
        %get3A_346 = arith.constant 64 : index
        %get3A_347 = tpu.vector_load %arg5[%get3A_345, %get3A_346] {strides = array<i32>} : memref<64x128xf32, #tpu.memory_space<vmem>>, vector<16xf32>,
        %gt3A_348 = arith.cmpf ogt, %get3A_347, %max3A_287 : vector<16xf32>
        %max3A_349 = arith.maximumf %max3A_287, %get3A_347 : vector<16xf32>
        %broadcast_in_dim3A_350 = vector.broadcast %add3A_316 : i32 to vector<16xi32>
        %select_n3A_351 = arith.select %gt3A_348, %broadcast_in_dim3A_350, %select_n3A_289 : vector<16xi1>, vector<16xi32>
        %get3A_352 = arith.index_cast %add3A_314 : i32 to index
        %get3A_353 = arith.constant 80 : index
        %get3A_354 = tpu.vector_load %arg5[%get3A_352, %get3A_353] {strides = array<i32>} : memref<64x128xf32, #tpu.memory_space<vmem>>, vector<16xf32>,
        %gt3A_355 = arith.cmpf ogt, %get3A_354, %max3A_294 : vector<16xf32>
        %max3A_356 = arith.maximumf %max3A_294, %get3A_354 : vector<16xf32>
        %broadcast_in_dim3A_357 = vector.broadcast %add3A_316 : i32 to vector<16xi32>
        %select_n3A_358 = arith.select %gt3A_355, %broadcast_in_dim3A_357, %select_n3A_296 : vector<16xi1>, vector<16xi32>
        %get3A_359 = arith.index_cast %add3A_314 : i32 to index
        %get3A_360 = arith.constant 96 : index
        %get3A_361 = tpu.vector_load %arg5[%get3A_359, %get3A_360] {strides = array<i32>} : memref<64x128xf32, #tpu.memory_space<vmem>>, vector<16xf32>,
        %gt3A_362 = arith.cmpf ogt, %get3A_361, %max3A_301 : vector<16xf32>
        %max3A_363 = arith.maximumf %max3A_301, %get3A_361 : vector<16xf32>
        %broadcast_in_dim3A_364 = vector.broadcast %add3A_316 : i32 to vector<16xi32>
        %select_n3A_365 = arith.select %gt3A_362, %broadcast_in_dim3A_364, %select_n3A_303 : vector<16xi1>, vector<16xi32>
        %get3A_366 = arith.index_cast %add3A_314 : i32 to index
        %get3A_367 = arith.constant 112 : index
        %get3A_368 = tpu.vector_load %arg5[%get3A_366, %get3A_367] {strides = array<i32>} : memref<64x128xf32, #tpu.memory_space<vmem>>, vector<16xf32>,
        %gt3A_369 = arith.cmpf ogt, %get3A_368, %max3A_308 : vector<16xf32>
        %max3A_370 = arith.maximumf %max3A_308, %get3A_368 : vector<16xf32>
        %broadcast_in_dim3A_371 = vector.broadcast %add3A_316 : i32 to vector<16xi32>
        %select_n3A_372 = arith.select %gt3A_369, %broadcast_in_dim3A_371, %select_n3A_310 : vector<16xi1>, vector<16xi32>
        %mul3A_373 = arith.constant 4 : i32
        %mul3A_374 = arith.muli %scan3A_236, %mul3A_373 : i32
        %add3A_375 = arith.constant 2 : i32
        %add3A_376 = arith.addi %mul3A_374, %add3A_375 : i32
        %add3A_377 = arith.addi %min3A_3, %min3A_130 : i32
        %add3A_378 = arith.addi %add3A_377, %add3A_376 : i32
        %get3A_379 = arith.index_cast %add3A_376 : i32 to index
        %get3A_380 = arith.constant 0 : index
        %get3A_381 = tpu.vector_load %arg5[%get3A_379, %get3A_380] {strides = array<i32>} : memref<64x128xf32, #tpu.memory_space<vmem>>, vector<16xf32>,
        %gt3A_382 = arith.cmpf ogt, %get3A_381, %max3A_321 : vector<16xf32>
        %max3A_383 = arith.maximumf %max3A_321, %get3A_381 : vector<16xf32>
        %broadcast_in_dim3A_384 = vector.broadcast %add3A_378 : i32 to vector<16xi32>
        %select_n3A_385 = arith.select %gt3A_382, %broadcast_in_dim3A_384, %select_n3A_323 : vector<16xi1>, vector<16xi32>
        %get3A_386 = arith.index_cast %add3A_376 : i32 to index
        %get3A_387 = arith.constant 16 : index
        %get3A_388 = tpu.vector_load %arg5[%get3A_386, %get3A_387] {strides = array<i32>} : memref<64x128xf32, #tpu.memory_space<vmem>>, vector<16xf32>,
        %gt3A_389 = arith.cmpf ogt, %get3A_388, %max3A_328 : vector<16xf32>
        %max3A_390 = arith.maximumf %max3A_328, %get3A_388 : vector<16xf32>
        %broadcast_in_dim3A_391 = vector.broadcast %add3A_378 : i32 to vector<16xi32>
        %select_n3A_392 = arith.select %gt3A_389, %broadcast_in_dim3A_391, %select_n3A_330 : vector<16xi1>, vector<16xi32>
        %get3A_393 = arith.index_cast %add3A_376 : i32 to index
        %get3A_394 = arith.constant 32 : index
        %get3A_395 = tpu.vector_load %arg5[%get3A_393, %get3A_394] {strides = array<i32>} : memref<64x128xf32, #tpu.memory_space<vmem>>, vector<16xf32>,
        %gt3A_396 = arith.cmpf ogt, %get3A_395, %max3A_335 : vector<16xf32>
        %max3A_397 = arith.maximumf %max3A_335, %get3A_395 : vector<16xf32>
        %broadcast_in_dim3A_398 = vector.broadcast %add3A_378 : i32 to vector<16xi32>
        %select_n3A_399 = arith.select %gt3A_396, %broadcast_in_dim3A_398, %select_n3A_337 : vector<16xi1>, vector<16xi32>
        %get3A_400 = arith.index_cast %add3A_376 : i32 to index
        %get3A_401 = arith.constant 48 : index
        %get3A_402 = tpu.vector_load %arg5[%get3A_400, %get3A_401] {strides = array<i32>} : memref<64x128xf32, #tpu.memory_space<vmem>>, vector<16xf32>,
        %gt3A_403 = arith.cmpf ogt, %get3A_402, %max3A_342 : vector<16xf32>
        %max3A_404 = arith.maximumf %max3A_342, %get3A_402 : vector<16xf32>
        %broadcast_in_dim3A_405 = vector.broadcast %add3A_378 : i32 to vector<16xi32>
        %select_n3A_406 = arith.select %gt3A_403, %broadcast_in_dim3A_405, %select_n3A_344 : vector<16xi1>, vector<16xi32>
        %get3A_407 = arith.index_cast %add3A_376 : i32 to index
        %get3A_408 = arith.constant 64 : index
        %get3A_409 = tpu.vector_load %arg5[%get3A_407, %get3A_408] {strides = array<i32>} : memref<64x128xf32, #tpu.memory_space<vmem>>, vector<16xf32>,
        %gt3A_410 = arith.cmpf ogt, %get3A_409, %max3A_349 : vector<16xf32>
        %max3A_411 = arith.maximumf %max3A_349, %get3A_409 : vector<16xf32>
        %broadcast_in_dim3A_412 = vector.broadcast %add3A_378 : i32 to vector<16xi32>
        %select_n3A_413 = arith.select %gt3A_410, %broadcast_in_dim3A_412, %select_n3A_351 : vector<16xi1>, vector<16xi32>
        %get3A_414 = arith.index_cast %add3A_376 : i32 to index
        %get3A_415 = arith.constant 80 : index
        %get3A_416 = tpu.vector_load %arg5[%get3A_414, %get3A_415] {strides = array<i32>} : memref<64x128xf32, #tpu.memory_space<vmem>>, vector<16xf32>,
        %gt3A_417 = arith.cmpf ogt, %get3A_416, %max3A_356 : vector<16xf32>
        %max3A_418 = arith.maximumf %max3A_356, %get3A_416 : vector<16xf32>
        %broadcast_in_dim3A_419 = vector.broadcast %add3A_378 : i32 to vector<16xi32>
        %select_n3A_420 = arith.select %gt3A_417, %broadcast_in_dim3A_419, %select_n3A_358 : vector<16xi1>, vector<16xi32>
        %get3A_421 = arith.index_cast %add3A_376 : i32 to index
        %get3A_422 = arith.constant 96 : index
        %get3A_423 = tpu.vector_load %arg5[%get3A_421, %get3A_422] {strides = array<i32>} : memref<64x128xf32, #tpu.memory_space<vmem>>, vector<16xf32>,
        %gt3A_424 = arith.cmpf ogt, %get3A_423, %max3A_363 : vector<16xf32>
        %max3A_425 = arith.maximumf %max3A_363, %get3A_423 : vector<16xf32>
        %broadcast_in_dim3A_426 = vector.broadcast %add3A_378 : i32 to vector<16xi32>
        %select_n3A_427 = arith.select %gt3A_424, %broadcast_in_dim3A_426, %select_n3A_365 : vector<16xi1>, vector<16xi32>
        %get3A_428 = arith.index_cast %add3A_376 : i32 to index
        %get3A_429 = arith.constant 112 : index
        %get3A_430 = tpu.vector_load %arg5[%get3A_428, %get3A_429] {strides = array<i32>} : memref<64x128xf32, #tpu.memory_space<vmem>>, vector<16xf32>,
        %gt3A_431 = arith.cmpf ogt, %get3A_430, %max3A_370 : vector<16xf32>
        %max3A_432 = arith.maximumf %max3A_370, %get3A_430 : vector<16xf32>
        %broadcast_in_dim3A_433 = vector.broadcast %add3A_378 : i32 to vector<16xi32>
        %select_n3A_434 = arith.select %gt3A_431, %broadcast_in_dim3A_433, %select_n3A_372 : vector<16xi1>, vector<16xi32>
        %mul3A_435 = arith.constant 4 : i32
        %mul3A_436 = arith.muli %scan3A_236, %mul3A_435 : i32
        %add3A_437 = arith.constant 3 : i32
        %add3A_438 = arith.addi %mul3A_436, %add3A_437 : i32
        %add3A_439 = arith.addi %min3A_3, %min3A_130 : i32
        %add3A_440 = arith.addi %add3A_439, %add3A_438 : i32
        %get3A_441 = arith.index_cast %add3A_438 : i32 to index
        %get3A_442 = arith.constant 0 : index
        %get3A_443 = tpu.vector_load %arg5[%get3A_441, %get3A_442] {strides = array<i32>} : memref<64x128xf32, #tpu.memory_space<vmem>>, vector<16xf32>,
        %gt3A_444 = arith.cmpf ogt, %get3A_443, %max3A_383 : vector<16xf32>
        %max3A_445 = arith.maximumf %max3A_383, %get3A_443 : vector<16xf32>
        %broadcast_in_dim3A_446 = vector.broadcast %add3A_440 : i32 to vector<16xi32>
        %select_n3A_447 = arith.select %gt3A_444, %broadcast_in_dim3A_446, %select_n3A_385 : vector<16xi1>, vector<16xi32>
        %get3A_448 = arith.index_cast %add3A_438 : i32 to index
        %get3A_449 = arith.constant 16 : index
        %get3A_450 = tpu.vector_load %arg5[%get3A_448, %get3A_449] {strides = array<i32>} : memref<64x128xf32, #tpu.memory_space<vmem>>, vector<16xf32>,
        %gt3A_451 = arith.cmpf ogt, %get3A_450, %max3A_390 : vector<16xf32>
        %max3A_452 = arith.maximumf %max3A_390, %get3A_450 : vector<16xf32>
        %broadcast_in_dim3A_453 = vector.broadcast %add3A_440 : i32 to vector<16xi32>
        %select_n3A_454 = arith.select %gt3A_451, %broadcast_in_dim3A_453, %select_n3A_392 : vector<16xi1>, vector<16xi32>
        %get3A_455 = arith.index_cast %add3A_438 : i32 to index
        %get3A_456 = arith.constant 32 : index
        %get3A_457 = tpu.vector_load %arg5[%get3A_455, %get3A_456] {strides = array<i32>} : memref<64x128xf32, #tpu.memory_space<vmem>>, vector<16xf32>,
        %gt3A_458 = arith.cmpf ogt, %get3A_457, %max3A_397 : vector<16xf32>
        %max3A_459 = arith.maximumf %max3A_397, %get3A_457 : vector<16xf32>
        %broadcast_in_dim3A_460 = vector.broadcast %add3A_440 : i32 to vector<16xi32>
        %select_n3A_461 = arith.select %gt3A_458, %broadcast_in_dim3A_460, %select_n3A_399 : vector<16xi1>, vector<16xi32>
        %get3A_462 = arith.index_cast %add3A_438 : i32 to index
        %get3A_463 = arith.constant 48 : index
        %get3A_464 = tpu.vector_load %arg5[%get3A_462, %get3A_463] {strides = array<i32>} : memref<64x128xf32, #tpu.memory_space<vmem>>, vector<16xf32>,
        %gt3A_465 = arith.cmpf ogt, %get3A_464, %max3A_404 : vector<16xf32>
        %max3A_466 = arith.maximumf %max3A_404, %get3A_464 : vector<16xf32>
        %broadcast_in_dim3A_467 = vector.broadcast %add3A_440 : i32 to vector<16xi32>
        %select_n3A_468 = arith.select %gt3A_465, %broadcast_in_dim3A_467, %select_n3A_406 : vector<16xi1>, vector<16xi32>
        %get3A_469 = arith.index_cast %add3A_438 : i32 to index
        %get3A_470 = arith.constant 64 : index
        %get3A_471 = tpu.vector_load %arg5[%get3A_469, %get3A_470] {strides = array<i32>} : memref<64x128xf32, #tpu.memory_space<vmem>>, vector<16xf32>,
        %gt3A_472 = arith.cmpf ogt, %get3A_471, %max3A_411 : vector<16xf32>
        %max3A_473 = arith.maximumf %max3A_411, %get3A_471 : vector<16xf32>
        %broadcast_in_dim3A_474 = vector.broadcast %add3A_440 : i32 to vector<16xi32>
        %select_n3A_475 = arith.select %gt3A_472, %broadcast_in_dim3A_474, %select_n3A_413 : vector<16xi1>, vector<16xi32>
        %get3A_476 = arith.index_cast %add3A_438 : i32 to index
        %get3A_477 = arith.constant 80 : index
        %get3A_478 = tpu.vector_load %arg5[%get3A_476, %get3A_477] {strides = array<i32>} : memref<64x128xf32, #tpu.memory_space<vmem>>, vector<16xf32>,
        %gt3A_479 = arith.cmpf ogt, %get3A_478, %max3A_418 : vector<16xf32>
        %max3A_480 = arith.maximumf %max3A_418, %get3A_478 : vector<16xf32>
        %broadcast_in_dim3A_481 = vector.broadcast %add3A_440 : i32 to vector<16xi32>
        %select_n3A_482 = arith.select %gt3A_479, %broadcast_in_dim3A_481, %select_n3A_420 : vector<16xi1>, vector<16xi32>
        %get3A_483 = arith.index_cast %add3A_438 : i32 to index
        %get3A_484 = arith.constant 96 : index
        %get3A_485 = tpu.vector_load %arg5[%get3A_483, %get3A_484] {strides = array<i32>} : memref<64x128xf32, #tpu.memory_space<vmem>>, vector<16xf32>,
        %gt3A_486 = arith.cmpf ogt, %get3A_485, %max3A_425 : vector<16xf32>
        %max3A_487 = arith.maximumf %max3A_425, %get3A_485 : vector<16xf32>
        %broadcast_in_dim3A_488 = vector.broadcast %add3A_440 : i32 to vector<16xi32>
        %select_n3A_489 = arith.select %gt3A_486, %broadcast_in_dim3A_488, %select_n3A_427 : vector<16xi1>, vector<16xi32>
        %get3A_490 = arith.index_cast %add3A_438 : i32 to index
        %get3A_491 = arith.constant 112 : index
        %get3A_492 = tpu.vector_load %arg5[%get3A_490, %get3A_491] {strides = array<i32>} : memref<64x128xf32, #tpu.memory_space<vmem>>, vector<16xf32>,
        %gt3A_493 = arith.cmpf ogt, %get3A_492, %max3A_432 : vector<16xf32>
        %max3A_494 = arith.maximumf %max3A_432, %get3A_492 : vector<16xf32>
        %broadcast_in_dim3A_495 = vector.broadcast %add3A_440 : i32 to vector<16xi32>
        %select_n3A_496 = arith.select %gt3A_493, %broadcast_in_dim3A_495, %select_n3A_434 : vector<16xi1>, vector<16xi32>
        scf.yield %max3A_445, %max3A_452, %max3A_459, %max3A_466, %max3A_473, %max3A_480, %max3A_487, %max3A_494, %select_n3A_447, %select_n3A_454, %select_n3A_461, %select_n3A_468, %select_n3A_475, %select_n3A_482, %select_n3A_489, %select_n3A_496 : vector<16xf32>, vector<16xf32>, vector<16xf32>, vector<16xf32>, vector<16xf32>, vector<16xf32>, vector<16xf32>, vector<16xf32>, vector<16xi32>, vector<16xi32>, vector<16xi32>, vector<16xi32>, vector<16xi32>, vector<16xi32>, vector<16xi32>, vector<16xi32>
      }
      %scan3A_144 = arith.constant 16 : i32
      %add3A_145 = arith.constant 4 : i32
      %add3A_146 = arith.addi %add3A_126, %add3A_145 : i32
      %lt3A = arith.constant 49 : i32
      %lt3A_147 = arith.cmpi slt, %add3A_146, %lt3A : i32
      %convert_element_type3A = arith.extui %lt3A_147 : i1 to i32
      %cond3A = arith.constant 0 : i32
      %cond3A_148 = arith.cmpi ne, %convert_element_type3A, %cond3A : i32
      scf.if %cond3A_148 {
        %add3A_236 = arith.constant 4 : i32
        %add3A_237 = arith.addi %add3A_126, %add3A_236 : i32
        %mul3A_238 = arith.constant 64 : i32
        %mul3A_239 = arith.muli %add3A_237, %mul3A_238 : i32
        %min3A_240 = arith.constant 3064 : i32
        %min3A_241 = arith.minsi %mul3A_239, %min3A_240 : i32
        %add3A_242 = arith.addi %min3A_3, %min3A_241 : i32
        %dma_start3A_243 = arith.constant 0 : i32
        %dma_start3A_244 = arith.constant 0 : i32
        %dma_start3A_245 = tpu.memref_slice %arg2[%add3A_242, %dma_start3A_244] : memref<100000x128xf32, #tpu.memory_space<hbm>> -> memref<64x128xf32, #tpu.memory_space<hbm>>
        %dma_start3A_246 = tpu.memref_slice %arg11[%dma_start3A_243] : memref<4x!tpu.dma_semaphore, #tpu.memory_space<semaphore_mem>> -> memref<1x!tpu.dma_semaphore, #tpu.memory_space<semaphore_mem>>
        %dma_start3A_247 = tpu.memref_squeeze %dma_start3A_246 : memref<1x!tpu.dma_semaphore, #tpu.memory_space<semaphore_mem>> -> memref<!tpu.dma_semaphore, #tpu.memory_space<semaphore_mem>>
        %dma_start3A_248 = arith.constant 0 : i32
        %dma_start3A_249 = tpu.memref_slice %arg2[%add3A_242, %dma_start3A_248] : memref<100000x128xf32, #tpu.memory_space<hbm>> -> memref<64x128xf32, #tpu.memory_space<hbm>>
        tpu.enqueue_dma source(%dma_start3A_249 : memref<64x128xf32, #tpu.memory_space<hbm>>) target(%arg5 : memref<64x128xf32, #tpu.memory_space<vmem>>) target_semaphore(%dma_start3A_247 : memref<!tpu.dma_semaphore, #tpu.memory_space<semaphore_mem>>)
      } else {
      }
      %mul3A_149 = arith.constant 4 : i32
      %mul3A_150 = arith.muli %scan3A_106, %mul3A_149 : i32
      %add3A_151 = arith.constant 1 : i32
      %add3A_152 = arith.addi %mul3A_150, %add3A_151 : i32
      %mul3A_153 = arith.constant 64 : i32
      %mul3A_154 = arith.muli %add3A_152, %mul3A_153 : i32
      %min3A_155 = arith.constant 3064 : i32
      %min3A_156 = arith.minsi %mul3A_154, %min3A_155 : i32
      %add3A_157 = arith.addi %min3A_3, %min3A_156 : i32
      %dma_wait3A_158 = arith.constant 1 : i32
      %dma_wait3A_159 = arith.constant 0 : i32
      %dma_wait3A_160 = tpu.memref_slice %arg2[%add3A_157, %dma_wait3A_159] : memref<100000x128xf32, #tpu.memory_space<hbm>> -> memref<64x128xf32, #tpu.memory_space<hbm>>
      %dma_wait3A_161 = tpu.memref_slice %arg11[%dma_wait3A_158] : memref<4x!tpu.dma_semaphore, #tpu.memory_space<semaphore_mem>> -> memref<1x!tpu.dma_semaphore, #tpu.memory_space<semaphore_mem>>
      %dma_wait3A_162 = tpu.memref_squeeze %dma_wait3A_161 : memref<1x!tpu.dma_semaphore, #tpu.memory_space<semaphore_mem>> -> memref<!tpu.dma_semaphore, #tpu.memory_space<semaphore_mem>>
      %dma_wait3A_163 = arith.constant 0 : i32
      %dma_wait3A_164 = tpu.memref_slice %arg2[%add3A_157, %dma_wait3A_163] : memref<100000x128xf32, #tpu.memory_space<hbm>> -> memref<64x128xf32, #tpu.memory_space<hbm>>
      tpu.wait_dma2 semaphore(%dma_wait3A_162 : memref<!tpu.dma_semaphore, #tpu.memory_space<semaphore_mem>>) src(%dma_wait3A_164 : memref<64x128xf32, #tpu.memory_space<hbm>>) dst(%arg6 : memref<64x128xf32, #tpu.memory_space<vmem>>)
      %scan3A_165 = arith.constant 0 : i32
      %scan3A_166 = arith.constant 16 : i32
      %scan3A_167 = arith.addi %scan3A_165, %scan3A_166 : i32
      %scan3A_168 = arith.constant 1 : i32
      %scan3A_169:16 = scf.for %scan3A_236 = %scan3A_165 to %scan3A_167 step %scan3A_168 iter_args(%scan3A_237 = %scan3A_143#0, %scan3A_238 = %scan3A_143#1, %scan3A_239 = %scan3A_143#2, %scan3A_240 = %scan3A_143#3, %scan3A_241 = %scan3A_143#4, %scan3A_242 = %scan3A_143#5, %scan3A_243 = %scan3A_143#6, %scan3A_244 = %scan3A_143#7, %scan3A_245 = %scan3A_143#8, %scan3A_246 = %scan3A_143#9, %scan3A_247 = %scan3A_143#10, %scan3A_248 = %scan3A_143#11, %scan3A_249 = %scan3A_143#12, %scan3A_250 = %scan3A_143#13, %scan3A_251 = %scan3A_143#14, %scan3A_252 = %scan3A_143#15) -> (vector<16xf32>, vector<16xf32>, vector<16xf32>, vector<16xf32>, vector<16xf32>, vector<16xf32>, vector<16xf32>, vector<16xf32>, vector<16xi32>, vector<16xi32>, vector<16xi32>, vector<16xi32>, vector<16xi32>, vector<16xi32>, vector<16xi32>, vector<16xi32>)  : i32 {
        %mul3A_253 = arith.constant 4 : i32
        %mul3A_254 = arith.muli %scan3A_236, %mul3A_253 : i32
        %add3A_255 = arith.constant 0 : i32
        %add3A_256 = arith.addi %mul3A_254, %add3A_255 : i32
        %add3A_257 = arith.addi %min3A_3, %min3A_156 : i32
        %add3A_258 = arith.addi %add3A_257, %add3A_256 : i32
        %get3A = arith.index_cast %add3A_256 : i32 to index
        %get3A_259 = arith.constant 0 : index
        %get3A_260 = tpu.vector_load %arg6[%get3A, %get3A_259] {strides = array<i32>} : memref<64x128xf32, #tpu.memory_space<vmem>>, vector<16xf32>,
        %gt3A = arith.cmpf ogt, %get3A_260, %scan3A_237 : vector<16xf32>
        %max3A = arith.maximumf %scan3A_237, %get3A_260 : vector<16xf32>
        %broadcast_in_dim3A_261 = vector.broadcast %add3A_258 : i32 to vector<16xi32>
        %select_n3A = arith.select %gt3A, %broadcast_in_dim3A_261, %scan3A_245 : vector<16xi1>, vector<16xi32>
        %get3A_262 = arith.index_cast %add3A_256 : i32 to index
        %get3A_263 = arith.constant 16 : index
        %get3A_264 = tpu.vector_load %arg6[%get3A_262, %get3A_263] {strides = array<i32>} : memref<64x128xf32, #tpu.memory_space<vmem>>, vector<16xf32>,
        %gt3A_265 = arith.cmpf ogt, %get3A_264, %scan3A_238 : vector<16xf32>
        %max3A_266 = arith.maximumf %scan3A_238, %get3A_264 : vector<16xf32>
        %broadcast_in_dim3A_267 = vector.broadcast %add3A_258 : i32 to vector<16xi32>
        %select_n3A_268 = arith.select %gt3A_265, %broadcast_in_dim3A_267, %scan3A_246 : vector<16xi1>, vector<16xi32>
        %get3A_269 = arith.index_cast %add3A_256 : i32 to index
        %get3A_270 = arith.constant 32 : index
        %get3A_271 = tpu.vector_load %arg6[%get3A_269, %get3A_270] {strides = array<i32>} : memref<64x128xf32, #tpu.memory_space<vmem>>, vector<16xf32>,
        %gt3A_272 = arith.cmpf ogt, %get3A_271, %scan3A_239 : vector<16xf32>
        %max3A_273 = arith.maximumf %scan3A_239, %get3A_271 : vector<16xf32>
        %broadcast_in_dim3A_274 = vector.broadcast %add3A_258 : i32 to vector<16xi32>
        %select_n3A_275 = arith.select %gt3A_272, %broadcast_in_dim3A_274, %scan3A_247 : vector<16xi1>, vector<16xi32>
        %get3A_276 = arith.index_cast %add3A_256 : i32 to index
        %get3A_277 = arith.constant 48 : index
        %get3A_278 = tpu.vector_load %arg6[%get3A_276, %get3A_277] {strides = array<i32>} : memref<64x128xf32, #tpu.memory_space<vmem>>, vector<16xf32>,
        %gt3A_279 = arith.cmpf ogt, %get3A_278, %scan3A_240 : vector<16xf32>
        %max3A_280 = arith.maximumf %scan3A_240, %get3A_278 : vector<16xf32>
        %broadcast_in_dim3A_281 = vector.broadcast %add3A_258 : i32 to vector<16xi32>
        %select_n3A_282 = arith.select %gt3A_279, %broadcast_in_dim3A_281, %scan3A_248 : vector<16xi1>, vector<16xi32>
        %get3A_283 = arith.index_cast %add3A_256 : i32 to index
        %get3A_284 = arith.constant 64 : index
        %get3A_285 = tpu.vector_load %arg6[%get3A_283, %get3A_284] {strides = array<i32>} : memref<64x128xf32, #tpu.memory_space<vmem>>, vector<16xf32>,
        %gt3A_286 = arith.cmpf ogt, %get3A_285, %scan3A_241 : vector<16xf32>
        %max3A_287 = arith.maximumf %scan3A_241, %get3A_285 : vector<16xf32>
        %broadcast_in_dim3A_288 = vector.broadcast %add3A_258 : i32 to vector<16xi32>
        %select_n3A_289 = arith.select %gt3A_286, %broadcast_in_dim3A_288, %scan3A_249 : vector<16xi1>, vector<16xi32>
        %get3A_290 = arith.index_cast %add3A_256 : i32 to index
        %get3A_291 = arith.constant 80 : index
        %get3A_292 = tpu.vector_load %arg6[%get3A_290, %get3A_291] {strides = array<i32>} : memref<64x128xf32, #tpu.memory_space<vmem>>, vector<16xf32>,
        %gt3A_293 = arith.cmpf ogt, %get3A_292, %scan3A_242 : vector<16xf32>
        %max3A_294 = arith.maximumf %scan3A_242, %get3A_292 : vector<16xf32>
        %broadcast_in_dim3A_295 = vector.broadcast %add3A_258 : i32 to vector<16xi32>
        %select_n3A_296 = arith.select %gt3A_293, %broadcast_in_dim3A_295, %scan3A_250 : vector<16xi1>, vector<16xi32>
        %get3A_297 = arith.index_cast %add3A_256 : i32 to index
        %get3A_298 = arith.constant 96 : index
        %get3A_299 = tpu.vector_load %arg6[%get3A_297, %get3A_298] {strides = array<i32>} : memref<64x128xf32, #tpu.memory_space<vmem>>, vector<16xf32>,
        %gt3A_300 = arith.cmpf ogt, %get3A_299, %scan3A_243 : vector<16xf32>
        %max3A_301 = arith.maximumf %scan3A_243, %get3A_299 : vector<16xf32>
        %broadcast_in_dim3A_302 = vector.broadcast %add3A_258 : i32 to vector<16xi32>
        %select_n3A_303 = arith.select %gt3A_300, %broadcast_in_dim3A_302, %scan3A_251 : vector<16xi1>, vector<16xi32>
        %get3A_304 = arith.index_cast %add3A_256 : i32 to index
        %get3A_305 = arith.constant 112 : index
        %get3A_306 = tpu.vector_load %arg6[%get3A_304, %get3A_305] {strides = array<i32>} : memref<64x128xf32, #tpu.memory_space<vmem>>, vector<16xf32>,
        %gt3A_307 = arith.cmpf ogt, %get3A_306, %scan3A_244 : vector<16xf32>
        %max3A_308 = arith.maximumf %scan3A_244, %get3A_306 : vector<16xf32>
        %broadcast_in_dim3A_309 = vector.broadcast %add3A_258 : i32 to vector<16xi32>
        %select_n3A_310 = arith.select %gt3A_307, %broadcast_in_dim3A_309, %scan3A_252 : vector<16xi1>, vector<16xi32>
        %mul3A_311 = arith.constant 4 : i32
        %mul3A_312 = arith.muli %scan3A_236, %mul3A_311 : i32
        %add3A_313 = arith.constant 1 : i32
        %add3A_314 = arith.addi %mul3A_312, %add3A_313 : i32
        %add3A_315 = arith.addi %min3A_3, %min3A_156 : i32
        %add3A_316 = arith.addi %add3A_315, %add3A_314 : i32
        %get3A_317 = arith.index_cast %add3A_314 : i32 to index
        %get3A_318 = arith.constant 0 : index
        %get3A_319 = tpu.vector_load %arg6[%get3A_317, %get3A_318] {strides = array<i32>} : memref<64x128xf32, #tpu.memory_space<vmem>>, vector<16xf32>,
        %gt3A_320 = arith.cmpf ogt, %get3A_319, %max3A : vector<16xf32>
        %max3A_321 = arith.maximumf %max3A, %get3A_319 : vector<16xf32>
        %broadcast_in_dim3A_322 = vector.broadcast %add3A_316 : i32 to vector<16xi32>
        %select_n3A_323 = arith.select %gt3A_320, %broadcast_in_dim3A_322, %select_n3A : vector<16xi1>, vector<16xi32>
        %get3A_324 = arith.index_cast %add3A_314 : i32 to index
        %get3A_325 = arith.constant 16 : index
        %get3A_326 = tpu.vector_load %arg6[%get3A_324, %get3A_325] {strides = array<i32>} : memref<64x128xf32, #tpu.memory_space<vmem>>, vector<16xf32>,
        %gt3A_327 = arith.cmpf ogt, %get3A_326, %max3A_266 : vector<16xf32>
        %max3A_328 = arith.maximumf %max3A_266, %get3A_326 : vector<16xf32>
        %broadcast_in_dim3A_329 = vector.broadcast %add3A_316 : i32 to vector<16xi32>
        %select_n3A_330 = arith.select %gt3A_327, %broadcast_in_dim3A_329, %select_n3A_268 : vector<16xi1>, vector<16xi32>
        %get3A_331 = arith.index_cast %add3A_314 : i32 to index
        %get3A_332 = arith.constant 32 : index
        %get3A_333 = tpu.vector_load %arg6[%get3A_331, %get3A_332] {strides = array<i32>} : memref<64x128xf32, #tpu.memory_space<vmem>>, vector<16xf32>,
        %gt3A_334 = arith.cmpf ogt, %get3A_333, %max3A_273 : vector<16xf32>
        %max3A_335 = arith.maximumf %max3A_273, %get3A_333 : vector<16xf32>
        %broadcast_in_dim3A_336 = vector.broadcast %add3A_316 : i32 to vector<16xi32>
        %select_n3A_337 = arith.select %gt3A_334, %broadcast_in_dim3A_336, %select_n3A_275 : vector<16xi1>, vector<16xi32>
        %get3A_338 = arith.index_cast %add3A_314 : i32 to index
        %get3A_339 = arith.constant 48 : index
        %get3A_340 = tpu.vector_load %arg6[%get3A_338, %get3A_339] {strides = array<i32>} : memref<64x128xf32, #tpu.memory_space<vmem>>, vector<16xf32>,
        %gt3A_341 = arith.cmpf ogt, %get3A_340, %max3A_280 : vector<16xf32>
        %max3A_342 = arith.maximumf %max3A_280, %get3A_340 : vector<16xf32>
        %broadcast_in_dim3A_343 = vector.broadcast %add3A_316 : i32 to vector<16xi32>
        %select_n3A_344 = arith.select %gt3A_341, %broadcast_in_dim3A_343, %select_n3A_282 : vector<16xi1>, vector<16xi32>
        %get3A_345 = arith.index_cast %add3A_314 : i32 to index
        %get3A_346 = arith.constant 64 : index
        %get3A_347 = tpu.vector_load %arg6[%get3A_345, %get3A_346] {strides = array<i32>} : memref<64x128xf32, #tpu.memory_space<vmem>>, vector<16xf32>,
        %gt3A_348 = arith.cmpf ogt, %get3A_347, %max3A_287 : vector<16xf32>
        %max3A_349 = arith.maximumf %max3A_287, %get3A_347 : vector<16xf32>
        %broadcast_in_dim3A_350 = vector.broadcast %add3A_316 : i32 to vector<16xi32>
        %select_n3A_351 = arith.select %gt3A_348, %broadcast_in_dim3A_350, %select_n3A_289 : vector<16xi1>, vector<16xi32>
        %get3A_352 = arith.index_cast %add3A_314 : i32 to index
        %get3A_353 = arith.constant 80 : index
        %get3A_354 = tpu.vector_load %arg6[%get3A_352, %get3A_353] {strides = array<i32>} : memref<64x128xf32, #tpu.memory_space<vmem>>, vector<16xf32>,
        %gt3A_355 = arith.cmpf ogt, %get3A_354, %max3A_294 : vector<16xf32>
        %max3A_356 = arith.maximumf %max3A_294, %get3A_354 : vector<16xf32>
        %broadcast_in_dim3A_357 = vector.broadcast %add3A_316 : i32 to vector<16xi32>
        %select_n3A_358 = arith.select %gt3A_355, %broadcast_in_dim3A_357, %select_n3A_296 : vector<16xi1>, vector<16xi32>
        %get3A_359 = arith.index_cast %add3A_314 : i32 to index
        %get3A_360 = arith.constant 96 : index
        %get3A_361 = tpu.vector_load %arg6[%get3A_359, %get3A_360] {strides = array<i32>} : memref<64x128xf32, #tpu.memory_space<vmem>>, vector<16xf32>,
        %gt3A_362 = arith.cmpf ogt, %get3A_361, %max3A_301 : vector<16xf32>
        %max3A_363 = arith.maximumf %max3A_301, %get3A_361 : vector<16xf32>
        %broadcast_in_dim3A_364 = vector.broadcast %add3A_316 : i32 to vector<16xi32>
        %select_n3A_365 = arith.select %gt3A_362, %broadcast_in_dim3A_364, %select_n3A_303 : vector<16xi1>, vector<16xi32>
        %get3A_366 = arith.index_cast %add3A_314 : i32 to index
        %get3A_367 = arith.constant 112 : index
        %get3A_368 = tpu.vector_load %arg6[%get3A_366, %get3A_367] {strides = array<i32>} : memref<64x128xf32, #tpu.memory_space<vmem>>, vector<16xf32>,
        %gt3A_369 = arith.cmpf ogt, %get3A_368, %max3A_308 : vector<16xf32>
        %max3A_370 = arith.maximumf %max3A_308, %get3A_368 : vector<16xf32>
        %broadcast_in_dim3A_371 = vector.broadcast %add3A_316 : i32 to vector<16xi32>
        %select_n3A_372 = arith.select %gt3A_369, %broadcast_in_dim3A_371, %select_n3A_310 : vector<16xi1>, vector<16xi32>
        %mul3A_373 = arith.constant 4 : i32
        %mul3A_374 = arith.muli %scan3A_236, %mul3A_373 : i32
        %add3A_375 = arith.constant 2 : i32
        %add3A_376 = arith.addi %mul3A_374, %add3A_375 : i32
        %add3A_377 = arith.addi %min3A_3, %min3A_156 : i32
        %add3A_378 = arith.addi %add3A_377, %add3A_376 : i32
        %get3A_379 = arith.index_cast %add3A_376 : i32 to index
        %get3A_380 = arith.constant 0 : index
        %get3A_381 = tpu.vector_load %arg6[%get3A_379, %get3A_380] {strides = array<i32>} : memref<64x128xf32, #tpu.memory_space<vmem>>, vector<16xf32>,
        %gt3A_382 = arith.cmpf ogt, %get3A_381, %max3A_321 : vector<16xf32>
        %max3A_383 = arith.maximumf %max3A_321, %get3A_381 : vector<16xf32>
        %broadcast_in_dim3A_384 = vector.broadcast %add3A_378 : i32 to vector<16xi32>
        %select_n3A_385 = arith.select %gt3A_382, %broadcast_in_dim3A_384, %select_n3A_323 : vector<16xi1>, vector<16xi32>
        %get3A_386 = arith.index_cast %add3A_376 : i32 to index
        %get3A_387 = arith.constant 16 : index
        %get3A_388 = tpu.vector_load %arg6[%get3A_386, %get3A_387] {strides = array<i32>} : memref<64x128xf32, #tpu.memory_space<vmem>>, vector<16xf32>,
        %gt3A_389 = arith.cmpf ogt, %get3A_388, %max3A_328 : vector<16xf32>
        %max3A_390 = arith.maximumf %max3A_328, %get3A_388 : vector<16xf32>
        %broadcast_in_dim3A_391 = vector.broadcast %add3A_378 : i32 to vector<16xi32>
        %select_n3A_392 = arith.select %gt3A_389, %broadcast_in_dim3A_391, %select_n3A_330 : vector<16xi1>, vector<16xi32>
        %get3A_393 = arith.index_cast %add3A_376 : i32 to index
        %get3A_394 = arith.constant 32 : index
        %get3A_395 = tpu.vector_load %arg6[%get3A_393, %get3A_394] {strides = array<i32>} : memref<64x128xf32, #tpu.memory_space<vmem>>, vector<16xf32>,
        %gt3A_396 = arith.cmpf ogt, %get3A_395, %max3A_335 : vector<16xf32>
        %max3A_397 = arith.maximumf %max3A_335, %get3A_395 : vector<16xf32>
        %broadcast_in_dim3A_398 = vector.broadcast %add3A_378 : i32 to vector<16xi32>
        %select_n3A_399 = arith.select %gt3A_396, %broadcast_in_dim3A_398, %select_n3A_337 : vector<16xi1>, vector<16xi32>
        %get3A_400 = arith.index_cast %add3A_376 : i32 to index
        %get3A_401 = arith.constant 48 : index
        %get3A_402 = tpu.vector_load %arg6[%get3A_400, %get3A_401] {strides = array<i32>} : memref<64x128xf32, #tpu.memory_space<vmem>>, vector<16xf32>,
        %gt3A_403 = arith.cmpf ogt, %get3A_402, %max3A_342 : vector<16xf32>
        %max3A_404 = arith.maximumf %max3A_342, %get3A_402 : vector<16xf32>
        %broadcast_in_dim3A_405 = vector.broadcast %add3A_378 : i32 to vector<16xi32>
        %select_n3A_406 = arith.select %gt3A_403, %broadcast_in_dim3A_405, %select_n3A_344 : vector<16xi1>, vector<16xi32>
        %get3A_407 = arith.index_cast %add3A_376 : i32 to index
        %get3A_408 = arith.constant 64 : index
        %get3A_409 = tpu.vector_load %arg6[%get3A_407, %get3A_408] {strides = array<i32>} : memref<64x128xf32, #tpu.memory_space<vmem>>, vector<16xf32>,
        %gt3A_410 = arith.cmpf ogt, %get3A_409, %max3A_349 : vector<16xf32>
        %max3A_411 = arith.maximumf %max3A_349, %get3A_409 : vector<16xf32>
        %broadcast_in_dim3A_412 = vector.broadcast %add3A_378 : i32 to vector<16xi32>
        %select_n3A_413 = arith.select %gt3A_410, %broadcast_in_dim3A_412, %select_n3A_351 : vector<16xi1>, vector<16xi32>
        %get3A_414 = arith.index_cast %add3A_376 : i32 to index
        %get3A_415 = arith.constant 80 : index
        %get3A_416 = tpu.vector_load %arg6[%get3A_414, %get3A_415] {strides = array<i32>} : memref<64x128xf32, #tpu.memory_space<vmem>>, vector<16xf32>,
        %gt3A_417 = arith.cmpf ogt, %get3A_416, %max3A_356 : vector<16xf32>
        %max3A_418 = arith.maximumf %max3A_356, %get3A_416 : vector<16xf32>
        %broadcast_in_dim3A_419 = vector.broadcast %add3A_378 : i32 to vector<16xi32>
        %select_n3A_420 = arith.select %gt3A_417, %broadcast_in_dim3A_419, %select_n3A_358 : vector<16xi1>, vector<16xi32>
        %get3A_421 = arith.index_cast %add3A_376 : i32 to index
        %get3A_422 = arith.constant 96 : index
        %get3A_423 = tpu.vector_load %arg6[%get3A_421, %get3A_422] {strides = array<i32>} : memref<64x128xf32, #tpu.memory_space<vmem>>, vector<16xf32>,
        %gt3A_424 = arith.cmpf ogt, %get3A_423, %max3A_363 : vector<16xf32>
        %max3A_425 = arith.maximumf %max3A_363, %get3A_423 : vector<16xf32>
        %broadcast_in_dim3A_426 = vector.broadcast %add3A_378 : i32 to vector<16xi32>
        %select_n3A_427 = arith.select %gt3A_424, %broadcast_in_dim3A_426, %select_n3A_365 : vector<16xi1>, vector<16xi32>
        %get3A_428 = arith.index_cast %add3A_376 : i32 to index
        %get3A_429 = arith.constant 112 : index
        %get3A_430 = tpu.vector_load %arg6[%get3A_428, %get3A_429] {strides = array<i32>} : memref<64x128xf32, #tpu.memory_space<vmem>>, vector<16xf32>,
        %gt3A_431 = arith.cmpf ogt, %get3A_430, %max3A_370 : vector<16xf32>
        %max3A_432 = arith.maximumf %max3A_370, %get3A_430 : vector<16xf32>
        %broadcast_in_dim3A_433 = vector.broadcast %add3A_378 : i32 to vector<16xi32>
        %select_n3A_434 = arith.select %gt3A_431, %broadcast_in_dim3A_433, %select_n3A_372 : vector<16xi1>, vector<16xi32>
        %mul3A_435 = arith.constant 4 : i32
        %mul3A_436 = arith.muli %scan3A_236, %mul3A_435 : i32
        %add3A_437 = arith.constant 3 : i32
        %add3A_438 = arith.addi %mul3A_436, %add3A_437 : i32
        %add3A_439 = arith.addi %min3A_3, %min3A_156 : i32
        %add3A_440 = arith.addi %add3A_439, %add3A_438 : i32
        %get3A_441 = arith.index_cast %add3A_438 : i32 to index
        %get3A_442 = arith.constant 0 : index
        %get3A_443 = tpu.vector_load %arg6[%get3A_441, %get3A_442] {strides = array<i32>} : memref<64x128xf32, #tpu.memory_space<vmem>>, vector<16xf32>,
        %gt3A_444 = arith.cmpf ogt, %get3A_443, %max3A_383 : vector<16xf32>
        %max3A_445 = arith.maximumf %max3A_383, %get3A_443 : vector<16xf32>
        %broadcast_in_dim3A_446 = vector.broadcast %add3A_440 : i32 to vector<16xi32>
        %select_n3A_447 = arith.select %gt3A_444, %broadcast_in_dim3A_446, %select_n3A_385 : vector<16xi1>, vector<16xi32>
        %get3A_448 = arith.index_cast %add3A_438 : i32 to index
        %get3A_449 = arith.constant 16 : index
        %get3A_450 = tpu.vector_load %arg6[%get3A_448, %get3A_449] {strides = array<i32>} : memref<64x128xf32, #tpu.memory_space<vmem>>, vector<16xf32>,
        %gt3A_451 = arith.cmpf ogt, %get3A_450, %max3A_390 : vector<16xf32>
        %max3A_452 = arith.maximumf %max3A_390, %get3A_450 : vector<16xf32>
        %broadcast_in_dim3A_453 = vector.broadcast %add3A_440 : i32 to vector<16xi32>
        %select_n3A_454 = arith.select %gt3A_451, %broadcast_in_dim3A_453, %select_n3A_392 : vector<16xi1>, vector<16xi32>
        %get3A_455 = arith.index_cast %add3A_438 : i32 to index
        %get3A_456 = arith.constant 32 : index
        %get3A_457 = tpu.vector_load %arg6[%get3A_455, %get3A_456] {strides = array<i32>} : memref<64x128xf32, #tpu.memory_space<vmem>>, vector<16xf32>,
        %gt3A_458 = arith.cmpf ogt, %get3A_457, %max3A_397 : vector<16xf32>
        %max3A_459 = arith.maximumf %max3A_397, %get3A_457 : vector<16xf32>
        %broadcast_in_dim3A_460 = vector.broadcast %add3A_440 : i32 to vector<16xi32>
        %select_n3A_461 = arith.select %gt3A_458, %broadcast_in_dim3A_460, %select_n3A_399 : vector<16xi1>, vector<16xi32>
        %get3A_462 = arith.index_cast %add3A_438 : i32 to index
        %get3A_463 = arith.constant 48 : index
        %get3A_464 = tpu.vector_load %arg6[%get3A_462, %get3A_463] {strides = array<i32>} : memref<64x128xf32, #tpu.memory_space<vmem>>, vector<16xf32>,
        %gt3A_465 = arith.cmpf ogt, %get3A_464, %max3A_404 : vector<16xf32>
        %max3A_466 = arith.maximumf %max3A_404, %get3A_464 : vector<16xf32>
        %broadcast_in_dim3A_467 = vector.broadcast %add3A_440 : i32 to vector<16xi32>
        %select_n3A_468 = arith.select %gt3A_465, %broadcast_in_dim3A_467, %select_n3A_406 : vector<16xi1>, vector<16xi32>
        %get3A_469 = arith.index_cast %add3A_438 : i32 to index
        %get3A_470 = arith.constant 64 : index
        %get3A_471 = tpu.vector_load %arg6[%get3A_469, %get3A_470] {strides = array<i32>} : memref<64x128xf32, #tpu.memory_space<vmem>>, vector<16xf32>,
        %gt3A_472 = arith.cmpf ogt, %get3A_471, %max3A_411 : vector<16xf32>
        %max3A_473 = arith.maximumf %max3A_411, %get3A_471 : vector<16xf32>
        %broadcast_in_dim3A_474 = vector.broadcast %add3A_440 : i32 to vector<16xi32>
        %select_n3A_475 = arith.select %gt3A_472, %broadcast_in_dim3A_474, %select_n3A_413 : vector<16xi1>, vector<16xi32>
        %get3A_476 = arith.index_cast %add3A_438 : i32 to index
        %get3A_477 = arith.constant 80 : index
        %get3A_478 = tpu.vector_load %arg6[%get3A_476, %get3A_477] {strides = array<i32>} : memref<64x128xf32, #tpu.memory_space<vmem>>, vector<16xf32>,
        %gt3A_479 = arith.cmpf ogt, %get3A_478, %max3A_418 : vector<16xf32>
        %max3A_480 = arith.maximumf %max3A_418, %get3A_478 : vector<16xf32>
        %broadcast_in_dim3A_481 = vector.broadcast %add3A_440 : i32 to vector<16xi32>
        %select_n3A_482 = arith.select %gt3A_479, %broadcast_in_dim3A_481, %select_n3A_420 : vector<16xi1>, vector<16xi32>
        %get3A_483 = arith.index_cast %add3A_438 : i32 to index
        %get3A_484 = arith.constant 96 : index
        %get3A_485 = tpu.vector_load %arg6[%get3A_483, %get3A_484] {strides = array<i32>} : memref<64x128xf32, #tpu.memory_space<vmem>>, vector<16xf32>,
        %gt3A_486 = arith.cmpf ogt, %get3A_485, %max3A_425 : vector<16xf32>
        %max3A_487 = arith.maximumf %max3A_425, %get3A_485 : vector<16xf32>
        %broadcast_in_dim3A_488 = vector.broadcast %add3A_440 : i32 to vector<16xi32>
        %select_n3A_489 = arith.select %gt3A_486, %broadcast_in_dim3A_488, %select_n3A_427 : vector<16xi1>, vector<16xi32>
        %get3A_490 = arith.index_cast %add3A_438 : i32 to index
        %get3A_491 = arith.constant 112 : index
        %get3A_492 = tpu.vector_load %arg6[%get3A_490, %get3A_491] {strides = array<i32>} : memref<64x128xf32, #tpu.memory_space<vmem>>, vector<16xf32>,
        %gt3A_493 = arith.cmpf ogt, %get3A_492, %max3A_432 : vector<16xf32>
        %max3A_494 = arith.maximumf %max3A_432, %get3A_492 : vector<16xf32>
        %broadcast_in_dim3A_495 = vector.broadcast %add3A_440 : i32 to vector<16xi32>
        %select_n3A_496 = arith.select %gt3A_493, %broadcast_in_dim3A_495, %select_n3A_434 : vector<16xi1>, vector<16xi32>
        scf.yield %max3A_445, %max3A_452, %max3A_459, %max3A_466, %max3A_473, %max3A_480, %max3A_487, %max3A_494, %select_n3A_447, %select_n3A_454, %select_n3A_461, %select_n3A_468, %select_n3A_475, %select_n3A_482, %select_n3A_489, %select_n3A_496 : vector<16xf32>, vector<16xf32>, vector<16xf32>, vector<16xf32>, vector<16xf32>, vector<16xf32>, vector<16xf32>, vector<16xf32>, vector<16xi32>, vector<16xi32>, vector<16xi32>, vector<16xi32>, vector<16xi32>, vector<16xi32>, vector<16xi32>, vector<16xi32>
      }
      %scan3A_170 = arith.constant 16 : i32
      %add3A_171 = arith.constant 4 : i32
      %add3A_172 = arith.addi %add3A_152, %add3A_171 : i32
      %lt3A_173 = arith.constant 49 : i32
      %lt3A_174 = arith.cmpi slt, %add3A_172, %lt3A_173 : i32
      %convert_element_type3A_175 = arith.extui %lt3A_174 : i1 to i32
      %cond3A_176 = arith.constant 0 : i32
      %cond3A_177 = arith.cmpi ne, %convert_element_type3A_175, %cond3A_176 : i32
      scf.if %cond3A_177 {
        %add3A_236 = arith.constant 4 : i32
        %add3A_237 = arith.addi %add3A_152, %add3A_236 : i32
        %mul3A_238 = arith.constant 64 : i32
        %mul3A_239 = arith.muli %add3A_237, %mul3A_238 : i32
        %min3A_240 = arith.constant 3064 : i32
        %min3A_241 = arith.minsi %mul3A_239, %min3A_240 : i32
        %add3A_242 = arith.addi %min3A_3, %min3A_241 : i32
        %dma_start3A_243 = arith.constant 1 : i32
        %dma_start3A_244 = arith.constant 0 : i32
        %dma_start3A_245 = tpu.memref_slice %arg2[%add3A_242, %dma_start3A_244] : memref<100000x128xf32, #tpu.memory_space<hbm>> -> memref<64x128xf32, #tpu.memory_space<hbm>>
        %dma_start3A_246 = tpu.memref_slice %arg11[%dma_start3A_243] : memref<4x!tpu.dma_semaphore, #tpu.memory_space<semaphore_mem>> -> memref<1x!tpu.dma_semaphore, #tpu.memory_space<semaphore_mem>>
        %dma_start3A_247 = tpu.memref_squeeze %dma_start3A_246 : memref<1x!tpu.dma_semaphore, #tpu.memory_space<semaphore_mem>> -> memref<!tpu.dma_semaphore, #tpu.memory_space<semaphore_mem>>
        %dma_start3A_248 = arith.constant 0 : i32
        %dma_start3A_249 = tpu.memref_slice %arg2[%add3A_242, %dma_start3A_248] : memref<100000x128xf32, #tpu.memory_space<hbm>> -> memref<64x128xf32, #tpu.memory_space<hbm>>
        tpu.enqueue_dma source(%dma_start3A_249 : memref<64x128xf32, #tpu.memory_space<hbm>>) target(%arg6 : memref<64x128xf32, #tpu.memory_space<vmem>>) target_semaphore(%dma_start3A_247 : memref<!tpu.dma_semaphore, #tpu.memory_space<semaphore_mem>>)
      } else {
      }
      %mul3A_178 = arith.constant 4 : i32
      %mul3A_179 = arith.muli %scan3A_106, %mul3A_178 : i32
      %add3A_180 = arith.constant 2 : i32
      %add3A_181 = arith.addi %mul3A_179, %add3A_180 : i32
      %mul3A_182 = arith.constant 64 : i32
      %mul3A_183 = arith.muli %add3A_181, %mul3A_182 : i32
      %min3A_184 = arith.constant 3064 : i32
      %min3A_185 = arith.minsi %mul3A_183, %min3A_184 : i32
      %add3A_186 = arith.addi %min3A_3, %min3A_185 : i32
      %dma_wait3A_187 = arith.constant 2 : i32
      %dma_wait3A_188 = arith.constant 0 : i32
      %dma_wait3A_189 = tpu.memref_slice %arg2[%add3A_186, %dma_wait3A_188] : memref<100000x128xf32, #tpu.memory_space<hbm>> -> memref<64x128xf32, #tpu.memory_space<hbm>>
      %dma_wait3A_190 = tpu.memref_slice %arg11[%dma_wait3A_187] : memref<4x!tpu.dma_semaphore, #tpu.memory_space<semaphore_mem>> -> memref<1x!tpu.dma_semaphore, #tpu.memory_space<semaphore_mem>>
      %dma_wait3A_191 = tpu.memref_squeeze %dma_wait3A_190 : memref<1x!tpu.dma_semaphore, #tpu.memory_space<semaphore_mem>> -> memref<!tpu.dma_semaphore, #tpu.memory_space<semaphore_mem>>
      %dma_wait3A_192 = arith.constant 0 : i32
      %dma_wait3A_193 = tpu.memref_slice %arg2[%add3A_186, %dma_wait3A_192] : memref<100000x128xf32, #tpu.memory_space<hbm>> -> memref<64x128xf32, #tpu.memory_space<hbm>>
      tpu.wait_dma2 semaphore(%dma_wait3A_191 : memref<!tpu.dma_semaphore, #tpu.memory_space<semaphore_mem>>) src(%dma_wait3A_193 : memref<64x128xf32, #tpu.memory_space<hbm>>) dst(%arg7 : memref<64x128xf32, #tpu.memory_space<vmem>>)
      %scan3A_194 = arith.constant 0 : i32
      %scan3A_195 = arith.constant 16 : i32
      %scan3A_196 = arith.addi %scan3A_194, %scan3A_195 : i32
      %scan3A_197 = arith.constant 1 : i32
      %scan3A_198:16 = scf.for %scan3A_236 = %scan3A_194 to %scan3A_196 step %scan3A_197 iter_args(%scan3A_237 = %scan3A_169#0, %scan3A_238 = %scan3A_169#1, %scan3A_239 = %scan3A_169#2, %scan3A_240 = %scan3A_169#3, %scan3A_241 = %scan3A_169#4, %scan3A_242 = %scan3A_169#5, %scan3A_243 = %scan3A_169#6, %scan3A_244 = %scan3A_169#7, %scan3A_245 = %scan3A_169#8, %scan3A_246 = %scan3A_169#9, %scan3A_247 = %scan3A_169#10, %scan3A_248 = %scan3A_169#11, %scan3A_249 = %scan3A_169#12, %scan3A_250 = %scan3A_169#13, %scan3A_251 = %scan3A_169#14, %scan3A_252 = %scan3A_169#15) -> (vector<16xf32>, vector<16xf32>, vector<16xf32>, vector<16xf32>, vector<16xf32>, vector<16xf32>, vector<16xf32>, vector<16xf32>, vector<16xi32>, vector<16xi32>, vector<16xi32>, vector<16xi32>, vector<16xi32>, vector<16xi32>, vector<16xi32>, vector<16xi32>)  : i32 {
        %mul3A_253 = arith.constant 4 : i32
        %mul3A_254 = arith.muli %scan3A_236, %mul3A_253 : i32
        %add3A_255 = arith.constant 0 : i32
        %add3A_256 = arith.addi %mul3A_254, %add3A_255 : i32
        %add3A_257 = arith.addi %min3A_3, %min3A_185 : i32
        %add3A_258 = arith.addi %add3A_257, %add3A_256 : i32
        %get3A = arith.index_cast %add3A_256 : i32 to index
        %get3A_259 = arith.constant 0 : index
        %get3A_260 = tpu.vector_load %arg7[%get3A, %get3A_259] {strides = array<i32>} : memref<64x128xf32, #tpu.memory_space<vmem>>, vector<16xf32>,
        %gt3A = arith.cmpf ogt, %get3A_260, %scan3A_237 : vector<16xf32>
        %max3A = arith.maximumf %scan3A_237, %get3A_260 : vector<16xf32>
        %broadcast_in_dim3A_261 = vector.broadcast %add3A_258 : i32 to vector<16xi32>
        %select_n3A = arith.select %gt3A, %broadcast_in_dim3A_261, %scan3A_245 : vector<16xi1>, vector<16xi32>
        %get3A_262 = arith.index_cast %add3A_256 : i32 to index
        %get3A_263 = arith.constant 16 : index
        %get3A_264 = tpu.vector_load %arg7[%get3A_262, %get3A_263] {strides = array<i32>} : memref<64x128xf32, #tpu.memory_space<vmem>>, vector<16xf32>,
        %gt3A_265 = arith.cmpf ogt, %get3A_264, %scan3A_238 : vector<16xf32>
        %max3A_266 = arith.maximumf %scan3A_238, %get3A_264 : vector<16xf32>
        %broadcast_in_dim3A_267 = vector.broadcast %add3A_258 : i32 to vector<16xi32>
        %select_n3A_268 = arith.select %gt3A_265, %broadcast_in_dim3A_267, %scan3A_246 : vector<16xi1>, vector<16xi32>
        %get3A_269 = arith.index_cast %add3A_256 : i32 to index
        %get3A_270 = arith.constant 32 : index
        %get3A_271 = tpu.vector_load %arg7[%get3A_269, %get3A_270] {strides = array<i32>} : memref<64x128xf32, #tpu.memory_space<vmem>>, vector<16xf32>,
        %gt3A_272 = arith.cmpf ogt, %get3A_271, %scan3A_239 : vector<16xf32>
        %max3A_273 = arith.maximumf %scan3A_239, %get3A_271 : vector<16xf32>
        %broadcast_in_dim3A_274 = vector.broadcast %add3A_258 : i32 to vector<16xi32>
        %select_n3A_275 = arith.select %gt3A_272, %broadcast_in_dim3A_274, %scan3A_247 : vector<16xi1>, vector<16xi32>
        %get3A_276 = arith.index_cast %add3A_256 : i32 to index
        %get3A_277 = arith.constant 48 : index
        %get3A_278 = tpu.vector_load %arg7[%get3A_276, %get3A_277] {strides = array<i32>} : memref<64x128xf32, #tpu.memory_space<vmem>>, vector<16xf32>,
        %gt3A_279 = arith.cmpf ogt, %get3A_278, %scan3A_240 : vector<16xf32>
        %max3A_280 = arith.maximumf %scan3A_240, %get3A_278 : vector<16xf32>
        %broadcast_in_dim3A_281 = vector.broadcast %add3A_258 : i32 to vector<16xi32>
        %select_n3A_282 = arith.select %gt3A_279, %broadcast_in_dim3A_281, %scan3A_248 : vector<16xi1>, vector<16xi32>
        %get3A_283 = arith.index_cast %add3A_256 : i32 to index
        %get3A_284 = arith.constant 64 : index
        %get3A_285 = tpu.vector_load %arg7[%get3A_283, %get3A_284] {strides = array<i32>} : memref<64x128xf32, #tpu.memory_space<vmem>>, vector<16xf32>,
        %gt3A_286 = arith.cmpf ogt, %get3A_285, %scan3A_241 : vector<16xf32>
        %max3A_287 = arith.maximumf %scan3A_241, %get3A_285 : vector<16xf32>
        %broadcast_in_dim3A_288 = vector.broadcast %add3A_258 : i32 to vector<16xi32>
        %select_n3A_289 = arith.select %gt3A_286, %broadcast_in_dim3A_288, %scan3A_249 : vector<16xi1>, vector<16xi32>
        %get3A_290 = arith.index_cast %add3A_256 : i32 to index
        %get3A_291 = arith.constant 80 : index
        %get3A_292 = tpu.vector_load %arg7[%get3A_290, %get3A_291] {strides = array<i32>} : memref<64x128xf32, #tpu.memory_space<vmem>>, vector<16xf32>,
        %gt3A_293 = arith.cmpf ogt, %get3A_292, %scan3A_242 : vector<16xf32>
        %max3A_294 = arith.maximumf %scan3A_242, %get3A_292 : vector<16xf32>
        %broadcast_in_dim3A_295 = vector.broadcast %add3A_258 : i32 to vector<16xi32>
        %select_n3A_296 = arith.select %gt3A_293, %broadcast_in_dim3A_295, %scan3A_250 : vector<16xi1>, vector<16xi32>
        %get3A_297 = arith.index_cast %add3A_256 : i32 to index
        %get3A_298 = arith.constant 96 : index
        %get3A_299 = tpu.vector_load %arg7[%get3A_297, %get3A_298] {strides = array<i32>} : memref<64x128xf32, #tpu.memory_space<vmem>>, vector<16xf32>,
        %gt3A_300 = arith.cmpf ogt, %get3A_299, %scan3A_243 : vector<16xf32>
        %max3A_301 = arith.maximumf %scan3A_243, %get3A_299 : vector<16xf32>
        %broadcast_in_dim3A_302 = vector.broadcast %add3A_258 : i32 to vector<16xi32>
        %select_n3A_303 = arith.select %gt3A_300, %broadcast_in_dim3A_302, %scan3A_251 : vector<16xi1>, vector<16xi32>
        %get3A_304 = arith.index_cast %add3A_256 : i32 to index
        %get3A_305 = arith.constant 112 : index
        %get3A_306 = tpu.vector_load %arg7[%get3A_304, %get3A_305] {strides = array<i32>} : memref<64x128xf32, #tpu.memory_space<vmem>>, vector<16xf32>,
        %gt3A_307 = arith.cmpf ogt, %get3A_306, %scan3A_244 : vector<16xf32>
        %max3A_308 = arith.maximumf %scan3A_244, %get3A_306 : vector<16xf32>
        %broadcast_in_dim3A_309 = vector.broadcast %add3A_258 : i32 to vector<16xi32>
        %select_n3A_310 = arith.select %gt3A_307, %broadcast_in_dim3A_309, %scan3A_252 : vector<16xi1>, vector<16xi32>
        %mul3A_311 = arith.constant 4 : i32
        %mul3A_312 = arith.muli %scan3A_236, %mul3A_311 : i32
        %add3A_313 = arith.constant 1 : i32
        %add3A_314 = arith.addi %mul3A_312, %add3A_313 : i32
        %add3A_315 = arith.addi %min3A_3, %min3A_185 : i32
        %add3A_316 = arith.addi %add3A_315, %add3A_314 : i32
        %get3A_317 = arith.index_cast %add3A_314 : i32 to index
        %get3A_318 = arith.constant 0 : index
        %get3A_319 = tpu.vector_load %arg7[%get3A_317, %get3A_318] {strides = array<i32>} : memref<64x128xf32, #tpu.memory_space<vmem>>, vector<16xf32>,
        %gt3A_320 = arith.cmpf ogt, %get3A_319, %max3A : vector<16xf32>
        %max3A_321 = arith.maximumf %max3A, %get3A_319 : vector<16xf32>
        %broadcast_in_dim3A_322 = vector.broadcast %add3A_316 : i32 to vector<16xi32>
        %select_n3A_323 = arith.select %gt3A_320, %broadcast_in_dim3A_322, %select_n3A : vector<16xi1>, vector<16xi32>
        %get3A_324 = arith.index_cast %add3A_314 : i32 to index
        %get3A_325 = arith.constant 16 : index
        %get3A_326 = tpu.vector_load %arg7[%get3A_324, %get3A_325] {strides = array<i32>} : memref<64x128xf32, #tpu.memory_space<vmem>>, vector<16xf32>,
        %gt3A_327 = arith.cmpf ogt, %get3A_326, %max3A_266 : vector<16xf32>
        %max3A_328 = arith.maximumf %max3A_266, %get3A_326 : vector<16xf32>
        %broadcast_in_dim3A_329 = vector.broadcast %add3A_316 : i32 to vector<16xi32>
        %select_n3A_330 = arith.select %gt3A_327, %broadcast_in_dim3A_329, %select_n3A_268 : vector<16xi1>, vector<16xi32>
        %get3A_331 = arith.index_cast %add3A_314 : i32 to index
        %get3A_332 = arith.constant 32 : index
        %get3A_333 = tpu.vector_load %arg7[%get3A_331, %get3A_332] {strides = array<i32>} : memref<64x128xf32, #tpu.memory_space<vmem>>, vector<16xf32>,
        %gt3A_334 = arith.cmpf ogt, %get3A_333, %max3A_273 : vector<16xf32>
        %max3A_335 = arith.maximumf %max3A_273, %get3A_333 : vector<16xf32>
        %broadcast_in_dim3A_336 = vector.broadcast %add3A_316 : i32 to vector<16xi32>
        %select_n3A_337 = arith.select %gt3A_334, %broadcast_in_dim3A_336, %select_n3A_275 : vector<16xi1>, vector<16xi32>
        %get3A_338 = arith.index_cast %add3A_314 : i32 to index
        %get3A_339 = arith.constant 48 : index
        %get3A_340 = tpu.vector_load %arg7[%get3A_338, %get3A_339] {strides = array<i32>} : memref<64x128xf32, #tpu.memory_space<vmem>>, vector<16xf32>,
        %gt3A_341 = arith.cmpf ogt, %get3A_340, %max3A_280 : vector<16xf32>
        %max3A_342 = arith.maximumf %max3A_280, %get3A_340 : vector<16xf32>
        %broadcast_in_dim3A_343 = vector.broadcast %add3A_316 : i32 to vector<16xi32>
        %select_n3A_344 = arith.select %gt3A_341, %broadcast_in_dim3A_343, %select_n3A_282 : vector<16xi1>, vector<16xi32>
        %get3A_345 = arith.index_cast %add3A_314 : i32 to index
        %get3A_346 = arith.constant 64 : index
        %get3A_347 = tpu.vector_load %arg7[%get3A_345, %get3A_346] {strides = array<i32>} : memref<64x128xf32, #tpu.memory_space<vmem>>, vector<16xf32>,
        %gt3A_348 = arith.cmpf ogt, %get3A_347, %max3A_287 : vector<16xf32>
        %max3A_349 = arith.maximumf %max3A_287, %get3A_347 : vector<16xf32>
        %broadcast_in_dim3A_350 = vector.broadcast %add3A_316 : i32 to vector<16xi32>
        %select_n3A_351 = arith.select %gt3A_348, %broadcast_in_dim3A_350, %select_n3A_289 : vector<16xi1>, vector<16xi32>
        %get3A_352 = arith.index_cast %add3A_314 : i32 to index
        %get3A_353 = arith.constant 80 : index
        %get3A_354 = tpu.vector_load %arg7[%get3A_352, %get3A_353] {strides = array<i32>} : memref<64x128xf32, #tpu.memory_space<vmem>>, vector<16xf32>,
        %gt3A_355 = arith.cmpf ogt, %get3A_354, %max3A_294 : vector<16xf32>
        %max3A_356 = arith.maximumf %max3A_294, %get3A_354 : vector<16xf32>
        %broadcast_in_dim3A_357 = vector.broadcast %add3A_316 : i32 to vector<16xi32>
        %select_n3A_358 = arith.select %gt3A_355, %broadcast_in_dim3A_357, %select_n3A_296 : vector<16xi1>, vector<16xi32>
        %get3A_359 = arith.index_cast %add3A_314 : i32 to index
        %get3A_360 = arith.constant 96 : index
        %get3A_361 = tpu.vector_load %arg7[%get3A_359, %get3A_360] {strides = array<i32>} : memref<64x128xf32, #tpu.memory_space<vmem>>, vector<16xf32>,
        %gt3A_362 = arith.cmpf ogt, %get3A_361, %max3A_301 : vector<16xf32>
        %max3A_363 = arith.maximumf %max3A_301, %get3A_361 : vector<16xf32>
        %broadcast_in_dim3A_364 = vector.broadcast %add3A_316 : i32 to vector<16xi32>
        %select_n3A_365 = arith.select %gt3A_362, %broadcast_in_dim3A_364, %select_n3A_303 : vector<16xi1>, vector<16xi32>
        %get3A_366 = arith.index_cast %add3A_314 : i32 to index
        %get3A_367 = arith.constant 112 : index
        %get3A_368 = tpu.vector_load %arg7[%get3A_366, %get3A_367] {strides = array<i32>} : memref<64x128xf32, #tpu.memory_space<vmem>>, vector<16xf32>,
        %gt3A_369 = arith.cmpf ogt, %get3A_368, %max3A_308 : vector<16xf32>
        %max3A_370 = arith.maximumf %max3A_308, %get3A_368 : vector<16xf32>
        %broadcast_in_dim3A_371 = vector.broadcast %add3A_316 : i32 to vector<16xi32>
        %select_n3A_372 = arith.select %gt3A_369, %broadcast_in_dim3A_371, %select_n3A_310 : vector<16xi1>, vector<16xi32>
        %mul3A_373 = arith.constant 4 : i32
        %mul3A_374 = arith.muli %scan3A_236, %mul3A_373 : i32
        %add3A_375 = arith.constant 2 : i32
        %add3A_376 = arith.addi %mul3A_374, %add3A_375 : i32
        %add3A_377 = arith.addi %min3A_3, %min3A_185 : i32
        %add3A_378 = arith.addi %add3A_377, %add3A_376 : i32
        %get3A_379 = arith.index_cast %add3A_376 : i32 to index
        %get3A_380 = arith.constant 0 : index
        %get3A_381 = tpu.vector_load %arg7[%get3A_379, %get3A_380] {strides = array<i32>} : memref<64x128xf32, #tpu.memory_space<vmem>>, vector<16xf32>,
        %gt3A_382 = arith.cmpf ogt, %get3A_381, %max3A_321 : vector<16xf32>
        %max3A_383 = arith.maximumf %max3A_321, %get3A_381 : vector<16xf32>
        %broadcast_in_dim3A_384 = vector.broadcast %add3A_378 : i32 to vector<16xi32>
        %select_n3A_385 = arith.select %gt3A_382, %broadcast_in_dim3A_384, %select_n3A_323 : vector<16xi1>, vector<16xi32>
        %get3A_386 = arith.index_cast %add3A_376 : i32 to index
        %get3A_387 = arith.constant 16 : index
        %get3A_388 = tpu.vector_load %arg7[%get3A_386, %get3A_387] {strides = array<i32>} : memref<64x128xf32, #tpu.memory_space<vmem>>, vector<16xf32>,
        %gt3A_389 = arith.cmpf ogt, %get3A_388, %max3A_328 : vector<16xf32>
        %max3A_390 = arith.maximumf %max3A_328, %get3A_388 : vector<16xf32>
        %broadcast_in_dim3A_391 = vector.broadcast %add3A_378 : i32 to vector<16xi32>
        %select_n3A_392 = arith.select %gt3A_389, %broadcast_in_dim3A_391, %select_n3A_330 : vector<16xi1>, vector<16xi32>
        %get3A_393 = arith.index_cast %add3A_376 : i32 to index
        %get3A_394 = arith.constant 32 : index
        %get3A_395 = tpu.vector_load %arg7[%get3A_393, %get3A_394] {strides = array<i32>} : memref<64x128xf32, #tpu.memory_space<vmem>>, vector<16xf32>,
        %gt3A_396 = arith.cmpf ogt, %get3A_395, %max3A_335 : vector<16xf32>
        %max3A_397 = arith.maximumf %max3A_335, %get3A_395 : vector<16xf32>
        %broadcast_in_dim3A_398 = vector.broadcast %add3A_378 : i32 to vector<16xi32>
        %select_n3A_399 = arith.select %gt3A_396, %broadcast_in_dim3A_398, %select_n3A_337 : vector<16xi1>, vector<16xi32>
        %get3A_400 = arith.index_cast %add3A_376 : i32 to index
        %get3A_401 = arith.constant 48 : index
        %get3A_402 = tpu.vector_load %arg7[%get3A_400, %get3A_401] {strides = array<i32>} : memref<64x128xf32, #tpu.memory_space<vmem>>, vector<16xf32>,
        %gt3A_403 = arith.cmpf ogt, %get3A_402, %max3A_342 : vector<16xf32>
        %max3A_404 = arith.maximumf %max3A_342, %get3A_402 : vector<16xf32>
        %broadcast_in_dim3A_405 = vector.broadcast %add3A_378 : i32 to vector<16xi32>
        %select_n3A_406 = arith.select %gt3A_403, %broadcast_in_dim3A_405, %select_n3A_344 : vector<16xi1>, vector<16xi32>
        %get3A_407 = arith.index_cast %add3A_376 : i32 to index
        %get3A_408 = arith.constant 64 : index
        %get3A_409 = tpu.vector_load %arg7[%get3A_407, %get3A_408] {strides = array<i32>} : memref<64x128xf32, #tpu.memory_space<vmem>>, vector<16xf32>,
        %gt3A_410 = arith.cmpf ogt, %get3A_409, %max3A_349 : vector<16xf32>
        %max3A_411 = arith.maximumf %max3A_349, %get3A_409 : vector<16xf32>
        %broadcast_in_dim3A_412 = vector.broadcast %add3A_378 : i32 to vector<16xi32>
        %select_n3A_413 = arith.select %gt3A_410, %broadcast_in_dim3A_412, %select_n3A_351 : vector<16xi1>, vector<16xi32>
        %get3A_414 = arith.index_cast %add3A_376 : i32 to index
        %get3A_415 = arith.constant 80 : index
        %get3A_416 = tpu.vector_load %arg7[%get3A_414, %get3A_415] {strides = array<i32>} : memref<64x128xf32, #tpu.memory_space<vmem>>, vector<16xf32>,
        %gt3A_417 = arith.cmpf ogt, %get3A_416, %max3A_356 : vector<16xf32>
        %max3A_418 = arith.maximumf %max3A_356, %get3A_416 : vector<16xf32>
        %broadcast_in_dim3A_419 = vector.broadcast %add3A_378 : i32 to vector<16xi32>
        %select_n3A_420 = arith.select %gt3A_417, %broadcast_in_dim3A_419, %select_n3A_358 : vector<16xi1>, vector<16xi32>
        %get3A_421 = arith.index_cast %add3A_376 : i32 to index
        %get3A_422 = arith.constant 96 : index
        %get3A_423 = tpu.vector_load %arg7[%get3A_421, %get3A_422] {strides = array<i32>} : memref<64x128xf32, #tpu.memory_space<vmem>>, vector<16xf32>,
        %gt3A_424 = arith.cmpf ogt, %get3A_423, %max3A_363 : vector<16xf32>
        %max3A_425 = arith.maximumf %max3A_363, %get3A_423 : vector<16xf32>
        %broadcast_in_dim3A_426 = vector.broadcast %add3A_378 : i32 to vector<16xi32>
        %select_n3A_427 = arith.select %gt3A_424, %broadcast_in_dim3A_426, %select_n3A_365 : vector<16xi1>, vector<16xi32>
        %get3A_428 = arith.index_cast %add3A_376 : i32 to index
        %get3A_429 = arith.constant 112 : index
        %get3A_430 = tpu.vector_load %arg7[%get3A_428, %get3A_429] {strides = array<i32>} : memref<64x128xf32, #tpu.memory_space<vmem>>, vector<16xf32>,
        %gt3A_431 = arith.cmpf ogt, %get3A_430, %max3A_370 : vector<16xf32>
        %max3A_432 = arith.maximumf %max3A_370, %get3A_430 : vector<16xf32>
        %broadcast_in_dim3A_433 = vector.broadcast %add3A_378 : i32 to vector<16xi32>
        %select_n3A_434 = arith.select %gt3A_431, %broadcast_in_dim3A_433, %select_n3A_372 : vector<16xi1>, vector<16xi32>
        %mul3A_435 = arith.constant 4 : i32
        %mul3A_436 = arith.muli %scan3A_236, %mul3A_435 : i32
        %add3A_437 = arith.constant 3 : i32
        %add3A_438 = arith.addi %mul3A_436, %add3A_437 : i32
        %add3A_439 = arith.addi %min3A_3, %min3A_185 : i32
        %add3A_440 = arith.addi %add3A_439, %add3A_438 : i32
        %get3A_441 = arith.index_cast %add3A_438 : i32 to index
        %get3A_442 = arith.constant 0 : index
        %get3A_443 = tpu.vector_load %arg7[%get3A_441, %get3A_442] {strides = array<i32>} : memref<64x128xf32, #tpu.memory_space<vmem>>, vector<16xf32>,
        %gt3A_444 = arith.cmpf ogt, %get3A_443, %max3A_383 : vector<16xf32>
        %max3A_445 = arith.maximumf %max3A_383, %get3A_443 : vector<16xf32>
        %broadcast_in_dim3A_446 = vector.broadcast %add3A_440 : i32 to vector<16xi32>
        %select_n3A_447 = arith.select %gt3A_444, %broadcast_in_dim3A_446, %select_n3A_385 : vector<16xi1>, vector<16xi32>
        %get3A_448 = arith.index_cast %add3A_438 : i32 to index
        %get3A_449 = arith.constant 16 : index
        %get3A_450 = tpu.vector_load %arg7[%get3A_448, %get3A_449] {strides = array<i32>} : memref<64x128xf32, #tpu.memory_space<vmem>>, vector<16xf32>,
        %gt3A_451 = arith.cmpf ogt, %get3A_450, %max3A_390 : vector<16xf32>
        %max3A_452 = arith.maximumf %max3A_390, %get3A_450 : vector<16xf32>
        %broadcast_in_dim3A_453 = vector.broadcast %add3A_440 : i32 to vector<16xi32>
        %select_n3A_454 = arith.select %gt3A_451, %broadcast_in_dim3A_453, %select_n3A_392 : vector<16xi1>, vector<16xi32>
        %get3A_455 = arith.index_cast %add3A_438 : i32 to index
        %get3A_456 = arith.constant 32 : index
        %get3A_457 = tpu.vector_load %arg7[%get3A_455, %get3A_456] {strides = array<i32>} : memref<64x128xf32, #tpu.memory_space<vmem>>, vector<16xf32>,
        %gt3A_458 = arith.cmpf ogt, %get3A_457, %max3A_397 : vector<16xf32>
        %max3A_459 = arith.maximumf %max3A_397, %get3A_457 : vector<16xf32>
        %broadcast_in_dim3A_460 = vector.broadcast %add3A_440 : i32 to vector<16xi32>
        %select_n3A_461 = arith.select %gt3A_458, %broadcast_in_dim3A_460, %select_n3A_399 : vector<16xi1>, vector<16xi32>
        %get3A_462 = arith.index_cast %add3A_438 : i32 to index
        %get3A_463 = arith.constant 48 : index
        %get3A_464 = tpu.vector_load %arg7[%get3A_462, %get3A_463] {strides = array<i32>} : memref<64x128xf32, #tpu.memory_space<vmem>>, vector<16xf32>,
        %gt3A_465 = arith.cmpf ogt, %get3A_464, %max3A_404 : vector<16xf32>
        %max3A_466 = arith.maximumf %max3A_404, %get3A_464 : vector<16xf32>
        %broadcast_in_dim3A_467 = vector.broadcast %add3A_440 : i32 to vector<16xi32>
        %select_n3A_468 = arith.select %gt3A_465, %broadcast_in_dim3A_467, %select_n3A_406 : vector<16xi1>, vector<16xi32>
        %get3A_469 = arith.index_cast %add3A_438 : i32 to index
        %get3A_470 = arith.constant 64 : index
        %get3A_471 = tpu.vector_load %arg7[%get3A_469, %get3A_470] {strides = array<i32>} : memref<64x128xf32, #tpu.memory_space<vmem>>, vector<16xf32>,
        %gt3A_472 = arith.cmpf ogt, %get3A_471, %max3A_411 : vector<16xf32>
        %max3A_473 = arith.maximumf %max3A_411, %get3A_471 : vector<16xf32>
        %broadcast_in_dim3A_474 = vector.broadcast %add3A_440 : i32 to vector<16xi32>
        %select_n3A_475 = arith.select %gt3A_472, %broadcast_in_dim3A_474, %select_n3A_413 : vector<16xi1>, vector<16xi32>
        %get3A_476 = arith.index_cast %add3A_438 : i32 to index
        %get3A_477 = arith.constant 80 : index
        %get3A_478 = tpu.vector_load %arg7[%get3A_476, %get3A_477] {strides = array<i32>} : memref<64x128xf32, #tpu.memory_space<vmem>>, vector<16xf32>,
        %gt3A_479 = arith.cmpf ogt, %get3A_478, %max3A_418 : vector<16xf32>
        %max3A_480 = arith.maximumf %max3A_418, %get3A_478 : vector<16xf32>
        %broadcast_in_dim3A_481 = vector.broadcast %add3A_440 : i32 to vector<16xi32>
        %select_n3A_482 = arith.select %gt3A_479, %broadcast_in_dim3A_481, %select_n3A_420 : vector<16xi1>, vector<16xi32>
        %get3A_483 = arith.index_cast %add3A_438 : i32 to index
        %get3A_484 = arith.constant 96 : index
        %get3A_485 = tpu.vector_load %arg7[%get3A_483, %get3A_484] {strides = array<i32>} : memref<64x128xf32, #tpu.memory_space<vmem>>, vector<16xf32>,
        %gt3A_486 = arith.cmpf ogt, %get3A_485, %max3A_425 : vector<16xf32>
        %max3A_487 = arith.maximumf %max3A_425, %get3A_485 : vector<16xf32>
        %broadcast_in_dim3A_488 = vector.broadcast %add3A_440 : i32 to vector<16xi32>
        %select_n3A_489 = arith.select %gt3A_486, %broadcast_in_dim3A_488, %select_n3A_427 : vector<16xi1>, vector<16xi32>
        %get3A_490 = arith.index_cast %add3A_438 : i32 to index
        %get3A_491 = arith.constant 112 : index
        %get3A_492 = tpu.vector_load %arg7[%get3A_490, %get3A_491] {strides = array<i32>} : memref<64x128xf32, #tpu.memory_space<vmem>>, vector<16xf32>,
        %gt3A_493 = arith.cmpf ogt, %get3A_492, %max3A_432 : vector<16xf32>
        %max3A_494 = arith.maximumf %max3A_432, %get3A_492 : vector<16xf32>
        %broadcast_in_dim3A_495 = vector.broadcast %add3A_440 : i32 to vector<16xi32>
        %select_n3A_496 = arith.select %gt3A_493, %broadcast_in_dim3A_495, %select_n3A_434 : vector<16xi1>, vector<16xi32>
        scf.yield %max3A_445, %max3A_452, %max3A_459, %max3A_466, %max3A_473, %max3A_480, %max3A_487, %max3A_494, %select_n3A_447, %select_n3A_454, %select_n3A_461, %select_n3A_468, %select_n3A_475, %select_n3A_482, %select_n3A_489, %select_n3A_496 : vector<16xf32>, vector<16xf32>, vector<16xf32>, vector<16xf32>, vector<16xf32>, vector<16xf32>, vector<16xf32>, vector<16xf32>, vector<16xi32>, vector<16xi32>, vector<16xi32>, vector<16xi32>, vector<16xi32>, vector<16xi32>, vector<16xi32>, vector<16xi32>
      }
      %scan3A_199 = arith.constant 16 : i32
      %add3A_200 = arith.constant 4 : i32
      %add3A_201 = arith.addi %add3A_181, %add3A_200 : i32
      %lt3A_202 = arith.constant 49 : i32
      %lt3A_203 = arith.cmpi slt, %add3A_201, %lt3A_202 : i32
      %convert_element_type3A_204 = arith.extui %lt3A_203 : i1 to i32
      %cond3A_205 = arith.constant 0 : i32
      %cond3A_206 = arith.cmpi ne, %convert_element_type3A_204, %cond3A_205 : i32
      scf.if %cond3A_206 {
        %add3A_236 = arith.constant 4 : i32
        %add3A_237 = arith.addi %add3A_181, %add3A_236 : i32
        %mul3A_238 = arith.constant 64 : i32
        %mul3A_239 = arith.muli %add3A_237, %mul3A_238 : i32
        %min3A_240 = arith.constant 3064 : i32
        %min3A_241 = arith.minsi %mul3A_239, %min3A_240 : i32
        %add3A_242 = arith.addi %min3A_3, %min3A_241 : i32
        %dma_start3A_243 = arith.constant 2 : i32
        %dma_start3A_244 = arith.constant 0 : i32
        %dma_start3A_245 = tpu.memref_slice %arg2[%add3A_242, %dma_start3A_244] : memref<100000x128xf32, #tpu.memory_space<hbm>> -> memref<64x128xf32, #tpu.memory_space<hbm>>
        %dma_start3A_246 = tpu.memref_slice %arg11[%dma_start3A_243] : memref<4x!tpu.dma_semaphore, #tpu.memory_space<semaphore_mem>> -> memref<1x!tpu.dma_semaphore, #tpu.memory_space<semaphore_mem>>
        %dma_start3A_247 = tpu.memref_squeeze %dma_start3A_246 : memref<1x!tpu.dma_semaphore, #tpu.memory_space<semaphore_mem>> -> memref<!tpu.dma_semaphore, #tpu.memory_space<semaphore_mem>>
        %dma_start3A_248 = arith.constant 0 : i32
        %dma_start3A_249 = tpu.memref_slice %arg2[%add3A_242, %dma_start3A_248] : memref<100000x128xf32, #tpu.memory_space<hbm>> -> memref<64x128xf32, #tpu.memory_space<hbm>>
        tpu.enqueue_dma source(%dma_start3A_249 : memref<64x128xf32, #tpu.memory_space<hbm>>) target(%arg7 : memref<64x128xf32, #tpu.memory_space<vmem>>) target_semaphore(%dma_start3A_247 : memref<!tpu.dma_semaphore, #tpu.memory_space<semaphore_mem>>)
      } else {
      }
      %mul3A_207 = arith.constant 4 : i32
      %mul3A_208 = arith.muli %scan3A_106, %mul3A_207 : i32
      %add3A_209 = arith.constant 3 : i32
      %add3A_210 = arith.addi %mul3A_208, %add3A_209 : i32
      %mul3A_211 = arith.constant 64 : i32
      %mul3A_212 = arith.muli %add3A_210, %mul3A_211 : i32
      %min3A_213 = arith.constant 3064 : i32
      %min3A_214 = arith.minsi %mul3A_212, %min3A_213 : i32
      %add3A_215 = arith.addi %min3A_3, %min3A_214 : i32
      %dma_wait3A_216 = arith.constant 3 : i32
      %dma_wait3A_217 = arith.constant 0 : i32
      %dma_wait3A_218 = tpu.memref_slice %arg2[%add3A_215, %dma_wait3A_217] : memref<100000x128xf32, #tpu.memory_space<hbm>> -> memref<64x128xf32, #tpu.memory_space<hbm>>
      %dma_wait3A_219 = tpu.memref_slice %arg11[%dma_wait3A_216] : memref<4x!tpu.dma_semaphore, #tpu.memory_space<semaphore_mem>> -> memref<1x!tpu.dma_semaphore, #tpu.memory_space<semaphore_mem>>
      %dma_wait3A_220 = tpu.memref_squeeze %dma_wait3A_219 : memref<1x!tpu.dma_semaphore, #tpu.memory_space<semaphore_mem>> -> memref<!tpu.dma_semaphore, #tpu.memory_space<semaphore_mem>>
      %dma_wait3A_221 = arith.constant 0 : i32
      %dma_wait3A_222 = tpu.memref_slice %arg2[%add3A_215, %dma_wait3A_221] : memref<100000x128xf32, #tpu.memory_space<hbm>> -> memref<64x128xf32, #tpu.memory_space<hbm>>
      tpu.wait_dma2 semaphore(%dma_wait3A_220 : memref<!tpu.dma_semaphore, #tpu.memory_space<semaphore_mem>>) src(%dma_wait3A_222 : memref<64x128xf32, #tpu.memory_space<hbm>>) dst(%arg8 : memref<64x128xf32, #tpu.memory_space<vmem>>)
      %scan3A_223 = arith.constant 0 : i32
      %scan3A_224 = arith.constant 16 : i32
      %scan3A_225 = arith.addi %scan3A_223, %scan3A_224 : i32
      %scan3A_226 = arith.constant 1 : i32
      %scan3A_227:16 = scf.for %scan3A_236 = %scan3A_223 to %scan3A_225 step %scan3A_226 iter_args(%scan3A_237 = %scan3A_198#0, %scan3A_238 = %scan3A_198#1, %scan3A_239 = %scan3A_198#2, %scan3A_240 = %scan3A_198#3, %scan3A_241 = %scan3A_198#4, %scan3A_242 = %scan3A_198#5, %scan3A_243 = %scan3A_198#6, %scan3A_244 = %scan3A_198#7, %scan3A_245 = %scan3A_198#8, %scan3A_246 = %scan3A_198#9, %scan3A_247 = %scan3A_198#10, %scan3A_248 = %scan3A_198#11, %scan3A_249 = %scan3A_198#12, %scan3A_250 = %scan3A_198#13, %scan3A_251 = %scan3A_198#14, %scan3A_252 = %scan3A_198#15) -> (vector<16xf32>, vector<16xf32>, vector<16xf32>, vector<16xf32>, vector<16xf32>, vector<16xf32>, vector<16xf32>, vector<16xf32>, vector<16xi32>, vector<16xi32>, vector<16xi32>, vector<16xi32>, vector<16xi32>, vector<16xi32>, vector<16xi32>, vector<16xi32>)  : i32 {
        %mul3A_253 = arith.constant 4 : i32
        %mul3A_254 = arith.muli %scan3A_236, %mul3A_253 : i32
        %add3A_255 = arith.constant 0 : i32
        %add3A_256 = arith.addi %mul3A_254, %add3A_255 : i32
        %add3A_257 = arith.addi %min3A_3, %min3A_214 : i32
        %add3A_258 = arith.addi %add3A_257, %add3A_256 : i32
        %get3A = arith.index_cast %add3A_256 : i32 to index
        %get3A_259 = arith.constant 0 : index
        %get3A_260 = tpu.vector_load %arg8[%get3A, %get3A_259] {strides = array<i32>} : memref<64x128xf32, #tpu.memory_space<vmem>>, vector<16xf32>,
        %gt3A = arith.cmpf ogt, %get3A_260, %scan3A_237 : vector<16xf32>
        %max3A = arith.maximumf %scan3A_237, %get3A_260 : vector<16xf32>
        %broadcast_in_dim3A_261 = vector.broadcast %add3A_258 : i32 to vector<16xi32>
        %select_n3A = arith.select %gt3A, %broadcast_in_dim3A_261, %scan3A_245 : vector<16xi1>, vector<16xi32>
        %get3A_262 = arith.index_cast %add3A_256 : i32 to index
        %get3A_263 = arith.constant 16 : index
        %get3A_264 = tpu.vector_load %arg8[%get3A_262, %get3A_263] {strides = array<i32>} : memref<64x128xf32, #tpu.memory_space<vmem>>, vector<16xf32>,
        %gt3A_265 = arith.cmpf ogt, %get3A_264, %scan3A_238 : vector<16xf32>
        %max3A_266 = arith.maximumf %scan3A_238, %get3A_264 : vector<16xf32>
        %broadcast_in_dim3A_267 = vector.broadcast %add3A_258 : i32 to vector<16xi32>
        %select_n3A_268 = arith.select %gt3A_265, %broadcast_in_dim3A_267, %scan3A_246 : vector<16xi1>, vector<16xi32>
        %get3A_269 = arith.index_cast %add3A_256 : i32 to index
        %get3A_270 = arith.constant 32 : index
        %get3A_271 = tpu.vector_load %arg8[%get3A_269, %get3A_270] {strides = array<i32>} : memref<64x128xf32, #tpu.memory_space<vmem>>, vector<16xf32>,
        %gt3A_272 = arith.cmpf ogt, %get3A_271, %scan3A_239 : vector<16xf32>
        %max3A_273 = arith.maximumf %scan3A_239, %get3A_271 : vector<16xf32>
        %broadcast_in_dim3A_274 = vector.broadcast %add3A_258 : i32 to vector<16xi32>
        %select_n3A_275 = arith.select %gt3A_272, %broadcast_in_dim3A_274, %scan3A_247 : vector<16xi1>, vector<16xi32>
        %get3A_276 = arith.index_cast %add3A_256 : i32 to index
        %get3A_277 = arith.constant 48 : index
        %get3A_278 = tpu.vector_load %arg8[%get3A_276, %get3A_277] {strides = array<i32>} : memref<64x128xf32, #tpu.memory_space<vmem>>, vector<16xf32>,
        %gt3A_279 = arith.cmpf ogt, %get3A_278, %scan3A_240 : vector<16xf32>
        %max3A_280 = arith.maximumf %scan3A_240, %get3A_278 : vector<16xf32>
        %broadcast_in_dim3A_281 = vector.broadcast %add3A_258 : i32 to vector<16xi32>
        %select_n3A_282 = arith.select %gt3A_279, %broadcast_in_dim3A_281, %scan3A_248 : vector<16xi1>, vector<16xi32>
        %get3A_283 = arith.index_cast %add3A_256 : i32 to index
        %get3A_284 = arith.constant 64 : index
        %get3A_285 = tpu.vector_load %arg8[%get3A_283, %get3A_284] {strides = array<i32>} : memref<64x128xf32, #tpu.memory_space<vmem>>, vector<16xf32>,
        %gt3A_286 = arith.cmpf ogt, %get3A_285, %scan3A_241 : vector<16xf32>
        %max3A_287 = arith.maximumf %scan3A_241, %get3A_285 : vector<16xf32>
        %broadcast_in_dim3A_288 = vector.broadcast %add3A_258 : i32 to vector<16xi32>
        %select_n3A_289 = arith.select %gt3A_286, %broadcast_in_dim3A_288, %scan3A_249 : vector<16xi1>, vector<16xi32>
        %get3A_290 = arith.index_cast %add3A_256 : i32 to index
        %get3A_291 = arith.constant 80 : index
        %get3A_292 = tpu.vector_load %arg8[%get3A_290, %get3A_291] {strides = array<i32>} : memref<64x128xf32, #tpu.memory_space<vmem>>, vector<16xf32>,
        %gt3A_293 = arith.cmpf ogt, %get3A_292, %scan3A_242 : vector<16xf32>
        %max3A_294 = arith.maximumf %scan3A_242, %get3A_292 : vector<16xf32>
        %broadcast_in_dim3A_295 = vector.broadcast %add3A_258 : i32 to vector<16xi32>
        %select_n3A_296 = arith.select %gt3A_293, %broadcast_in_dim3A_295, %scan3A_250 : vector<16xi1>, vector<16xi32>
        %get3A_297 = arith.index_cast %add3A_256 : i32 to index
        %get3A_298 = arith.constant 96 : index
        %get3A_299 = tpu.vector_load %arg8[%get3A_297, %get3A_298] {strides = array<i32>} : memref<64x128xf32, #tpu.memory_space<vmem>>, vector<16xf32>,
        %gt3A_300 = arith.cmpf ogt, %get3A_299, %scan3A_243 : vector<16xf32>
        %max3A_301 = arith.maximumf %scan3A_243, %get3A_299 : vector<16xf32>
        %broadcast_in_dim3A_302 = vector.broadcast %add3A_258 : i32 to vector<16xi32>
        %select_n3A_303 = arith.select %gt3A_300, %broadcast_in_dim3A_302, %scan3A_251 : vector<16xi1>, vector<16xi32>
        %get3A_304 = arith.index_cast %add3A_256 : i32 to index
        %get3A_305 = arith.constant 112 : index
        %get3A_306 = tpu.vector_load %arg8[%get3A_304, %get3A_305] {strides = array<i32>} : memref<64x128xf32, #tpu.memory_space<vmem>>, vector<16xf32>,
        %gt3A_307 = arith.cmpf ogt, %get3A_306, %scan3A_244 : vector<16xf32>
        %max3A_308 = arith.maximumf %scan3A_244, %get3A_306 : vector<16xf32>
        %broadcast_in_dim3A_309 = vector.broadcast %add3A_258 : i32 to vector<16xi32>
        %select_n3A_310 = arith.select %gt3A_307, %broadcast_in_dim3A_309, %scan3A_252 : vector<16xi1>, vector<16xi32>
        %mul3A_311 = arith.constant 4 : i32
        %mul3A_312 = arith.muli %scan3A_236, %mul3A_311 : i32
        %add3A_313 = arith.constant 1 : i32
        %add3A_314 = arith.addi %mul3A_312, %add3A_313 : i32
        %add3A_315 = arith.addi %min3A_3, %min3A_214 : i32
        %add3A_316 = arith.addi %add3A_315, %add3A_314 : i32
        %get3A_317 = arith.index_cast %add3A_314 : i32 to index
        %get3A_318 = arith.constant 0 : index
        %get3A_319 = tpu.vector_load %arg8[%get3A_317, %get3A_318] {strides = array<i32>} : memref<64x128xf32, #tpu.memory_space<vmem>>, vector<16xf32>,
        %gt3A_320 = arith.cmpf ogt, %get3A_319, %max3A : vector<16xf32>
        %max3A_321 = arith.maximumf %max3A, %get3A_319 : vector<16xf32>
        %broadcast_in_dim3A_322 = vector.broadcast %add3A_316 : i32 to vector<16xi32>
        %select_n3A_323 = arith.select %gt3A_320, %broadcast_in_dim3A_322, %select_n3A : vector<16xi1>, vector<16xi32>
        %get3A_324 = arith.index_cast %add3A_314 : i32 to index
        %get3A_325 = arith.constant 16 : index
        %get3A_326 = tpu.vector_load %arg8[%get3A_324, %get3A_325] {strides = array<i32>} : memref<64x128xf32, #tpu.memory_space<vmem>>, vector<16xf32>,
        %gt3A_327 = arith.cmpf ogt, %get3A_326, %max3A_266 : vector<16xf32>
        %max3A_328 = arith.maximumf %max3A_266, %get3A_326 : vector<16xf32>
        %broadcast_in_dim3A_329 = vector.broadcast %add3A_316 : i32 to vector<16xi32>
        %select_n3A_330 = arith.select %gt3A_327, %broadcast_in_dim3A_329, %select_n3A_268 : vector<16xi1>, vector<16xi32>
        %get3A_331 = arith.index_cast %add3A_314 : i32 to index
        %get3A_332 = arith.constant 32 : index
        %get3A_333 = tpu.vector_load %arg8[%get3A_331, %get3A_332] {strides = array<i32>} : memref<64x128xf32, #tpu.memory_space<vmem>>, vector<16xf32>,
        %gt3A_334 = arith.cmpf ogt, %get3A_333, %max3A_273 : vector<16xf32>
        %max3A_335 = arith.maximumf %max3A_273, %get3A_333 : vector<16xf32>
        %broadcast_in_dim3A_336 = vector.broadcast %add3A_316 : i32 to vector<16xi32>
        %select_n3A_337 = arith.select %gt3A_334, %broadcast_in_dim3A_336, %select_n3A_275 : vector<16xi1>, vector<16xi32>
        %get3A_338 = arith.index_cast %add3A_314 : i32 to index
        %get3A_339 = arith.constant 48 : index
        %get3A_340 = tpu.vector_load %arg8[%get3A_338, %get3A_339] {strides = array<i32>} : memref<64x128xf32, #tpu.memory_space<vmem>>, vector<16xf32>,
        %gt3A_341 = arith.cmpf ogt, %get3A_340, %max3A_280 : vector<16xf32>
        %max3A_342 = arith.maximumf %max3A_280, %get3A_340 : vector<16xf32>
        %broadcast_in_dim3A_343 = vector.broadcast %add3A_316 : i32 to vector<16xi32>
        %select_n3A_344 = arith.select %gt3A_341, %broadcast_in_dim3A_343, %select_n3A_282 : vector<16xi1>, vector<16xi32>
        %get3A_345 = arith.index_cast %add3A_314 : i32 to index
        %get3A_346 = arith.constant 64 : index
        %get3A_347 = tpu.vector_load %arg8[%get3A_345, %get3A_346] {strides = array<i32>} : memref<64x128xf32, #tpu.memory_space<vmem>>, vector<16xf32>,
        %gt3A_348 = arith.cmpf ogt, %get3A_347, %max3A_287 : vector<16xf32>
        %max3A_349 = arith.maximumf %max3A_287, %get3A_347 : vector<16xf32>
        %broadcast_in_dim3A_350 = vector.broadcast %add3A_316 : i32 to vector<16xi32>
        %select_n3A_351 = arith.select %gt3A_348, %broadcast_in_dim3A_350, %select_n3A_289 : vector<16xi1>, vector<16xi32>
        %get3A_352 = arith.index_cast %add3A_314 : i32 to index
        %get3A_353 = arith.constant 80 : index
        %get3A_354 = tpu.vector_load %arg8[%get3A_352, %get3A_353] {strides = array<i32>} : memref<64x128xf32, #tpu.memory_space<vmem>>, vector<16xf32>,
        %gt3A_355 = arith.cmpf ogt, %get3A_354, %max3A_294 : vector<16xf32>
        %max3A_356 = arith.maximumf %max3A_294, %get3A_354 : vector<16xf32>
        %broadcast_in_dim3A_357 = vector.broadcast %add3A_316 : i32 to vector<16xi32>
        %select_n3A_358 = arith.select %gt3A_355, %broadcast_in_dim3A_357, %select_n3A_296 : vector<16xi1>, vector<16xi32>
        %get3A_359 = arith.index_cast %add3A_314 : i32 to index
        %get3A_360 = arith.constant 96 : index
        %get3A_361 = tpu.vector_load %arg8[%get3A_359, %get3A_360] {strides = array<i32>} : memref<64x128xf32, #tpu.memory_space<vmem>>, vector<16xf32>,
        %gt3A_362 = arith.cmpf ogt, %get3A_361, %max3A_301 : vector<16xf32>
        %max3A_363 = arith.maximumf %max3A_301, %get3A_361 : vector<16xf32>
        %broadcast_in_dim3A_364 = vector.broadcast %add3A_316 : i32 to vector<16xi32>
        %select_n3A_365 = arith.select %gt3A_362, %broadcast_in_dim3A_364, %select_n3A_303 : vector<16xi1>, vector<16xi32>
        %get3A_366 = arith.index_cast %add3A_314 : i32 to index
        %get3A_367 = arith.constant 112 : index
        %get3A_368 = tpu.vector_load %arg8[%get3A_366, %get3A_367] {strides = array<i32>} : memref<64x128xf32, #tpu.memory_space<vmem>>, vector<16xf32>,
        %gt3A_369 = arith.cmpf ogt, %get3A_368, %max3A_308 : vector<16xf32>
        %max3A_370 = arith.maximumf %max3A_308, %get3A_368 : vector<16xf32>
        %broadcast_in_dim3A_371 = vector.broadcast %add3A_316 : i32 to vector<16xi32>
        %select_n3A_372 = arith.select %gt3A_369, %broadcast_in_dim3A_371, %select_n3A_310 : vector<16xi1>, vector<16xi32>
        %mul3A_373 = arith.constant 4 : i32
        %mul3A_374 = arith.muli %scan3A_236, %mul3A_373 : i32
        %add3A_375 = arith.constant 2 : i32
        %add3A_376 = arith.addi %mul3A_374, %add3A_375 : i32
        %add3A_377 = arith.addi %min3A_3, %min3A_214 : i32
        %add3A_378 = arith.addi %add3A_377, %add3A_376 : i32
        %get3A_379 = arith.index_cast %add3A_376 : i32 to index
        %get3A_380 = arith.constant 0 : index
        %get3A_381 = tpu.vector_load %arg8[%get3A_379, %get3A_380] {strides = array<i32>} : memref<64x128xf32, #tpu.memory_space<vmem>>, vector<16xf32>,
        %gt3A_382 = arith.cmpf ogt, %get3A_381, %max3A_321 : vector<16xf32>
        %max3A_383 = arith.maximumf %max3A_321, %get3A_381 : vector<16xf32>
        %broadcast_in_dim3A_384 = vector.broadcast %add3A_378 : i32 to vector<16xi32>
        %select_n3A_385 = arith.select %gt3A_382, %broadcast_in_dim3A_384, %select_n3A_323 : vector<16xi1>, vector<16xi32>
        %get3A_386 = arith.index_cast %add3A_376 : i32 to index
        %get3A_387 = arith.constant 16 : index
        %get3A_388 = tpu.vector_load %arg8[%get3A_386, %get3A_387] {strides = array<i32>} : memref<64x128xf32, #tpu.memory_space<vmem>>, vector<16xf32>,
        %gt3A_389 = arith.cmpf ogt, %get3A_388, %max3A_328 : vector<16xf32>
        %max3A_390 = arith.maximumf %max3A_328, %get3A_388 : vector<16xf32>
        %broadcast_in_dim3A_391 = vector.broadcast %add3A_378 : i32 to vector<16xi32>
        %select_n3A_392 = arith.select %gt3A_389, %broadcast_in_dim3A_391, %select_n3A_330 : vector<16xi1>, vector<16xi32>
        %get3A_393 = arith.index_cast %add3A_376 : i32 to index
        %get3A_394 = arith.constant 32 : index
        %get3A_395 = tpu.vector_load %arg8[%get3A_393, %get3A_394] {strides = array<i32>} : memref<64x128xf32, #tpu.memory_space<vmem>>, vector<16xf32>,
        %gt3A_396 = arith.cmpf ogt, %get3A_395, %max3A_335 : vector<16xf32>
        %max3A_397 = arith.maximumf %max3A_335, %get3A_395 : vector<16xf32>
        %broadcast_in_dim3A_398 = vector.broadcast %add3A_378 : i32 to vector<16xi32>
        %select_n3A_399 = arith.select %gt3A_396, %broadcast_in_dim3A_398, %select_n3A_337 : vector<16xi1>, vector<16xi32>
        %get3A_400 = arith.index_cast %add3A_376 : i32 to index
        %get3A_401 = arith.constant 48 : index
        %get3A_402 = tpu.vector_load %arg8[%get3A_400, %get3A_401] {strides = array<i32>} : memref<64x128xf32, #tpu.memory_space<vmem>>, vector<16xf32>,
        %gt3A_403 = arith.cmpf ogt, %get3A_402, %max3A_342 : vector<16xf32>
        %max3A_404 = arith.maximumf %max3A_342, %get3A_402 : vector<16xf32>
        %broadcast_in_dim3A_405 = vector.broadcast %add3A_378 : i32 to vector<16xi32>
        %select_n3A_406 = arith.select %gt3A_403, %broadcast_in_dim3A_405, %select_n3A_344 : vector<16xi1>, vector<16xi32>
        %get3A_407 = arith.index_cast %add3A_376 : i32 to index
        %get3A_408 = arith.constant 64 : index
        %get3A_409 = tpu.vector_load %arg8[%get3A_407, %get3A_408] {strides = array<i32>} : memref<64x128xf32, #tpu.memory_space<vmem>>, vector<16xf32>,
        %gt3A_410 = arith.cmpf ogt, %get3A_409, %max3A_349 : vector<16xf32>
        %max3A_411 = arith.maximumf %max3A_349, %get3A_409 : vector<16xf32>
        %broadcast_in_dim3A_412 = vector.broadcast %add3A_378 : i32 to vector<16xi32>
        %select_n3A_413 = arith.select %gt3A_410, %broadcast_in_dim3A_412, %select_n3A_351 : vector<16xi1>, vector<16xi32>
        %get3A_414 = arith.index_cast %add3A_376 : i32 to index
        %get3A_415 = arith.constant 80 : index
        %get3A_416 = tpu.vector_load %arg8[%get3A_414, %get3A_415] {strides = array<i32>} : memref<64x128xf32, #tpu.memory_space<vmem>>, vector<16xf32>,
        %gt3A_417 = arith.cmpf ogt, %get3A_416, %max3A_356 : vector<16xf32>
        %max3A_418 = arith.maximumf %max3A_356, %get3A_416 : vector<16xf32>
        %broadcast_in_dim3A_419 = vector.broadcast %add3A_378 : i32 to vector<16xi32>
        %select_n3A_420 = arith.select %gt3A_417, %broadcast_in_dim3A_419, %select_n3A_358 : vector<16xi1>, vector<16xi32>
        %get3A_421 = arith.index_cast %add3A_376 : i32 to index
        %get3A_422 = arith.constant 96 : index
        %get3A_423 = tpu.vector_load %arg8[%get3A_421, %get3A_422] {strides = array<i32>} : memref<64x128xf32, #tpu.memory_space<vmem>>, vector<16xf32>,
        %gt3A_424 = arith.cmpf ogt, %get3A_423, %max3A_363 : vector<16xf32>
        %max3A_425 = arith.maximumf %max3A_363, %get3A_423 : vector<16xf32>
        %broadcast_in_dim3A_426 = vector.broadcast %add3A_378 : i32 to vector<16xi32>
        %select_n3A_427 = arith.select %gt3A_424, %broadcast_in_dim3A_426, %select_n3A_365 : vector<16xi1>, vector<16xi32>
        %get3A_428 = arith.index_cast %add3A_376 : i32 to index
        %get3A_429 = arith.constant 112 : index
        %get3A_430 = tpu.vector_load %arg8[%get3A_428, %get3A_429] {strides = array<i32>} : memref<64x128xf32, #tpu.memory_space<vmem>>, vector<16xf32>,
        %gt3A_431 = arith.cmpf ogt, %get3A_430, %max3A_370 : vector<16xf32>
        %max3A_432 = arith.maximumf %max3A_370, %get3A_430 : vector<16xf32>
        %broadcast_in_dim3A_433 = vector.broadcast %add3A_378 : i32 to vector<16xi32>
        %select_n3A_434 = arith.select %gt3A_431, %broadcast_in_dim3A_433, %select_n3A_372 : vector<16xi1>, vector<16xi32>
        %mul3A_435 = arith.constant 4 : i32
        %mul3A_436 = arith.muli %scan3A_236, %mul3A_435 : i32
        %add3A_437 = arith.constant 3 : i32
        %add3A_438 = arith.addi %mul3A_436, %add3A_437 : i32
        %add3A_439 = arith.addi %min3A_3, %min3A_214 : i32
        %add3A_440 = arith.addi %add3A_439, %add3A_438 : i32
        %get3A_441 = arith.index_cast %add3A_438 : i32 to index
        %get3A_442 = arith.constant 0 : index
        %get3A_443 = tpu.vector_load %arg8[%get3A_441, %get3A_442] {strides = array<i32>} : memref<64x128xf32, #tpu.memory_space<vmem>>, vector<16xf32>,
        %gt3A_444 = arith.cmpf ogt, %get3A_443, %max3A_383 : vector<16xf32>
        %max3A_445 = arith.maximumf %max3A_383, %get3A_443 : vector<16xf32>
        %broadcast_in_dim3A_446 = vector.broadcast %add3A_440 : i32 to vector<16xi32>
        %select_n3A_447 = arith.select %gt3A_444, %broadcast_in_dim3A_446, %select_n3A_385 : vector<16xi1>, vector<16xi32>
        %get3A_448 = arith.index_cast %add3A_438 : i32 to index
        %get3A_449 = arith.constant 16 : index
        %get3A_450 = tpu.vector_load %arg8[%get3A_448, %get3A_449] {strides = array<i32>} : memref<64x128xf32, #tpu.memory_space<vmem>>, vector<16xf32>,
        %gt3A_451 = arith.cmpf ogt, %get3A_450, %max3A_390 : vector<16xf32>
        %max3A_452 = arith.maximumf %max3A_390, %get3A_450 : vector<16xf32>
        %broadcast_in_dim3A_453 = vector.broadcast %add3A_440 : i32 to vector<16xi32>
        %select_n3A_454 = arith.select %gt3A_451, %broadcast_in_dim3A_453, %select_n3A_392 : vector<16xi1>, vector<16xi32>
        %get3A_455 = arith.index_cast %add3A_438 : i32 to index
        %get3A_456 = arith.constant 32 : index
        %get3A_457 = tpu.vector_load %arg8[%get3A_455, %get3A_456] {strides = array<i32>} : memref<64x128xf32, #tpu.memory_space<vmem>>, vector<16xf32>,
        %gt3A_458 = arith.cmpf ogt, %get3A_457, %max3A_397 : vector<16xf32>
        %max3A_459 = arith.maximumf %max3A_397, %get3A_457 : vector<16xf32>
        %broadcast_in_dim3A_460 = vector.broadcast %add3A_440 : i32 to vector<16xi32>
        %select_n3A_461 = arith.select %gt3A_458, %broadcast_in_dim3A_460, %select_n3A_399 : vector<16xi1>, vector<16xi32>
        %get3A_462 = arith.index_cast %add3A_438 : i32 to index
        %get3A_463 = arith.constant 48 : index
        %get3A_464 = tpu.vector_load %arg8[%get3A_462, %get3A_463] {strides = array<i32>} : memref<64x128xf32, #tpu.memory_space<vmem>>, vector<16xf32>,
        %gt3A_465 = arith.cmpf ogt, %get3A_464, %max3A_404 : vector<16xf32>
        %max3A_466 = arith.maximumf %max3A_404, %get3A_464 : vector<16xf32>
        %broadcast_in_dim3A_467 = vector.broadcast %add3A_440 : i32 to vector<16xi32>
        %select_n3A_468 = arith.select %gt3A_465, %broadcast_in_dim3A_467, %select_n3A_406 : vector<16xi1>, vector<16xi32>
        %get3A_469 = arith.index_cast %add3A_438 : i32 to index
        %get3A_470 = arith.constant 64 : index
        %get3A_471 = tpu.vector_load %arg8[%get3A_469, %get3A_470] {strides = array<i32>} : memref<64x128xf32, #tpu.memory_space<vmem>>, vector<16xf32>,
        %gt3A_472 = arith.cmpf ogt, %get3A_471, %max3A_411 : vector<16xf32>
        %max3A_473 = arith.maximumf %max3A_411, %get3A_471 : vector<16xf32>
        %broadcast_in_dim3A_474 = vector.broadcast %add3A_440 : i32 to vector<16xi32>
        %select_n3A_475 = arith.select %gt3A_472, %broadcast_in_dim3A_474, %select_n3A_413 : vector<16xi1>, vector<16xi32>
        %get3A_476 = arith.index_cast %add3A_438 : i32 to index
        %get3A_477 = arith.constant 80 : index
        %get3A_478 = tpu.vector_load %arg8[%get3A_476, %get3A_477] {strides = array<i32>} : memref<64x128xf32, #tpu.memory_space<vmem>>, vector<16xf32>,
        %gt3A_479 = arith.cmpf ogt, %get3A_478, %max3A_418 : vector<16xf32>
        %max3A_480 = arith.maximumf %max3A_418, %get3A_478 : vector<16xf32>
        %broadcast_in_dim3A_481 = vector.broadcast %add3A_440 : i32 to vector<16xi32>
        %select_n3A_482 = arith.select %gt3A_479, %broadcast_in_dim3A_481, %select_n3A_420 : vector<16xi1>, vector<16xi32>
        %get3A_483 = arith.index_cast %add3A_438 : i32 to index
        %get3A_484 = arith.constant 96 : index
        %get3A_485 = tpu.vector_load %arg8[%get3A_483, %get3A_484] {strides = array<i32>} : memref<64x128xf32, #tpu.memory_space<vmem>>, vector<16xf32>,
        %gt3A_486 = arith.cmpf ogt, %get3A_485, %max3A_425 : vector<16xf32>
        %max3A_487 = arith.maximumf %max3A_425, %get3A_485 : vector<16xf32>
        %broadcast_in_dim3A_488 = vector.broadcast %add3A_440 : i32 to vector<16xi32>
        %select_n3A_489 = arith.select %gt3A_486, %broadcast_in_dim3A_488, %select_n3A_427 : vector<16xi1>, vector<16xi32>
        %get3A_490 = arith.index_cast %add3A_438 : i32 to index
        %get3A_491 = arith.constant 112 : index
        %get3A_492 = tpu.vector_load %arg8[%get3A_490, %get3A_491] {strides = array<i32>} : memref<64x128xf32, #tpu.memory_space<vmem>>, vector<16xf32>,
        %gt3A_493 = arith.cmpf ogt, %get3A_492, %max3A_432 : vector<16xf32>
        %max3A_494 = arith.maximumf %max3A_432, %get3A_492 : vector<16xf32>
        %broadcast_in_dim3A_495 = vector.broadcast %add3A_440 : i32 to vector<16xi32>
        %select_n3A_496 = arith.select %gt3A_493, %broadcast_in_dim3A_495, %select_n3A_434 : vector<16xi1>, vector<16xi32>
        scf.yield %max3A_445, %max3A_452, %max3A_459, %max3A_466, %max3A_473, %max3A_480, %max3A_487, %max3A_494, %select_n3A_447, %select_n3A_454, %select_n3A_461, %select_n3A_468, %select_n3A_475, %select_n3A_482, %select_n3A_489, %select_n3A_496 : vector<16xf32>, vector<16xf32>, vector<16xf32>, vector<16xf32>, vector<16xf32>, vector<16xf32>, vector<16xf32>, vector<16xf32>, vector<16xi32>, vector<16xi32>, vector<16xi32>, vector<16xi32>, vector<16xi32>, vector<16xi32>, vector<16xi32>, vector<16xi32>
      }
      %scan3A_228 = arith.constant 16 : i32
      %add3A_229 = arith.constant 4 : i32
      %add3A_230 = arith.addi %add3A_210, %add3A_229 : i32
      %lt3A_231 = arith.constant 49 : i32
      %lt3A_232 = arith.cmpi slt, %add3A_230, %lt3A_231 : i32
      %convert_element_type3A_233 = arith.extui %lt3A_232 : i1 to i32
      %cond3A_234 = arith.constant 0 : i32
      %cond3A_235 = arith.cmpi ne, %convert_element_type3A_233, %cond3A_234 : i32
      scf.if %cond3A_235 {
        %add3A_236 = arith.constant 4 : i32
        %add3A_237 = arith.addi %add3A_210, %add3A_236 : i32
        %mul3A_238 = arith.constant 64 : i32
        %mul3A_239 = arith.muli %add3A_237, %mul3A_238 : i32
        %min3A_240 = arith.constant 3064 : i32
        %min3A_241 = arith.minsi %mul3A_239, %min3A_240 : i32
        %add3A_242 = arith.addi %min3A_3, %min3A_241 : i32
        %dma_start3A_243 = arith.constant 3 : i32
        %dma_start3A_244 = arith.constant 0 : i32
        %dma_start3A_245 = tpu.memref_slice %arg2[%add3A_242, %dma_start3A_244] : memref<100000x128xf32, #tpu.memory_space<hbm>> -> memref<64x128xf32, #tpu.memory_space<hbm>>
        %dma_start3A_246 = tpu.memref_slice %arg11[%dma_start3A_243] : memref<4x!tpu.dma_semaphore, #tpu.memory_space<semaphore_mem>> -> memref<1x!tpu.dma_semaphore, #tpu.memory_space<semaphore_mem>>
        %dma_start3A_247 = tpu.memref_squeeze %dma_start3A_246 : memref<1x!tpu.dma_semaphore, #tpu.memory_space<semaphore_mem>> -> memref<!tpu.dma_semaphore, #tpu.memory_space<semaphore_mem>>
        %dma_start3A_248 = arith.constant 0 : i32
        %dma_start3A_249 = tpu.memref_slice %arg2[%add3A_242, %dma_start3A_248] : memref<100000x128xf32, #tpu.memory_space<hbm>> -> memref<64x128xf32, #tpu.memory_space<hbm>>
        tpu.enqueue_dma source(%dma_start3A_249 : memref<64x128xf32, #tpu.memory_space<hbm>>) target(%arg8 : memref<64x128xf32, #tpu.memory_space<vmem>>) target_semaphore(%dma_start3A_247 : memref<!tpu.dma_semaphore, #tpu.memory_space<semaphore_mem>>)
      } else {
      }
      scf.yield %scan3A_227#0, %scan3A_227#1, %scan3A_227#2, %scan3A_227#3, %scan3A_227#4, %scan3A_227#5, %scan3A_227#6, %scan3A_227#7, %scan3A_227#8, %scan3A_227#9, %scan3A_227#10, %scan3A_227#11, %scan3A_227#12, %scan3A_227#13, %scan3A_227#14, %scan3A_227#15 : vector<16xf32>, vector<16xf32>, vector<16xf32>, vector<16xf32>, vector<16xf32>, vector<16xf32>, vector<16xf32>, vector<16xf32>, vector<16xi32>, vector<16xi32>, vector<16xi32>, vector<16xi32>, vector<16xi32>, vector<16xi32>, vector<16xi32>, vector<16xi32>
    }
    %scan3A_54 = arith.constant 12 : i32
    %min3A_55 = arith.constant 3072 : i32
    %min3A_56 = arith.constant 3064 : i32
    %min3A_57 = arith.minsi %min3A_55, %min3A_56 : i32
    %add3A_58 = arith.addi %min3A_3, %min3A_57 : i32
    %dma_wait3A = arith.constant 0 : i32
    %dma_wait3A_59 = arith.constant 0 : i32
    %dma_wait3A_60 = tpu.memref_slice %arg2[%add3A_58, %dma_wait3A_59] : memref<100000x128xf32, #tpu.memory_space<hbm>> -> memref<64x128xf32, #tpu.memory_space<hbm>>
    %dma_wait3A_61 = tpu.memref_slice %arg11[%dma_wait3A] : memref<4x!tpu.dma_semaphore, #tpu.memory_space<semaphore_mem>> -> memref<1x!tpu.dma_semaphore, #tpu.memory_space<semaphore_mem>>
    %dma_wait3A_62 = tpu.memref_squeeze %dma_wait3A_61 : memref<1x!tpu.dma_semaphore, #tpu.memory_space<semaphore_mem>> -> memref<!tpu.dma_semaphore, #tpu.memory_space<semaphore_mem>>
    %dma_wait3A_63 = arith.constant 0 : i32
    %dma_wait3A_64 = tpu.memref_slice %arg2[%add3A_58, %dma_wait3A_63] : memref<100000x128xf32, #tpu.memory_space<hbm>> -> memref<64x128xf32, #tpu.memory_space<hbm>>
    tpu.wait_dma2 semaphore(%dma_wait3A_62 : memref<!tpu.dma_semaphore, #tpu.memory_space<semaphore_mem>>) src(%dma_wait3A_64 : memref<64x128xf32, #tpu.memory_space<hbm>>) dst(%arg5 : memref<64x128xf32, #tpu.memory_space<vmem>>)
    %scan3A_65 = arith.constant 0 : i32
    %scan3A_66 = arith.constant 16 : i32
    %scan3A_67 = arith.addi %scan3A_65, %scan3A_66 : i32
    %scan3A_68 = arith.constant 1 : i32
    %scan3A_69:16 = scf.for %scan3A_106 = %scan3A_65 to %scan3A_67 step %scan3A_68 iter_args(%scan3A_107 = %scan3A_53#0, %scan3A_108 = %scan3A_53#1, %scan3A_109 = %scan3A_53#2, %scan3A_110 = %scan3A_53#3, %scan3A_111 = %scan3A_53#4, %scan3A_112 = %scan3A_53#5, %scan3A_113 = %scan3A_53#6, %scan3A_114 = %scan3A_53#7, %scan3A_115 = %scan3A_53#8, %scan3A_116 = %scan3A_53#9, %scan3A_117 = %scan3A_53#10, %scan3A_118 = %scan3A_53#11, %scan3A_119 = %scan3A_53#12, %scan3A_120 = %scan3A_53#13, %scan3A_121 = %scan3A_53#14, %scan3A_122 = %scan3A_53#15) -> (vector<16xf32>, vector<16xf32>, vector<16xf32>, vector<16xf32>, vector<16xf32>, vector<16xf32>, vector<16xf32>, vector<16xf32>, vector<16xi32>, vector<16xi32>, vector<16xi32>, vector<16xi32>, vector<16xi32>, vector<16xi32>, vector<16xi32>, vector<16xi32>)  : i32 {
      %mul3A_123 = arith.constant 4 : i32
      %mul3A_124 = arith.muli %scan3A_106, %mul3A_123 : i32
      %add3A_125 = arith.constant 0 : i32
      %add3A_126 = arith.addi %mul3A_124, %add3A_125 : i32
      %add3A_127 = arith.addi %min3A_3, %min3A_57 : i32
      %add3A_128 = arith.addi %add3A_127, %add3A_126 : i32
      %get3A = arith.index_cast %add3A_126 : i32 to index
      %get3A_129 = arith.constant 0 : index
      %get3A_130 = tpu.vector_load %arg5[%get3A, %get3A_129] {strides = array<i32>} : memref<64x128xf32, #tpu.memory_space<vmem>>, vector<16xf32>,
      %gt3A = arith.cmpf ogt, %get3A_130, %scan3A_107 : vector<16xf32>
      %max3A = arith.maximumf %scan3A_107, %get3A_130 : vector<16xf32>
      %broadcast_in_dim3A_131 = vector.broadcast %add3A_128 : i32 to vector<16xi32>
      %select_n3A = arith.select %gt3A, %broadcast_in_dim3A_131, %scan3A_115 : vector<16xi1>, vector<16xi32>
      %get3A_132 = arith.index_cast %add3A_126 : i32 to index
      %get3A_133 = arith.constant 16 : index
      %get3A_134 = tpu.vector_load %arg5[%get3A_132, %get3A_133] {strides = array<i32>} : memref<64x128xf32, #tpu.memory_space<vmem>>, vector<16xf32>,
      %gt3A_135 = arith.cmpf ogt, %get3A_134, %scan3A_108 : vector<16xf32>
      %max3A_136 = arith.maximumf %scan3A_108, %get3A_134 : vector<16xf32>
      %broadcast_in_dim3A_137 = vector.broadcast %add3A_128 : i32 to vector<16xi32>
      %select_n3A_138 = arith.select %gt3A_135, %broadcast_in_dim3A_137, %scan3A_116 : vector<16xi1>, vector<16xi32>
      %get3A_139 = arith.index_cast %add3A_126 : i32 to index
      %get3A_140 = arith.constant 32 : index
      %get3A_141 = tpu.vector_load %arg5[%get3A_139, %get3A_140] {strides = array<i32>} : memref<64x128xf32, #tpu.memory_space<vmem>>, vector<16xf32>,
      %gt3A_142 = arith.cmpf ogt, %get3A_141, %scan3A_109 : vector<16xf32>
      %max3A_143 = arith.maximumf %scan3A_109, %get3A_141 : vector<16xf32>
      %broadcast_in_dim3A_144 = vector.broadcast %add3A_128 : i32 to vector<16xi32>
      %select_n3A_145 = arith.select %gt3A_142, %broadcast_in_dim3A_144, %scan3A_117 : vector<16xi1>, vector<16xi32>
      %get3A_146 = arith.index_cast %add3A_126 : i32 to index
      %get3A_147 = arith.constant 48 : index
      %get3A_148 = tpu.vector_load %arg5[%get3A_146, %get3A_147] {strides = array<i32>} : memref<64x128xf32, #tpu.memory_space<vmem>>, vector<16xf32>,
      %gt3A_149 = arith.cmpf ogt, %get3A_148, %scan3A_110 : vector<16xf32>
      %max3A_150 = arith.maximumf %scan3A_110, %get3A_148 : vector<16xf32>
      %broadcast_in_dim3A_151 = vector.broadcast %add3A_128 : i32 to vector<16xi32>
      %select_n3A_152 = arith.select %gt3A_149, %broadcast_in_dim3A_151, %scan3A_118 : vector<16xi1>, vector<16xi32>
      %get3A_153 = arith.index_cast %add3A_126 : i32 to index
      %get3A_154 = arith.constant 64 : index
      %get3A_155 = tpu.vector_load %arg5[%get3A_153, %get3A_154] {strides = array<i32>} : memref<64x128xf32, #tpu.memory_space<vmem>>, vector<16xf32>,
      %gt3A_156 = arith.cmpf ogt, %get3A_155, %scan3A_111 : vector<16xf32>
      %max3A_157 = arith.maximumf %scan3A_111, %get3A_155 : vector<16xf32>
      %broadcast_in_dim3A_158 = vector.broadcast %add3A_128 : i32 to vector<16xi32>
      %select_n3A_159 = arith.select %gt3A_156, %broadcast_in_dim3A_158, %scan3A_119 : vector<16xi1>, vector<16xi32>
      %get3A_160 = arith.index_cast %add3A_126 : i32 to index
      %get3A_161 = arith.constant 80 : index
      %get3A_162 = tpu.vector_load %arg5[%get3A_160, %get3A_161] {strides = array<i32>} : memref<64x128xf32, #tpu.memory_space<vmem>>, vector<16xf32>,
      %gt3A_163 = arith.cmpf ogt, %get3A_162, %scan3A_112 : vector<16xf32>
      %max3A_164 = arith.maximumf %scan3A_112, %get3A_162 : vector<16xf32>
      %broadcast_in_dim3A_165 = vector.broadcast %add3A_128 : i32 to vector<16xi32>
      %select_n3A_166 = arith.select %gt3A_163, %broadcast_in_dim3A_165, %scan3A_120 : vector<16xi1>, vector<16xi32>
      %get3A_167 = arith.index_cast %add3A_126 : i32 to index
      %get3A_168 = arith.constant 96 : index
      %get3A_169 = tpu.vector_load %arg5[%get3A_167, %get3A_168] {strides = array<i32>} : memref<64x128xf32, #tpu.memory_space<vmem>>, vector<16xf32>,
      %gt3A_170 = arith.cmpf ogt, %get3A_169, %scan3A_113 : vector<16xf32>
      %max3A_171 = arith.maximumf %scan3A_113, %get3A_169 : vector<16xf32>
      %broadcast_in_dim3A_172 = vector.broadcast %add3A_128 : i32 to vector<16xi32>
      %select_n3A_173 = arith.select %gt3A_170, %broadcast_in_dim3A_172, %scan3A_121 : vector<16xi1>, vector<16xi32>
      %get3A_174 = arith.index_cast %add3A_126 : i32 to index
      %get3A_175 = arith.constant 112 : index
      %get3A_176 = tpu.vector_load %arg5[%get3A_174, %get3A_175] {strides = array<i32>} : memref<64x128xf32, #tpu.memory_space<vmem>>, vector<16xf32>,
      %gt3A_177 = arith.cmpf ogt, %get3A_176, %scan3A_114 : vector<16xf32>
      %max3A_178 = arith.maximumf %scan3A_114, %get3A_176 : vector<16xf32>
      %broadcast_in_dim3A_179 = vector.broadcast %add3A_128 : i32 to vector<16xi32>
      %select_n3A_180 = arith.select %gt3A_177, %broadcast_in_dim3A_179, %scan3A_122 : vector<16xi1>, vector<16xi32>
      %mul3A_181 = arith.constant 4 : i32
      %mul3A_182 = arith.muli %scan3A_106, %mul3A_181 : i32
      %add3A_183 = arith.constant 1 : i32
      %add3A_184 = arith.addi %mul3A_182, %add3A_183 : i32
      %add3A_185 = arith.addi %min3A_3, %min3A_57 : i32
      %add3A_186 = arith.addi %add3A_185, %add3A_184 : i32
      %get3A_187 = arith.index_cast %add3A_184 : i32 to index
      %get3A_188 = arith.constant 0 : index
      %get3A_189 = tpu.vector_load %arg5[%get3A_187, %get3A_188] {strides = array<i32>} : memref<64x128xf32, #tpu.memory_space<vmem>>, vector<16xf32>,
      %gt3A_190 = arith.cmpf ogt, %get3A_189, %max3A : vector<16xf32>
      %max3A_191 = arith.maximumf %max3A, %get3A_189 : vector<16xf32>
      %broadcast_in_dim3A_192 = vector.broadcast %add3A_186 : i32 to vector<16xi32>
      %select_n3A_193 = arith.select %gt3A_190, %broadcast_in_dim3A_192, %select_n3A : vector<16xi1>, vector<16xi32>
      %get3A_194 = arith.index_cast %add3A_184 : i32 to index
      %get3A_195 = arith.constant 16 : index
      %get3A_196 = tpu.vector_load %arg5[%get3A_194, %get3A_195] {strides = array<i32>} : memref<64x128xf32, #tpu.memory_space<vmem>>, vector<16xf32>,
      %gt3A_197 = arith.cmpf ogt, %get3A_196, %max3A_136 : vector<16xf32>
      %max3A_198 = arith.maximumf %max3A_136, %get3A_196 : vector<16xf32>
      %broadcast_in_dim3A_199 = vector.broadcast %add3A_186 : i32 to vector<16xi32>
      %select_n3A_200 = arith.select %gt3A_197, %broadcast_in_dim3A_199, %select_n3A_138 : vector<16xi1>, vector<16xi32>
      %get3A_201 = arith.index_cast %add3A_184 : i32 to index
      %get3A_202 = arith.constant 32 : index
      %get3A_203 = tpu.vector_load %arg5[%get3A_201, %get3A_202] {strides = array<i32>} : memref<64x128xf32, #tpu.memory_space<vmem>>, vector<16xf32>,
      %gt3A_204 = arith.cmpf ogt, %get3A_203, %max3A_143 : vector<16xf32>
      %max3A_205 = arith.maximumf %max3A_143, %get3A_203 : vector<16xf32>
      %broadcast_in_dim3A_206 = vector.broadcast %add3A_186 : i32 to vector<16xi32>
      %select_n3A_207 = arith.select %gt3A_204, %broadcast_in_dim3A_206, %select_n3A_145 : vector<16xi1>, vector<16xi32>
      %get3A_208 = arith.index_cast %add3A_184 : i32 to index
      %get3A_209 = arith.constant 48 : index
      %get3A_210 = tpu.vector_load %arg5[%get3A_208, %get3A_209] {strides = array<i32>} : memref<64x128xf32, #tpu.memory_space<vmem>>, vector<16xf32>,
      %gt3A_211 = arith.cmpf ogt, %get3A_210, %max3A_150 : vector<16xf32>
      %max3A_212 = arith.maximumf %max3A_150, %get3A_210 : vector<16xf32>
      %broadcast_in_dim3A_213 = vector.broadcast %add3A_186 : i32 to vector<16xi32>
      %select_n3A_214 = arith.select %gt3A_211, %broadcast_in_dim3A_213, %select_n3A_152 : vector<16xi1>, vector<16xi32>
      %get3A_215 = arith.index_cast %add3A_184 : i32 to index
      %get3A_216 = arith.constant 64 : index
      %get3A_217 = tpu.vector_load %arg5[%get3A_215, %get3A_216] {strides = array<i32>} : memref<64x128xf32, #tpu.memory_space<vmem>>, vector<16xf32>,
      %gt3A_218 = arith.cmpf ogt, %get3A_217, %max3A_157 : vector<16xf32>
      %max3A_219 = arith.maximumf %max3A_157, %get3A_217 : vector<16xf32>
      %broadcast_in_dim3A_220 = vector.broadcast %add3A_186 : i32 to vector<16xi32>
      %select_n3A_221 = arith.select %gt3A_218, %broadcast_in_dim3A_220, %select_n3A_159 : vector<16xi1>, vector<16xi32>
      %get3A_222 = arith.index_cast %add3A_184 : i32 to index
      %get3A_223 = arith.constant 80 : index
      %get3A_224 = tpu.vector_load %arg5[%get3A_222, %get3A_223] {strides = array<i32>} : memref<64x128xf32, #tpu.memory_space<vmem>>, vector<16xf32>,
      %gt3A_225 = arith.cmpf ogt, %get3A_224, %max3A_164 : vector<16xf32>
      %max3A_226 = arith.maximumf %max3A_164, %get3A_224 : vector<16xf32>
      %broadcast_in_dim3A_227 = vector.broadcast %add3A_186 : i32 to vector<16xi32>
      %select_n3A_228 = arith.select %gt3A_225, %broadcast_in_dim3A_227, %select_n3A_166 : vector<16xi1>, vector<16xi32>
      %get3A_229 = arith.index_cast %add3A_184 : i32 to index
      %get3A_230 = arith.constant 96 : index
      %get3A_231 = tpu.vector_load %arg5[%get3A_229, %get3A_230] {strides = array<i32>} : memref<64x128xf32, #tpu.memory_space<vmem>>, vector<16xf32>,
      %gt3A_232 = arith.cmpf ogt, %get3A_231, %max3A_171 : vector<16xf32>
      %max3A_233 = arith.maximumf %max3A_171, %get3A_231 : vector<16xf32>
      %broadcast_in_dim3A_234 = vector.broadcast %add3A_186 : i32 to vector<16xi32>
      %select_n3A_235 = arith.select %gt3A_232, %broadcast_in_dim3A_234, %select_n3A_173 : vector<16xi1>, vector<16xi32>
      %get3A_236 = arith.index_cast %add3A_184 : i32 to index
      %get3A_237 = arith.constant 112 : index
      %get3A_238 = tpu.vector_load %arg5[%get3A_236, %get3A_237] {strides = array<i32>} : memref<64x128xf32, #tpu.memory_space<vmem>>, vector<16xf32>,
      %gt3A_239 = arith.cmpf ogt, %get3A_238, %max3A_178 : vector<16xf32>
      %max3A_240 = arith.maximumf %max3A_178, %get3A_238 : vector<16xf32>
      %broadcast_in_dim3A_241 = vector.broadcast %add3A_186 : i32 to vector<16xi32>
      %select_n3A_242 = arith.select %gt3A_239, %broadcast_in_dim3A_241, %select_n3A_180 : vector<16xi1>, vector<16xi32>
      %mul3A_243 = arith.constant 4 : i32
      %mul3A_244 = arith.muli %scan3A_106, %mul3A_243 : i32
      %add3A_245 = arith.constant 2 : i32
      %add3A_246 = arith.addi %mul3A_244, %add3A_245 : i32
      %add3A_247 = arith.addi %min3A_3, %min3A_57 : i32
      %add3A_248 = arith.addi %add3A_247, %add3A_246 : i32
      %get3A_249 = arith.index_cast %add3A_246 : i32 to index
      %get3A_250 = arith.constant 0 : index
      %get3A_251 = tpu.vector_load %arg5[%get3A_249, %get3A_250] {strides = array<i32>} : memref<64x128xf32, #tpu.memory_space<vmem>>, vector<16xf32>,
      %gt3A_252 = arith.cmpf ogt, %get3A_251, %max3A_191 : vector<16xf32>
      %max3A_253 = arith.maximumf %max3A_191, %get3A_251 : vector<16xf32>
      %broadcast_in_dim3A_254 = vector.broadcast %add3A_248 : i32 to vector<16xi32>
      %select_n3A_255 = arith.select %gt3A_252, %broadcast_in_dim3A_254, %select_n3A_193 : vector<16xi1>, vector<16xi32>
      %get3A_256 = arith.index_cast %add3A_246 : i32 to index
      %get3A_257 = arith.constant 16 : index
      %get3A_258 = tpu.vector_load %arg5[%get3A_256, %get3A_257] {strides = array<i32>} : memref<64x128xf32, #tpu.memory_space<vmem>>, vector<16xf32>,
      %gt3A_259 = arith.cmpf ogt, %get3A_258, %max3A_198 : vector<16xf32>
      %max3A_260 = arith.maximumf %max3A_198, %get3A_258 : vector<16xf32>
      %broadcast_in_dim3A_261 = vector.broadcast %add3A_248 : i32 to vector<16xi32>
      %select_n3A_262 = arith.select %gt3A_259, %broadcast_in_dim3A_261, %select_n3A_200 : vector<16xi1>, vector<16xi32>
      %get3A_263 = arith.index_cast %add3A_246 : i32 to index
      %get3A_264 = arith.constant 32 : index
      %get3A_265 = tpu.vector_load %arg5[%get3A_263, %get3A_264] {strides = array<i32>} : memref<64x128xf32, #tpu.memory_space<vmem>>, vector<16xf32>,
      %gt3A_266 = arith.cmpf ogt, %get3A_265, %max3A_205 : vector<16xf32>
      %max3A_267 = arith.maximumf %max3A_205, %get3A_265 : vector<16xf32>
      %broadcast_in_dim3A_268 = vector.broadcast %add3A_248 : i32 to vector<16xi32>
      %select_n3A_269 = arith.select %gt3A_266, %broadcast_in_dim3A_268, %select_n3A_207 : vector<16xi1>, vector<16xi32>
      %get3A_270 = arith.index_cast %add3A_246 : i32 to index
      %get3A_271 = arith.constant 48 : index
      %get3A_272 = tpu.vector_load %arg5[%get3A_270, %get3A_271] {strides = array<i32>} : memref<64x128xf32, #tpu.memory_space<vmem>>, vector<16xf32>,
      %gt3A_273 = arith.cmpf ogt, %get3A_272, %max3A_212 : vector<16xf32>
      %max3A_274 = arith.maximumf %max3A_212, %get3A_272 : vector<16xf32>
      %broadcast_in_dim3A_275 = vector.broadcast %add3A_248 : i32 to vector<16xi32>
      %select_n3A_276 = arith.select %gt3A_273, %broadcast_in_dim3A_275, %select_n3A_214 : vector<16xi1>, vector<16xi32>
      %get3A_277 = arith.index_cast %add3A_246 : i32 to index
      %get3A_278 = arith.constant 64 : index
      %get3A_279 = tpu.vector_load %arg5[%get3A_277, %get3A_278] {strides = array<i32>} : memref<64x128xf32, #tpu.memory_space<vmem>>, vector<16xf32>,
      %gt3A_280 = arith.cmpf ogt, %get3A_279, %max3A_219 : vector<16xf32>
      %max3A_281 = arith.maximumf %max3A_219, %get3A_279 : vector<16xf32>
      %broadcast_in_dim3A_282 = vector.broadcast %add3A_248 : i32 to vector<16xi32>
      %select_n3A_283 = arith.select %gt3A_280, %broadcast_in_dim3A_282, %select_n3A_221 : vector<16xi1>, vector<16xi32>
      %get3A_284 = arith.index_cast %add3A_246 : i32 to index
      %get3A_285 = arith.constant 80 : index
      %get3A_286 = tpu.vector_load %arg5[%get3A_284, %get3A_285] {strides = array<i32>} : memref<64x128xf32, #tpu.memory_space<vmem>>, vector<16xf32>,
      %gt3A_287 = arith.cmpf ogt, %get3A_286, %max3A_226 : vector<16xf32>
      %max3A_288 = arith.maximumf %max3A_226, %get3A_286 : vector<16xf32>
      %broadcast_in_dim3A_289 = vector.broadcast %add3A_248 : i32 to vector<16xi32>
      %select_n3A_290 = arith.select %gt3A_287, %broadcast_in_dim3A_289, %select_n3A_228 : vector<16xi1>, vector<16xi32>
      %get3A_291 = arith.index_cast %add3A_246 : i32 to index
      %get3A_292 = arith.constant 96 : index
      %get3A_293 = tpu.vector_load %arg5[%get3A_291, %get3A_292] {strides = array<i32>} : memref<64x128xf32, #tpu.memory_space<vmem>>, vector<16xf32>,
      %gt3A_294 = arith.cmpf ogt, %get3A_293, %max3A_233 : vector<16xf32>
      %max3A_295 = arith.maximumf %max3A_233, %get3A_293 : vector<16xf32>
      %broadcast_in_dim3A_296 = vector.broadcast %add3A_248 : i32 to vector<16xi32>
      %select_n3A_297 = arith.select %gt3A_294, %broadcast_in_dim3A_296, %select_n3A_235 : vector<16xi1>, vector<16xi32>
      %get3A_298 = arith.index_cast %add3A_246 : i32 to index
      %get3A_299 = arith.constant 112 : index
      %get3A_300 = tpu.vector_load %arg5[%get3A_298, %get3A_299] {strides = array<i32>} : memref<64x128xf32, #tpu.memory_space<vmem>>, vector<16xf32>,
      %gt3A_301 = arith.cmpf ogt, %get3A_300, %max3A_240 : vector<16xf32>
      %max3A_302 = arith.maximumf %max3A_240, %get3A_300 : vector<16xf32>
      %broadcast_in_dim3A_303 = vector.broadcast %add3A_248 : i32 to vector<16xi32>
      %select_n3A_304 = arith.select %gt3A_301, %broadcast_in_dim3A_303, %select_n3A_242 : vector<16xi1>, vector<16xi32>
      %mul3A_305 = arith.constant 4 : i32
      %mul3A_306 = arith.muli %scan3A_106, %mul3A_305 : i32
      %add3A_307 = arith.constant 3 : i32
      %add3A_308 = arith.addi %mul3A_306, %add3A_307 : i32
      %add3A_309 = arith.addi %min3A_3, %min3A_57 : i32
      %add3A_310 = arith.addi %add3A_309, %add3A_308 : i32
      %get3A_311 = arith.index_cast %add3A_308 : i32 to index
      %get3A_312 = arith.constant 0 : index
      %get3A_313 = tpu.vector_load %arg5[%get3A_311, %get3A_312] {strides = array<i32>} : memref<64x128xf32, #tpu.memory_space<vmem>>, vector<16xf32>,
      %gt3A_314 = arith.cmpf ogt, %get3A_313, %max3A_253 : vector<16xf32>
      %max3A_315 = arith.maximumf %max3A_253, %get3A_313 : vector<16xf32>
      %broadcast_in_dim3A_316 = vector.broadcast %add3A_310 : i32 to vector<16xi32>
      %select_n3A_317 = arith.select %gt3A_314, %broadcast_in_dim3A_316, %select_n3A_255 : vector<16xi1>, vector<16xi32>
      %get3A_318 = arith.index_cast %add3A_308 : i32 to index
      %get3A_319 = arith.constant 16 : index
      %get3A_320 = tpu.vector_load %arg5[%get3A_318, %get3A_319] {strides = array<i32>} : memref<64x128xf32, #tpu.memory_space<vmem>>, vector<16xf32>,
      %gt3A_321 = arith.cmpf ogt, %get3A_320, %max3A_260 : vector<16xf32>
      %max3A_322 = arith.maximumf %max3A_260, %get3A_320 : vector<16xf32>
      %broadcast_in_dim3A_323 = vector.broadcast %add3A_310 : i32 to vector<16xi32>
      %select_n3A_324 = arith.select %gt3A_321, %broadcast_in_dim3A_323, %select_n3A_262 : vector<16xi1>, vector<16xi32>
      %get3A_325 = arith.index_cast %add3A_308 : i32 to index
      %get3A_326 = arith.constant 32 : index
      %get3A_327 = tpu.vector_load %arg5[%get3A_325, %get3A_326] {strides = array<i32>} : memref<64x128xf32, #tpu.memory_space<vmem>>, vector<16xf32>,
      %gt3A_328 = arith.cmpf ogt, %get3A_327, %max3A_267 : vector<16xf32>
      %max3A_329 = arith.maximumf %max3A_267, %get3A_327 : vector<16xf32>
      %broadcast_in_dim3A_330 = vector.broadcast %add3A_310 : i32 to vector<16xi32>
      %select_n3A_331 = arith.select %gt3A_328, %broadcast_in_dim3A_330, %select_n3A_269 : vector<16xi1>, vector<16xi32>
      %get3A_332 = arith.index_cast %add3A_308 : i32 to index
      %get3A_333 = arith.constant 48 : index
      %get3A_334 = tpu.vector_load %arg5[%get3A_332, %get3A_333] {strides = array<i32>} : memref<64x128xf32, #tpu.memory_space<vmem>>, vector<16xf32>,
      %gt3A_335 = arith.cmpf ogt, %get3A_334, %max3A_274 : vector<16xf32>
      %max3A_336 = arith.maximumf %max3A_274, %get3A_334 : vector<16xf32>
      %broadcast_in_dim3A_337 = vector.broadcast %add3A_310 : i32 to vector<16xi32>
      %select_n3A_338 = arith.select %gt3A_335, %broadcast_in_dim3A_337, %select_n3A_276 : vector<16xi1>, vector<16xi32>
      %get3A_339 = arith.index_cast %add3A_308 : i32 to index
      %get3A_340 = arith.constant 64 : index
      %get3A_341 = tpu.vector_load %arg5[%get3A_339, %get3A_340] {strides = array<i32>} : memref<64x128xf32, #tpu.memory_space<vmem>>, vector<16xf32>,
      %gt3A_342 = arith.cmpf ogt, %get3A_341, %max3A_281 : vector<16xf32>
      %max3A_343 = arith.maximumf %max3A_281, %get3A_341 : vector<16xf32>
      %broadcast_in_dim3A_344 = vector.broadcast %add3A_310 : i32 to vector<16xi32>
      %select_n3A_345 = arith.select %gt3A_342, %broadcast_in_dim3A_344, %select_n3A_283 : vector<16xi1>, vector<16xi32>
      %get3A_346 = arith.index_cast %add3A_308 : i32 to index
      %get3A_347 = arith.constant 80 : index
      %get3A_348 = tpu.vector_load %arg5[%get3A_346, %get3A_347] {strides = array<i32>} : memref<64x128xf32, #tpu.memory_space<vmem>>, vector<16xf32>,
      %gt3A_349 = arith.cmpf ogt, %get3A_348, %max3A_288 : vector<16xf32>
      %max3A_350 = arith.maximumf %max3A_288, %get3A_348 : vector<16xf32>
      %broadcast_in_dim3A_351 = vector.broadcast %add3A_310 : i32 to vector<16xi32>
      %select_n3A_352 = arith.select %gt3A_349, %broadcast_in_dim3A_351, %select_n3A_290 : vector<16xi1>, vector<16xi32>
      %get3A_353 = arith.index_cast %add3A_308 : i32 to index
      %get3A_354 = arith.constant 96 : index
      %get3A_355 = tpu.vector_load %arg5[%get3A_353, %get3A_354] {strides = array<i32>} : memref<64x128xf32, #tpu.memory_space<vmem>>, vector<16xf32>,
      %gt3A_356 = arith.cmpf ogt, %get3A_355, %max3A_295 : vector<16xf32>
      %max3A_357 = arith.maximumf %max3A_295, %get3A_355 : vector<16xf32>
      %broadcast_in_dim3A_358 = vector.broadcast %add3A_310 : i32 to vector<16xi32>
      %select_n3A_359 = arith.select %gt3A_356, %broadcast_in_dim3A_358, %select_n3A_297 : vector<16xi1>, vector<16xi32>
      %get3A_360 = arith.index_cast %add3A_308 : i32 to index
      %get3A_361 = arith.constant 112 : index
      %get3A_362 = tpu.vector_load %arg5[%get3A_360, %get3A_361] {strides = array<i32>} : memref<64x128xf32, #tpu.memory_space<vmem>>, vector<16xf32>,
      %gt3A_363 = arith.cmpf ogt, %get3A_362, %max3A_302 : vector<16xf32>
      %max3A_364 = arith.maximumf %max3A_302, %get3A_362 : vector<16xf32>
      %broadcast_in_dim3A_365 = vector.broadcast %add3A_310 : i32 to vector<16xi32>
      %select_n3A_366 = arith.select %gt3A_363, %broadcast_in_dim3A_365, %select_n3A_304 : vector<16xi1>, vector<16xi32>
      scf.yield %max3A_315, %max3A_322, %max3A_329, %max3A_336, %max3A_343, %max3A_350, %max3A_357, %max3A_364, %select_n3A_317, %select_n3A_324, %select_n3A_331, %select_n3A_338, %select_n3A_345, %select_n3A_352, %select_n3A_359, %select_n3A_366 : vector<16xf32>, vector<16xf32>, vector<16xf32>, vector<16xf32>, vector<16xf32>, vector<16xf32>, vector<16xf32>, vector<16xf32>, vector<16xi32>, vector<16xi32>, vector<16xi32>, vector<16xi32>, vector<16xi32>, vector<16xi32>, vector<16xi32>, vector<16xi32>
    }
    %scan3A_70 = arith.constant 16 : i32
    %swap3A = arith.constant 0 : index
    %swap3A_71 = tpu.vector_load %arg9[%swap3A] {strides = array<i32>} : memref<128xf32, #tpu.memory_space<vmem>>, vector<16xf32>,
    tpu.vector_store %arg9[%swap3A], %scan3A_69#0 {strides = array<i32>} : memref<128xf32, #tpu.memory_space<vmem>>, vector<16xf32>,
    %swap3A_72 = arith.constant 0 : index
    %swap3A_73 = tpu.vector_load %arg10[%swap3A_72] {strides = array<i32>} : memref<128xi32, #tpu.memory_space<vmem>>, vector<16xi32>,
    tpu.vector_store %arg10[%swap3A_72], %scan3A_69#8 {strides = array<i32>} : memref<128xi32, #tpu.memory_space<vmem>>, vector<16xi32>,
    %swap3A_74 = arith.constant 16 : index
    %swap3A_75 = tpu.vector_load %arg9[%swap3A_74] {strides = array<i32>} : memref<128xf32, #tpu.memory_space<vmem>>, vector<16xf32>,
    tpu.vector_store %arg9[%swap3A_74], %scan3A_69#1 {strides = array<i32>} : memref<128xf32, #tpu.memory_space<vmem>>, vector<16xf32>,
    %swap3A_76 = arith.constant 16 : index
    %swap3A_77 = tpu.vector_load %arg10[%swap3A_76] {strides = array<i32>} : memref<128xi32, #tpu.memory_space<vmem>>, vector<16xi32>,
    tpu.vector_store %arg10[%swap3A_76], %scan3A_69#9 {strides = array<i32>} : memref<128xi32, #tpu.memory_space<vmem>>, vector<16xi32>,
    %swap3A_78 = arith.constant 32 : index
    %swap3A_79 = tpu.vector_load %arg9[%swap3A_78] {strides = array<i32>} : memref<128xf32, #tpu.memory_space<vmem>>, vector<16xf32>,
    tpu.vector_store %arg9[%swap3A_78], %scan3A_69#2 {strides = array<i32>} : memref<128xf32, #tpu.memory_space<vmem>>, vector<16xf32>,
    %swap3A_80 = arith.constant 32 : index
    %swap3A_81 = tpu.vector_load %arg10[%swap3A_80] {strides = array<i32>} : memref<128xi32, #tpu.memory_space<vmem>>, vector<16xi32>,
    tpu.vector_store %arg10[%swap3A_80], %scan3A_69#10 {strides = array<i32>} : memref<128xi32, #tpu.memory_space<vmem>>, vector<16xi32>,
    %swap3A_82 = arith.constant 48 : index
    %swap3A_83 = tpu.vector_load %arg9[%swap3A_82] {strides = array<i32>} : memref<128xf32, #tpu.memory_space<vmem>>, vector<16xf32>,
    tpu.vector_store %arg9[%swap3A_82], %scan3A_69#3 {strides = array<i32>} : memref<128xf32, #tpu.memory_space<vmem>>, vector<16xf32>,
    %swap3A_84 = arith.constant 48 : index
    %swap3A_85 = tpu.vector_load %arg10[%swap3A_84] {strides = array<i32>} : memref<128xi32, #tpu.memory_space<vmem>>, vector<16xi32>,
    tpu.vector_store %arg10[%swap3A_84], %scan3A_69#11 {strides = array<i32>} : memref<128xi32, #tpu.memory_space<vmem>>, vector<16xi32>,
    %swap3A_86 = arith.constant 64 : index
    %swap3A_87 = tpu.vector_load %arg9[%swap3A_86] {strides = array<i32>} : memref<128xf32, #tpu.memory_space<vmem>>, vector<16xf32>,
    tpu.vector_store %arg9[%swap3A_86], %scan3A_69#4 {strides = array<i32>} : memref<128xf32, #tpu.memory_space<vmem>>, vector<16xf32>,
    %swap3A_88 = arith.constant 64 : index
    %swap3A_89 = tpu.vector_load %arg10[%swap3A_88] {strides = array<i32>} : memref<128xi32, #tpu.memory_space<vmem>>, vector<16xi32>,
    tpu.vector_store %arg10[%swap3A_88], %scan3A_69#12 {strides = array<i32>} : memref<128xi32, #tpu.memory_space<vmem>>, vector<16xi32>,
    %swap3A_90 = arith.constant 80 : index
    %swap3A_91 = tpu.vector_load %arg9[%swap3A_90] {strides = array<i32>} : memref<128xf32, #tpu.memory_space<vmem>>, vector<16xf32>,
    tpu.vector_store %arg9[%swap3A_90], %scan3A_69#5 {strides = array<i32>} : memref<128xf32, #tpu.memory_space<vmem>>, vector<16xf32>,
    %swap3A_92 = arith.constant 80 : index
    %swap3A_93 = tpu.vector_load %arg10[%swap3A_92] {strides = array<i32>} : memref<128xi32, #tpu.memory_space<vmem>>, vector<16xi32>,
    tpu.vector_store %arg10[%swap3A_92], %scan3A_69#13 {strides = array<i32>} : memref<128xi32, #tpu.memory_space<vmem>>, vector<16xi32>,
    %swap3A_94 = arith.constant 96 : index
    %swap3A_95 = tpu.vector_load %arg9[%swap3A_94] {strides = array<i32>} : memref<128xf32, #tpu.memory_space<vmem>>, vector<16xf32>,
    tpu.vector_store %arg9[%swap3A_94], %scan3A_69#6 {strides = array<i32>} : memref<128xf32, #tpu.memory_space<vmem>>, vector<16xf32>,
    %swap3A_96 = arith.constant 96 : index
    %swap3A_97 = tpu.vector_load %arg10[%swap3A_96] {strides = array<i32>} : memref<128xi32, #tpu.memory_space<vmem>>, vector<16xi32>,
    tpu.vector_store %arg10[%swap3A_96], %scan3A_69#14 {strides = array<i32>} : memref<128xi32, #tpu.memory_space<vmem>>, vector<16xi32>,
    %swap3A_98 = arith.constant 112 : index
    %swap3A_99 = tpu.vector_load %arg9[%swap3A_98] {strides = array<i32>} : memref<128xf32, #tpu.memory_space<vmem>>, vector<16xf32>,
    tpu.vector_store %arg9[%swap3A_98], %scan3A_69#7 {strides = array<i32>} : memref<128xf32, #tpu.memory_space<vmem>>, vector<16xf32>,
    %swap3A_100 = arith.constant 112 : index
    %swap3A_101 = tpu.vector_load %arg10[%swap3A_100] {strides = array<i32>} : memref<128xi32, #tpu.memory_space<vmem>>, vector<16xi32>,
    tpu.vector_store %arg10[%swap3A_100], %scan3A_69#15 {strides = array<i32>} : memref<128xi32, #tpu.memory_space<vmem>>, vector<16xi32>,
    %mul3A_102 = arith.constant 128 : i32
    %mul3A_103 = arith.muli %add3A, %mul3A_102 : i32
    "tpu.region"() ({
      %run_scoped3A = tpu.sem_alloc : memref<!tpu.dma_semaphore, #tpu.memory_space<semaphore_mem>>
      %dma_start3A_106 = tpu.memref_slice %arg3[%mul3A_103] : memref<4096xf32, #tpu.memory_space<hbm>> -> memref<128xf32, #tpu.memory_space<hbm>>
      %dma_start3A_107 = tpu.memref_slice %arg3[%mul3A_103] : memref<4096xf32, #tpu.memory_space<hbm>> -> memref<128xf32, #tpu.memory_space<hbm>>
      tpu.enqueue_dma source(%arg9 : memref<128xf32, #tpu.memory_space<vmem>>) target(%dma_start3A_107 : memref<128xf32, #tpu.memory_space<hbm>>) target_semaphore(%run_scoped3A : memref<!tpu.dma_semaphore, #tpu.memory_space<semaphore_mem>>)
      %dma_wait3A_108 = tpu.memref_slice %arg3[%mul3A_103] : memref<4096xf32, #tpu.memory_space<hbm>> -> memref<128xf32, #tpu.memory_space<hbm>>
      %dma_wait3A_109 = tpu.memref_slice %arg3[%mul3A_103] : memref<4096xf32, #tpu.memory_space<hbm>> -> memref<128xf32, #tpu.memory_space<hbm>>
      tpu.wait_dma2 semaphore(%run_scoped3A : memref<!tpu.dma_semaphore, #tpu.memory_space<semaphore_mem>>) src(%arg9 : memref<128xf32, #tpu.memory_space<vmem>>) dst(%dma_wait3A_109 : memref<128xf32, #tpu.memory_space<hbm>>)
      tpu.yield
    }) : () -> ()
    %mul3A_104 = arith.constant 128 : i32
    %mul3A_105 = arith.muli %add3A, %mul3A_104 : i32
    "tpu.region"() ({
      %run_scoped3A = tpu.sem_alloc : memref<!tpu.dma_semaphore, #tpu.memory_space<semaphore_mem>>
      %dma_start3A_106 = tpu.memref_slice %arg4[%mul3A_105] : memref<4096xi32, #tpu.memory_space<hbm>> -> memref<128xi32, #tpu.memory_space<hbm>>
      %dma_start3A_107 = tpu.memref_slice %arg4[%mul3A_105] : memref<4096xi32, #tpu.memory_space<hbm>> -> memref<128xi32, #tpu.memory_space<hbm>>
      tpu.enqueue_dma source(%arg10 : memref<128xi32, #tpu.memory_space<vmem>>) target(%dma_start3A_107 : memref<128xi32, #tpu.memory_space<hbm>>) target_semaphore(%run_scoped3A : memref<!tpu.dma_semaphore, #tpu.memory_space<semaphore_mem>>)
      %dma_wait3A_108 = tpu.memref_slice %arg4[%mul3A_105] : memref<4096xi32, #tpu.memory_space<hbm>> -> memref<128xi32, #tpu.memory_space<hbm>>
      %dma_wait3A_109 = tpu.memref_slice %arg4[%mul3A_105] : memref<4096xi32, #tpu.memory_space<hbm>> -> memref<128xi32, #tpu.memory_space<hbm>>
      tpu.wait_dma2 semaphore(%run_scoped3A : memref<!tpu.dma_semaphore, #tpu.memory_space<semaphore_mem>>) src(%arg10 : memref<128xi32, #tpu.memory_space<vmem>>) dst(%dma_wait3A_109 : memref<128xi32, #tpu.memory_space<hbm>>)
      tpu.yield
    }) : () -> ()
    return
  }
}

#map = affine_map<(d0, d1) -> (0)>
module attributes {stable_mosaic.version = 14 : i64} {
  func.func @_merge_body(%arg0: i32, %arg1: i32, %arg2: memref<4096xf32, #tpu.memory_space<hbm>>, %arg3: memref<4096xi32, #tpu.memory_space<hbm>>, %arg4: memref<128xi32, #tpu.memory_space<hbm>>, %arg5: memref<4096xf32, #tpu.memory_space<vmem>>, %arg6: memref<4096xi32, #tpu.memory_space<vmem>>, %arg7: memref<16xi32, #tpu.memory_space<vmem>>, %arg8: memref<!tpu.dma_semaphore, #tpu.memory_space<semaphore_mem>>) attributes {dimension_semantics = [#tpu.dimension_semantics<core_parallel>, #tpu.dimension_semantics<subcore_parallel>], iteration_bounds = array<i64: 2, 16>, scalar_prefetch = 0 : i64, scratch_operands = 4 : i64, tpu.core_type = #tpu.core_type<sc_vector_subcore>, window_params = [{transform_indices = #map}, {transform_indices = #map}, {transform_indices = #map}]} {
    %iota3A = tpu.iota {dimensions = array<i32: 0>} : vector<16xi32>
    tpu.enqueue_dma source(%arg2 : memref<4096xf32, #tpu.memory_space<hbm>>) target(%arg5 : memref<4096xf32, #tpu.memory_space<vmem>>) target_semaphore(%arg8 : memref<!tpu.dma_semaphore, #tpu.memory_space<semaphore_mem>>)
    tpu.wait_dma2 semaphore(%arg8 : memref<!tpu.dma_semaphore, #tpu.memory_space<semaphore_mem>>) src(%arg2 : memref<4096xf32, #tpu.memory_space<hbm>>) dst(%arg5 : memref<4096xf32, #tpu.memory_space<vmem>>)
    tpu.enqueue_dma source(%arg3 : memref<4096xi32, #tpu.memory_space<hbm>>) target(%arg6 : memref<4096xi32, #tpu.memory_space<vmem>>) target_semaphore(%arg8 : memref<!tpu.dma_semaphore, #tpu.memory_space<semaphore_mem>>)
    tpu.wait_dma2 semaphore(%arg8 : memref<!tpu.dma_semaphore, #tpu.memory_space<semaphore_mem>>) src(%arg3 : memref<4096xi32, #tpu.memory_space<hbm>>) dst(%arg6 : memref<4096xi32, #tpu.memory_space<vmem>>)
    %broadcast_in_dim3A = arith.constant 0 : i32
    %broadcast_in_dim3A_0 = vector.broadcast %broadcast_in_dim3A : i32 to vector<16xi32>
    %mul3A = arith.constant 8 : i32
    %mul3A_1 = arith.muli %arg1, %mul3A : i32
    %add3A = arith.constant 0 : i32
    %add3A_2 = arith.addi %mul3A_1, %add3A : i32
    %mul3A_3 = arith.constant 128 : i32
    %mul3A_4 = vector.broadcast %mul3A_3 : i32 to vector<16xi32>
    %mul3A_5 = arith.muli %iota3A, %mul3A_4 : vector<16xi32>
    %add3A_6 = vector.broadcast %add3A_2 : i32 to vector<16xi32>
    %add3A_7 = arith.addi %mul3A_5, %add3A_6 : vector<16xi32>
    %add3A_8 = arith.constant 2048 : i32
    %add3A_9 = vector.broadcast %add3A_8 : i32 to vector<16xi32>
    %add3A_10 = arith.addi %add3A_7, %add3A_9 : vector<16xi32>
    %gather3A = tpu.vector_load_idx %arg5[%add3A_7] : memref<4096xf32, #tpu.memory_space<vmem>>[vector<16xi32>], vector<16xf32>,
    %gather3A_11 = tpu.vector_load_idx %arg5[%add3A_10] : memref<4096xf32, #tpu.memory_space<vmem>>[vector<16xi32>], vector<16xf32>,
    %gather3A_12 = tpu.vector_load_idx %arg6[%add3A_7] : memref<4096xi32, #tpu.memory_space<vmem>>[vector<16xi32>], vector<16xi32>,
    %gather3A_13 = tpu.vector_load_idx %arg6[%add3A_10] : memref<4096xi32, #tpu.memory_space<vmem>>[vector<16xi32>], vector<16xi32>,
    %max3A = arith.maximumf %gather3A, %gather3A_11 : vector<16xf32>
    %reduce_max3A = arith.constant true
    %reduce_max3A_14 = vector.broadcast %reduce_max3A : i1 to vector<16xi1>
    %reduce_max3A_15 = tpu.scan <max>, %max3A masked %reduce_max3A_14 : vector<16xf32>, vector<16xi1> -> vector<16xf32>
    %reduce_max3A_16 = vector.extract %reduce_max3A_15[15] : f32 from vector<16xf32>
    %eq3A = vector.broadcast %reduce_max3A_16 : f32 to vector<16xf32>
    %eq3A_17 = arith.cmpf oeq, %gather3A, %eq3A : vector<16xf32>
    %jit3A = arith.constant 16777216 : i32
    %broadcast_in_dim3A_18 = vector.broadcast %jit3A : i32 to vector<16xi32>
    %select_n3A = arith.select %eq3A_17, %gather3A_12, %broadcast_in_dim3A_18 : vector<16xi1>, vector<16xi32>
    %eq3A_19 = vector.broadcast %reduce_max3A_16 : f32 to vector<16xf32>
    %eq3A_20 = arith.cmpf oeq, %gather3A_11, %eq3A_19 : vector<16xf32>
    %jit3A_21 = arith.constant 16777216 : i32
    %broadcast_in_dim3A_22 = vector.broadcast %jit3A_21 : i32 to vector<16xi32>
    %select_n3A_23 = arith.select %eq3A_20, %gather3A_13, %broadcast_in_dim3A_22 : vector<16xi1>, vector<16xi32>
    %min3A = arith.minsi %select_n3A, %select_n3A_23 : vector<16xi32>
    %reduce_min3A = arith.constant true
    %reduce_min3A_24 = vector.broadcast %reduce_min3A : i1 to vector<16xi1>
    %reduce_min3A_25 = arith.constant -2147483648 : i32
    %reduce_min3A_26 = vector.broadcast %reduce_min3A_25 : i32 to vector<16xi32>
    %reduce_min3A_27 = arith.xori %min3A, %reduce_min3A_26 : vector<16xi32>
    %reduce_min3A_28 = tpu.scan <min>, %reduce_min3A_27 masked %reduce_min3A_24 : vector<16xi32>, vector<16xi1> -> vector<16xi32>
    %reduce_min3A_29 = arith.xori %reduce_min3A_28, %reduce_min3A_26 : vector<16xi32>
    %reduce_min3A_30 = vector.extract %reduce_min3A_29[15] : i32 from vector<16xi32>
    %eq3A_31 = arith.constant 0 : i32
    %eq3A_32 = vector.broadcast %eq3A_31 : i32 to vector<16xi32>
    %eq3A_33 = arith.cmpi eq, %iota3A, %eq3A_32 : vector<16xi32>
    %broadcast_in_dim3A_34 = vector.broadcast %reduce_min3A_30 : i32 to vector<16xi32>
    %select_n3A_35 = arith.select %eq3A_33, %broadcast_in_dim3A_34, %broadcast_in_dim3A_0 : vector<16xi1>, vector<16xi32>
    %mul3A_36 = arith.constant 8 : i32
    %mul3A_37 = arith.muli %arg1, %mul3A_36 : i32
    %add3A_38 = arith.constant 1 : i32
    %add3A_39 = arith.addi %mul3A_37, %add3A_38 : i32
    %mul3A_40 = arith.constant 128 : i32
    %mul3A_41 = vector.broadcast %mul3A_40 : i32 to vector<16xi32>
    %mul3A_42 = arith.muli %iota3A, %mul3A_41 : vector<16xi32>
    %add3A_43 = vector.broadcast %add3A_39 : i32 to vector<16xi32>
    %add3A_44 = arith.addi %mul3A_42, %add3A_43 : vector<16xi32>
    %add3A_45 = arith.constant 2048 : i32
    %add3A_46 = vector.broadcast %add3A_45 : i32 to vector<16xi32>
    %add3A_47 = arith.addi %add3A_44, %add3A_46 : vector<16xi32>
    %gather3A_48 = tpu.vector_load_idx %arg5[%add3A_44] : memref<4096xf32, #tpu.memory_space<vmem>>[vector<16xi32>], vector<16xf32>,
    %gather3A_49 = tpu.vector_load_idx %arg5[%add3A_47] : memref<4096xf32, #tpu.memory_space<vmem>>[vector<16xi32>], vector<16xf32>,
    %gather3A_50 = tpu.vector_load_idx %arg6[%add3A_44] : memref<4096xi32, #tpu.memory_space<vmem>>[vector<16xi32>], vector<16xi32>,
    %gather3A_51 = tpu.vector_load_idx %arg6[%add3A_47] : memref<4096xi32, #tpu.memory_space<vmem>>[vector<16xi32>], vector<16xi32>,
    %max3A_52 = arith.maximumf %gather3A_48, %gather3A_49 : vector<16xf32>
    %reduce_max3A_53 = arith.constant true
    %reduce_max3A_54 = vector.broadcast %reduce_max3A_53 : i1 to vector<16xi1>
    %reduce_max3A_55 = tpu.scan <max>, %max3A_52 masked %reduce_max3A_54 : vector<16xf32>, vector<16xi1> -> vector<16xf32>
    %reduce_max3A_56 = vector.extract %reduce_max3A_55[15] : f32 from vector<16xf32>
    %eq3A_57 = vector.broadcast %reduce_max3A_56 : f32 to vector<16xf32>
    %eq3A_58 = arith.cmpf oeq, %gather3A_48, %eq3A_57 : vector<16xf32>
    %jit3A_59 = arith.constant 16777216 : i32
    %broadcast_in_dim3A_60 = vector.broadcast %jit3A_59 : i32 to vector<16xi32>
    %select_n3A_61 = arith.select %eq3A_58, %gather3A_50, %broadcast_in_dim3A_60 : vector<16xi1>, vector<16xi32>
    %eq3A_62 = vector.broadcast %reduce_max3A_56 : f32 to vector<16xf32>
    %eq3A_63 = arith.cmpf oeq, %gather3A_49, %eq3A_62 : vector<16xf32>
    %jit3A_64 = arith.constant 16777216 : i32
    %broadcast_in_dim3A_65 = vector.broadcast %jit3A_64 : i32 to vector<16xi32>
    %select_n3A_66 = arith.select %eq3A_63, %gather3A_51, %broadcast_in_dim3A_65 : vector<16xi1>, vector<16xi32>
    %min3A_67 = arith.minsi %select_n3A_61, %select_n3A_66 : vector<16xi32>
    %reduce_min3A_68 = arith.constant true
    %reduce_min3A_69 = vector.broadcast %reduce_min3A_68 : i1 to vector<16xi1>
    %reduce_min3A_70 = arith.constant -2147483648 : i32
    %reduce_min3A_71 = vector.broadcast %reduce_min3A_70 : i32 to vector<16xi32>
    %reduce_min3A_72 = arith.xori %min3A_67, %reduce_min3A_71 : vector<16xi32>
    %reduce_min3A_73 = tpu.scan <min>, %reduce_min3A_72 masked %reduce_min3A_69 : vector<16xi32>, vector<16xi1> -> vector<16xi32>
    %reduce_min3A_74 = arith.xori %reduce_min3A_73, %reduce_min3A_71 : vector<16xi32>
    %reduce_min3A_75 = vector.extract %reduce_min3A_74[15] : i32 from vector<16xi32>
    %eq3A_76 = arith.constant 1 : i32
    %eq3A_77 = vector.broadcast %eq3A_76 : i32 to vector<16xi32>
    %eq3A_78 = arith.cmpi eq, %iota3A, %eq3A_77 : vector<16xi32>
    %broadcast_in_dim3A_79 = vector.broadcast %reduce_min3A_75 : i32 to vector<16xi32>
    %select_n3A_80 = arith.select %eq3A_78, %broadcast_in_dim3A_79, %select_n3A_35 : vector<16xi1>, vector<16xi32>
    %mul3A_81 = arith.constant 8 : i32
    %mul3A_82 = arith.muli %arg1, %mul3A_81 : i32
    %add3A_83 = arith.constant 2 : i32
    %add3A_84 = arith.addi %mul3A_82, %add3A_83 : i32
    %mul3A_85 = arith.constant 128 : i32
    %mul3A_86 = vector.broadcast %mul3A_85 : i32 to vector<16xi32>
    %mul3A_87 = arith.muli %iota3A, %mul3A_86 : vector<16xi32>
    %add3A_88 = vector.broadcast %add3A_84 : i32 to vector<16xi32>
    %add3A_89 = arith.addi %mul3A_87, %add3A_88 : vector<16xi32>
    %add3A_90 = arith.constant 2048 : i32
    %add3A_91 = vector.broadcast %add3A_90 : i32 to vector<16xi32>
    %add3A_92 = arith.addi %add3A_89, %add3A_91 : vector<16xi32>
    %gather3A_93 = tpu.vector_load_idx %arg5[%add3A_89] : memref<4096xf32, #tpu.memory_space<vmem>>[vector<16xi32>], vector<16xf32>,
    %gather3A_94 = tpu.vector_load_idx %arg5[%add3A_92] : memref<4096xf32, #tpu.memory_space<vmem>>[vector<16xi32>], vector<16xf32>,
    %gather3A_95 = tpu.vector_load_idx %arg6[%add3A_89] : memref<4096xi32, #tpu.memory_space<vmem>>[vector<16xi32>], vector<16xi32>,
    %gather3A_96 = tpu.vector_load_idx %arg6[%add3A_92] : memref<4096xi32, #tpu.memory_space<vmem>>[vector<16xi32>], vector<16xi32>,
    %max3A_97 = arith.maximumf %gather3A_93, %gather3A_94 : vector<16xf32>
    %reduce_max3A_98 = arith.constant true
    %reduce_max3A_99 = vector.broadcast %reduce_max3A_98 : i1 to vector<16xi1>
    %reduce_max3A_100 = tpu.scan <max>, %max3A_97 masked %reduce_max3A_99 : vector<16xf32>, vector<16xi1> -> vector<16xf32>
    %reduce_max3A_101 = vector.extract %reduce_max3A_100[15] : f32 from vector<16xf32>
    %eq3A_102 = vector.broadcast %reduce_max3A_101 : f32 to vector<16xf32>
    %eq3A_103 = arith.cmpf oeq, %gather3A_93, %eq3A_102 : vector<16xf32>
    %jit3A_104 = arith.constant 16777216 : i32
    %broadcast_in_dim3A_105 = vector.broadcast %jit3A_104 : i32 to vector<16xi32>
    %select_n3A_106 = arith.select %eq3A_103, %gather3A_95, %broadcast_in_dim3A_105 : vector<16xi1>, vector<16xi32>
    %eq3A_107 = vector.broadcast %reduce_max3A_101 : f32 to vector<16xf32>
    %eq3A_108 = arith.cmpf oeq, %gather3A_94, %eq3A_107 : vector<16xf32>
    %jit3A_109 = arith.constant 16777216 : i32
    %broadcast_in_dim3A_110 = vector.broadcast %jit3A_109 : i32 to vector<16xi32>
    %select_n3A_111 = arith.select %eq3A_108, %gather3A_96, %broadcast_in_dim3A_110 : vector<16xi1>, vector<16xi32>
    %min3A_112 = arith.minsi %select_n3A_106, %select_n3A_111 : vector<16xi32>
    %reduce_min3A_113 = arith.constant true
    %reduce_min3A_114 = vector.broadcast %reduce_min3A_113 : i1 to vector<16xi1>
    %reduce_min3A_115 = arith.constant -2147483648 : i32
    %reduce_min3A_116 = vector.broadcast %reduce_min3A_115 : i32 to vector<16xi32>
    %reduce_min3A_117 = arith.xori %min3A_112, %reduce_min3A_116 : vector<16xi32>
    %reduce_min3A_118 = tpu.scan <min>, %reduce_min3A_117 masked %reduce_min3A_114 : vector<16xi32>, vector<16xi1> -> vector<16xi32>
    %reduce_min3A_119 = arith.xori %reduce_min3A_118, %reduce_min3A_116 : vector<16xi32>
    %reduce_min3A_120 = vector.extract %reduce_min3A_119[15] : i32 from vector<16xi32>
    %eq3A_121 = arith.constant 2 : i32
    %eq3A_122 = vector.broadcast %eq3A_121 : i32 to vector<16xi32>
    %eq3A_123 = arith.cmpi eq, %iota3A, %eq3A_122 : vector<16xi32>
    %broadcast_in_dim3A_124 = vector.broadcast %reduce_min3A_120 : i32 to vector<16xi32>
    %select_n3A_125 = arith.select %eq3A_123, %broadcast_in_dim3A_124, %select_n3A_80 : vector<16xi1>, vector<16xi32>
    %mul3A_126 = arith.constant 8 : i32
    %mul3A_127 = arith.muli %arg1, %mul3A_126 : i32
    %add3A_128 = arith.constant 3 : i32
    %add3A_129 = arith.addi %mul3A_127, %add3A_128 : i32
    %mul3A_130 = arith.constant 128 : i32
    %mul3A_131 = vector.broadcast %mul3A_130 : i32 to vector<16xi32>
    %mul3A_132 = arith.muli %iota3A, %mul3A_131 : vector<16xi32>
    %add3A_133 = vector.broadcast %add3A_129 : i32 to vector<16xi32>
    %add3A_134 = arith.addi %mul3A_132, %add3A_133 : vector<16xi32>
    %add3A_135 = arith.constant 2048 : i32
    %add3A_136 = vector.broadcast %add3A_135 : i32 to vector<16xi32>
    %add3A_137 = arith.addi %add3A_134, %add3A_136 : vector<16xi32>
    %gather3A_138 = tpu.vector_load_idx %arg5[%add3A_134] : memref<4096xf32, #tpu.memory_space<vmem>>[vector<16xi32>], vector<16xf32>,
    %gather3A_139 = tpu.vector_load_idx %arg5[%add3A_137] : memref<4096xf32, #tpu.memory_space<vmem>>[vector<16xi32>], vector<16xf32>,
    %gather3A_140 = tpu.vector_load_idx %arg6[%add3A_134] : memref<4096xi32, #tpu.memory_space<vmem>>[vector<16xi32>], vector<16xi32>,
    %gather3A_141 = tpu.vector_load_idx %arg6[%add3A_137] : memref<4096xi32, #tpu.memory_space<vmem>>[vector<16xi32>], vector<16xi32>,
    %max3A_142 = arith.maximumf %gather3A_138, %gather3A_139 : vector<16xf32>
    %reduce_max3A_143 = arith.constant true
    %reduce_max3A_144 = vector.broadcast %reduce_max3A_143 : i1 to vector<16xi1>
    %reduce_max3A_145 = tpu.scan <max>, %max3A_142 masked %reduce_max3A_144 : vector<16xf32>, vector<16xi1> -> vector<16xf32>
    %reduce_max3A_146 = vector.extract %reduce_max3A_145[15] : f32 from vector<16xf32>
    %eq3A_147 = vector.broadcast %reduce_max3A_146 : f32 to vector<16xf32>
    %eq3A_148 = arith.cmpf oeq, %gather3A_138, %eq3A_147 : vector<16xf32>
    %jit3A_149 = arith.constant 16777216 : i32
    %broadcast_in_dim3A_150 = vector.broadcast %jit3A_149 : i32 to vector<16xi32>
    %select_n3A_151 = arith.select %eq3A_148, %gather3A_140, %broadcast_in_dim3A_150 : vector<16xi1>, vector<16xi32>
    %eq3A_152 = vector.broadcast %reduce_max3A_146 : f32 to vector<16xf32>
    %eq3A_153 = arith.cmpf oeq, %gather3A_139, %eq3A_152 : vector<16xf32>
    %jit3A_154 = arith.constant 16777216 : i32
    %broadcast_in_dim3A_155 = vector.broadcast %jit3A_154 : i32 to vector<16xi32>
    %select_n3A_156 = arith.select %eq3A_153, %gather3A_141, %broadcast_in_dim3A_155 : vector<16xi1>, vector<16xi32>
    %min3A_157 = arith.minsi %select_n3A_151, %select_n3A_156 : vector<16xi32>
    %reduce_min3A_158 = arith.constant true
    %reduce_min3A_159 = vector.broadcast %reduce_min3A_158 : i1 to vector<16xi1>
    %reduce_min3A_160 = arith.constant -2147483648 : i32
    %reduce_min3A_161 = vector.broadcast %reduce_min3A_160 : i32 to vector<16xi32>
    %reduce_min3A_162 = arith.xori %min3A_157, %reduce_min3A_161 : vector<16xi32>
    %reduce_min3A_163 = tpu.scan <min>, %reduce_min3A_162 masked %reduce_min3A_159 : vector<16xi32>, vector<16xi1> -> vector<16xi32>
    %reduce_min3A_164 = arith.xori %reduce_min3A_163, %reduce_min3A_161 : vector<16xi32>
    %reduce_min3A_165 = vector.extract %reduce_min3A_164[15] : i32 from vector<16xi32>
    %eq3A_166 = arith.constant 3 : i32
    %eq3A_167 = vector.broadcast %eq3A_166 : i32 to vector<16xi32>
    %eq3A_168 = arith.cmpi eq, %iota3A, %eq3A_167 : vector<16xi32>
    %broadcast_in_dim3A_169 = vector.broadcast %reduce_min3A_165 : i32 to vector<16xi32>
    %select_n3A_170 = arith.select %eq3A_168, %broadcast_in_dim3A_169, %select_n3A_125 : vector<16xi1>, vector<16xi32>
    %mul3A_171 = arith.constant 8 : i32
    %mul3A_172 = arith.muli %arg1, %mul3A_171 : i32
    %add3A_173 = arith.constant 4 : i32
    %add3A_174 = arith.addi %mul3A_172, %add3A_173 : i32
    %mul3A_175 = arith.constant 128 : i32
    %mul3A_176 = vector.broadcast %mul3A_175 : i32 to vector<16xi32>
    %mul3A_177 = arith.muli %iota3A, %mul3A_176 : vector<16xi32>
    %add3A_178 = vector.broadcast %add3A_174 : i32 to vector<16xi32>
    %add3A_179 = arith.addi %mul3A_177, %add3A_178 : vector<16xi32>
    %add3A_180 = arith.constant 2048 : i32
    %add3A_181 = vector.broadcast %add3A_180 : i32 to vector<16xi32>
    %add3A_182 = arith.addi %add3A_179, %add3A_181 : vector<16xi32>
    %gather3A_183 = tpu.vector_load_idx %arg5[%add3A_179] : memref<4096xf32, #tpu.memory_space<vmem>>[vector<16xi32>], vector<16xf32>,
    %gather3A_184 = tpu.vector_load_idx %arg5[%add3A_182] : memref<4096xf32, #tpu.memory_space<vmem>>[vector<16xi32>], vector<16xf32>,
    %gather3A_185 = tpu.vector_load_idx %arg6[%add3A_179] : memref<4096xi32, #tpu.memory_space<vmem>>[vector<16xi32>], vector<16xi32>,
    %gather3A_186 = tpu.vector_load_idx %arg6[%add3A_182] : memref<4096xi32, #tpu.memory_space<vmem>>[vector<16xi32>], vector<16xi32>,
    %max3A_187 = arith.maximumf %gather3A_183, %gather3A_184 : vector<16xf32>
    %reduce_max3A_188 = arith.constant true
    %reduce_max3A_189 = vector.broadcast %reduce_max3A_188 : i1 to vector<16xi1>
    %reduce_max3A_190 = tpu.scan <max>, %max3A_187 masked %reduce_max3A_189 : vector<16xf32>, vector<16xi1> -> vector<16xf32>
    %reduce_max3A_191 = vector.extract %reduce_max3A_190[15] : f32 from vector<16xf32>
    %eq3A_192 = vector.broadcast %reduce_max3A_191 : f32 to vector<16xf32>
    %eq3A_193 = arith.cmpf oeq, %gather3A_183, %eq3A_192 : vector<16xf32>
    %jit3A_194 = arith.constant 16777216 : i32
    %broadcast_in_dim3A_195 = vector.broadcast %jit3A_194 : i32 to vector<16xi32>
    %select_n3A_196 = arith.select %eq3A_193, %gather3A_185, %broadcast_in_dim3A_195 : vector<16xi1>, vector<16xi32>
    %eq3A_197 = vector.broadcast %reduce_max3A_191 : f32 to vector<16xf32>
    %eq3A_198 = arith.cmpf oeq, %gather3A_184, %eq3A_197 : vector<16xf32>
    %jit3A_199 = arith.constant 16777216 : i32
    %broadcast_in_dim3A_200 = vector.broadcast %jit3A_199 : i32 to vector<16xi32>
    %select_n3A_201 = arith.select %eq3A_198, %gather3A_186, %broadcast_in_dim3A_200 : vector<16xi1>, vector<16xi32>
    %min3A_202 = arith.minsi %select_n3A_196, %select_n3A_201 : vector<16xi32>
    %reduce_min3A_203 = arith.constant true
    %reduce_min3A_204 = vector.broadcast %reduce_min3A_203 : i1 to vector<16xi1>
    %reduce_min3A_205 = arith.constant -2147483648 : i32
    %reduce_min3A_206 = vector.broadcast %reduce_min3A_205 : i32 to vector<16xi32>
    %reduce_min3A_207 = arith.xori %min3A_202, %reduce_min3A_206 : vector<16xi32>
    %reduce_min3A_208 = tpu.scan <min>, %reduce_min3A_207 masked %reduce_min3A_204 : vector<16xi32>, vector<16xi1> -> vector<16xi32>
    %reduce_min3A_209 = arith.xori %reduce_min3A_208, %reduce_min3A_206 : vector<16xi32>
    %reduce_min3A_210 = vector.extract %reduce_min3A_209[15] : i32 from vector<16xi32>
    %eq3A_211 = arith.constant 4 : i32
    %eq3A_212 = vector.broadcast %eq3A_211 : i32 to vector<16xi32>
    %eq3A_213 = arith.cmpi eq, %iota3A, %eq3A_212 : vector<16xi32>
    %broadcast_in_dim3A_214 = vector.broadcast %reduce_min3A_210 : i32 to vector<16xi32>
    %select_n3A_215 = arith.select %eq3A_213, %broadcast_in_dim3A_214, %select_n3A_170 : vector<16xi1>, vector<16xi32>
    %mul3A_216 = arith.constant 8 : i32
    %mul3A_217 = arith.muli %arg1, %mul3A_216 : i32
    %add3A_218 = arith.constant 5 : i32
    %add3A_219 = arith.addi %mul3A_217, %add3A_218 : i32
    %mul3A_220 = arith.constant 128 : i32
    %mul3A_221 = vector.broadcast %mul3A_220 : i32 to vector<16xi32>
    %mul3A_222 = arith.muli %iota3A, %mul3A_221 : vector<16xi32>
    %add3A_223 = vector.broadcast %add3A_219 : i32 to vector<16xi32>
    %add3A_224 = arith.addi %mul3A_222, %add3A_223 : vector<16xi32>
    %add3A_225 = arith.constant 2048 : i32
    %add3A_226 = vector.broadcast %add3A_225 : i32 to vector<16xi32>
    %add3A_227 = arith.addi %add3A_224, %add3A_226 : vector<16xi32>
    %gather3A_228 = tpu.vector_load_idx %arg5[%add3A_224] : memref<4096xf32, #tpu.memory_space<vmem>>[vector<16xi32>], vector<16xf32>,
    %gather3A_229 = tpu.vector_load_idx %arg5[%add3A_227] : memref<4096xf32, #tpu.memory_space<vmem>>[vector<16xi32>], vector<16xf32>,
    %gather3A_230 = tpu.vector_load_idx %arg6[%add3A_224] : memref<4096xi32, #tpu.memory_space<vmem>>[vector<16xi32>], vector<16xi32>,
    %gather3A_231 = tpu.vector_load_idx %arg6[%add3A_227] : memref<4096xi32, #tpu.memory_space<vmem>>[vector<16xi32>], vector<16xi32>,
    %max3A_232 = arith.maximumf %gather3A_228, %gather3A_229 : vector<16xf32>
    %reduce_max3A_233 = arith.constant true
    %reduce_max3A_234 = vector.broadcast %reduce_max3A_233 : i1 to vector<16xi1>
    %reduce_max3A_235 = tpu.scan <max>, %max3A_232 masked %reduce_max3A_234 : vector<16xf32>, vector<16xi1> -> vector<16xf32>
    %reduce_max3A_236 = vector.extract %reduce_max3A_235[15] : f32 from vector<16xf32>
    %eq3A_237 = vector.broadcast %reduce_max3A_236 : f32 to vector<16xf32>
    %eq3A_238 = arith.cmpf oeq, %gather3A_228, %eq3A_237 : vector<16xf32>
    %jit3A_239 = arith.constant 16777216 : i32
    %broadcast_in_dim3A_240 = vector.broadcast %jit3A_239 : i32 to vector<16xi32>
    %select_n3A_241 = arith.select %eq3A_238, %gather3A_230, %broadcast_in_dim3A_240 : vector<16xi1>, vector<16xi32>
    %eq3A_242 = vector.broadcast %reduce_max3A_236 : f32 to vector<16xf32>
    %eq3A_243 = arith.cmpf oeq, %gather3A_229, %eq3A_242 : vector<16xf32>
    %jit3A_244 = arith.constant 16777216 : i32
    %broadcast_in_dim3A_245 = vector.broadcast %jit3A_244 : i32 to vector<16xi32>
    %select_n3A_246 = arith.select %eq3A_243, %gather3A_231, %broadcast_in_dim3A_245 : vector<16xi1>, vector<16xi32>
    %min3A_247 = arith.minsi %select_n3A_241, %select_n3A_246 : vector<16xi32>
    %reduce_min3A_248 = arith.constant true
    %reduce_min3A_249 = vector.broadcast %reduce_min3A_248 : i1 to vector<16xi1>
    %reduce_min3A_250 = arith.constant -2147483648 : i32
    %reduce_min3A_251 = vector.broadcast %reduce_min3A_250 : i32 to vector<16xi32>
    %reduce_min3A_252 = arith.xori %min3A_247, %reduce_min3A_251 : vector<16xi32>
    %reduce_min3A_253 = tpu.scan <min>, %reduce_min3A_252 masked %reduce_min3A_249 : vector<16xi32>, vector<16xi1> -> vector<16xi32>
    %reduce_min3A_254 = arith.xori %reduce_min3A_253, %reduce_min3A_251 : vector<16xi32>
    %reduce_min3A_255 = vector.extract %reduce_min3A_254[15] : i32 from vector<16xi32>
    %eq3A_256 = arith.constant 5 : i32
    %eq3A_257 = vector.broadcast %eq3A_256 : i32 to vector<16xi32>
    %eq3A_258 = arith.cmpi eq, %iota3A, %eq3A_257 : vector<16xi32>
    %broadcast_in_dim3A_259 = vector.broadcast %reduce_min3A_255 : i32 to vector<16xi32>
    %select_n3A_260 = arith.select %eq3A_258, %broadcast_in_dim3A_259, %select_n3A_215 : vector<16xi1>, vector<16xi32>
    %mul3A_261 = arith.constant 8 : i32
    %mul3A_262 = arith.muli %arg1, %mul3A_261 : i32
    %add3A_263 = arith.constant 6 : i32
    %add3A_264 = arith.addi %mul3A_262, %add3A_263 : i32
    %mul3A_265 = arith.constant 128 : i32
    %mul3A_266 = vector.broadcast %mul3A_265 : i32 to vector<16xi32>
    %mul3A_267 = arith.muli %iota3A, %mul3A_266 : vector<16xi32>
    %add3A_268 = vector.broadcast %add3A_264 : i32 to vector<16xi32>
    %add3A_269 = arith.addi %mul3A_267, %add3A_268 : vector<16xi32>
    %add3A_270 = arith.constant 2048 : i32
    %add3A_271 = vector.broadcast %add3A_270 : i32 to vector<16xi32>
    %add3A_272 = arith.addi %add3A_269, %add3A_271 : vector<16xi32>
    %gather3A_273 = tpu.vector_load_idx %arg5[%add3A_269] : memref<4096xf32, #tpu.memory_space<vmem>>[vector<16xi32>], vector<16xf32>,
    %gather3A_274 = tpu.vector_load_idx %arg5[%add3A_272] : memref<4096xf32, #tpu.memory_space<vmem>>[vector<16xi32>], vector<16xf32>,
    %gather3A_275 = tpu.vector_load_idx %arg6[%add3A_269] : memref<4096xi32, #tpu.memory_space<vmem>>[vector<16xi32>], vector<16xi32>,
    %gather3A_276 = tpu.vector_load_idx %arg6[%add3A_272] : memref<4096xi32, #tpu.memory_space<vmem>>[vector<16xi32>], vector<16xi32>,
    %max3A_277 = arith.maximumf %gather3A_273, %gather3A_274 : vector<16xf32>
    %reduce_max3A_278 = arith.constant true
    %reduce_max3A_279 = vector.broadcast %reduce_max3A_278 : i1 to vector<16xi1>
    %reduce_max3A_280 = tpu.scan <max>, %max3A_277 masked %reduce_max3A_279 : vector<16xf32>, vector<16xi1> -> vector<16xf32>
    %reduce_max3A_281 = vector.extract %reduce_max3A_280[15] : f32 from vector<16xf32>
    %eq3A_282 = vector.broadcast %reduce_max3A_281 : f32 to vector<16xf32>
    %eq3A_283 = arith.cmpf oeq, %gather3A_273, %eq3A_282 : vector<16xf32>
    %jit3A_284 = arith.constant 16777216 : i32
    %broadcast_in_dim3A_285 = vector.broadcast %jit3A_284 : i32 to vector<16xi32>
    %select_n3A_286 = arith.select %eq3A_283, %gather3A_275, %broadcast_in_dim3A_285 : vector<16xi1>, vector<16xi32>
    %eq3A_287 = vector.broadcast %reduce_max3A_281 : f32 to vector<16xf32>
    %eq3A_288 = arith.cmpf oeq, %gather3A_274, %eq3A_287 : vector<16xf32>
    %jit3A_289 = arith.constant 16777216 : i32
    %broadcast_in_dim3A_290 = vector.broadcast %jit3A_289 : i32 to vector<16xi32>
    %select_n3A_291 = arith.select %eq3A_288, %gather3A_276, %broadcast_in_dim3A_290 : vector<16xi1>, vector<16xi32>
    %min3A_292 = arith.minsi %select_n3A_286, %select_n3A_291 : vector<16xi32>
    %reduce_min3A_293 = arith.constant true
    %reduce_min3A_294 = vector.broadcast %reduce_min3A_293 : i1 to vector<16xi1>
    %reduce_min3A_295 = arith.constant -2147483648 : i32
    %reduce_min3A_296 = vector.broadcast %reduce_min3A_295 : i32 to vector<16xi32>
    %reduce_min3A_297 = arith.xori %min3A_292, %reduce_min3A_296 : vector<16xi32>
    %reduce_min3A_298 = tpu.scan <min>, %reduce_min3A_297 masked %reduce_min3A_294 : vector<16xi32>, vector<16xi1> -> vector<16xi32>
    %reduce_min3A_299 = arith.xori %reduce_min3A_298, %reduce_min3A_296 : vector<16xi32>
    %reduce_min3A_300 = vector.extract %reduce_min3A_299[15] : i32 from vector<16xi32>
    %eq3A_301 = arith.constant 6 : i32
    %eq3A_302 = vector.broadcast %eq3A_301 : i32 to vector<16xi32>
    %eq3A_303 = arith.cmpi eq, %iota3A, %eq3A_302 : vector<16xi32>
    %broadcast_in_dim3A_304 = vector.broadcast %reduce_min3A_300 : i32 to vector<16xi32>
    %select_n3A_305 = arith.select %eq3A_303, %broadcast_in_dim3A_304, %select_n3A_260 : vector<16xi1>, vector<16xi32>
    %mul3A_306 = arith.constant 8 : i32
    %mul3A_307 = arith.muli %arg1, %mul3A_306 : i32
    %add3A_308 = arith.constant 7 : i32
    %add3A_309 = arith.addi %mul3A_307, %add3A_308 : i32
    %mul3A_310 = arith.constant 128 : i32
    %mul3A_311 = vector.broadcast %mul3A_310 : i32 to vector<16xi32>
    %mul3A_312 = arith.muli %iota3A, %mul3A_311 : vector<16xi32>
    %add3A_313 = vector.broadcast %add3A_309 : i32 to vector<16xi32>
    %add3A_314 = arith.addi %mul3A_312, %add3A_313 : vector<16xi32>
    %add3A_315 = arith.constant 2048 : i32
    %add3A_316 = vector.broadcast %add3A_315 : i32 to vector<16xi32>
    %add3A_317 = arith.addi %add3A_314, %add3A_316 : vector<16xi32>
    %gather3A_318 = tpu.vector_load_idx %arg5[%add3A_314] : memref<4096xf32, #tpu.memory_space<vmem>>[vector<16xi32>], vector<16xf32>,
    %gather3A_319 = tpu.vector_load_idx %arg5[%add3A_317] : memref<4096xf32, #tpu.memory_space<vmem>>[vector<16xi32>], vector<16xf32>,
    %gather3A_320 = tpu.vector_load_idx %arg6[%add3A_314] : memref<4096xi32, #tpu.memory_space<vmem>>[vector<16xi32>], vector<16xi32>,
    %gather3A_321 = tpu.vector_load_idx %arg6[%add3A_317] : memref<4096xi32, #tpu.memory_space<vmem>>[vector<16xi32>], vector<16xi32>,
    %max3A_322 = arith.maximumf %gather3A_318, %gather3A_319 : vector<16xf32>
    %reduce_max3A_323 = arith.constant true
    %reduce_max3A_324 = vector.broadcast %reduce_max3A_323 : i1 to vector<16xi1>
    %reduce_max3A_325 = tpu.scan <max>, %max3A_322 masked %reduce_max3A_324 : vector<16xf32>, vector<16xi1> -> vector<16xf32>
    %reduce_max3A_326 = vector.extract %reduce_max3A_325[15] : f32 from vector<16xf32>
    %eq3A_327 = vector.broadcast %reduce_max3A_326 : f32 to vector<16xf32>
    %eq3A_328 = arith.cmpf oeq, %gather3A_318, %eq3A_327 : vector<16xf32>
    %jit3A_329 = arith.constant 16777216 : i32
    %broadcast_in_dim3A_330 = vector.broadcast %jit3A_329 : i32 to vector<16xi32>
    %select_n3A_331 = arith.select %eq3A_328, %gather3A_320, %broadcast_in_dim3A_330 : vector<16xi1>, vector<16xi32>
    %eq3A_332 = vector.broadcast %reduce_max3A_326 : f32 to vector<16xf32>
    %eq3A_333 = arith.cmpf oeq, %gather3A_319, %eq3A_332 : vector<16xf32>
    %jit3A_334 = arith.constant 16777216 : i32
    %broadcast_in_dim3A_335 = vector.broadcast %jit3A_334 : i32 to vector<16xi32>
    %select_n3A_336 = arith.select %eq3A_333, %gather3A_321, %broadcast_in_dim3A_335 : vector<16xi1>, vector<16xi32>
    %min3A_337 = arith.minsi %select_n3A_331, %select_n3A_336 : vector<16xi32>
    %reduce_min3A_338 = arith.constant true
    %reduce_min3A_339 = vector.broadcast %reduce_min3A_338 : i1 to vector<16xi1>
    %reduce_min3A_340 = arith.constant -2147483648 : i32
    %reduce_min3A_341 = vector.broadcast %reduce_min3A_340 : i32 to vector<16xi32>
    %reduce_min3A_342 = arith.xori %min3A_337, %reduce_min3A_341 : vector<16xi32>
    %reduce_min3A_343 = tpu.scan <min>, %reduce_min3A_342 masked %reduce_min3A_339 : vector<16xi32>, vector<16xi1> -> vector<16xi32>
    %reduce_min3A_344 = arith.xori %reduce_min3A_343, %reduce_min3A_341 : vector<16xi32>
    %reduce_min3A_345 = vector.extract %reduce_min3A_344[15] : i32 from vector<16xi32>
    %eq3A_346 = arith.constant 7 : i32
    %eq3A_347 = vector.broadcast %eq3A_346 : i32 to vector<16xi32>
    %eq3A_348 = arith.cmpi eq, %iota3A, %eq3A_347 : vector<16xi32>
    %broadcast_in_dim3A_349 = vector.broadcast %reduce_min3A_345 : i32 to vector<16xi32>
    %select_n3A_350 = arith.select %eq3A_348, %broadcast_in_dim3A_349, %select_n3A_305 : vector<16xi1>, vector<16xi32>
    %swap3A = arith.constant 0 : index
    %swap3A_351 = tpu.vector_load %arg7[%swap3A] {strides = array<i32>} : memref<16xi32, #tpu.memory_space<vmem>>, vector<16xi32>,
    tpu.vector_store %arg7[%swap3A], %select_n3A_350 {strides = array<i32>} : memref<16xi32, #tpu.memory_space<vmem>>, vector<16xi32>,
    %eq3A_352 = arith.constant 0 : i32
    %eq3A_353 = arith.cmpi eq, %arg0, %eq3A_352 : i32
    %convert_element_type3A = arith.extui %eq3A_353 : i1 to i32
    %cond3A = arith.constant 0 : i32
    %cond3A_354 = arith.cmpi ne, %convert_element_type3A, %cond3A : i32
    scf.if %cond3A_354 {
      %mul3A_355 = arith.constant 8 : i32
      %mul3A_356 = arith.muli %arg1, %mul3A_355 : i32
      "tpu.region"() ({
        %run_scoped3A = tpu.sem_alloc : memref<!tpu.dma_semaphore, #tpu.memory_space<semaphore_mem>>
        %dma_start3A = arith.constant 0 : i32
        %dma_start3A_357 = tpu.memref_slice %arg7[%dma_start3A] : memref<16xi32, #tpu.memory_space<vmem>> -> memref<8xi32, #tpu.memory_space<vmem>>
        %dma_start3A_358 = tpu.memref_slice %arg4[%mul3A_356] : memref<128xi32, #tpu.memory_space<hbm>> -> memref<8xi32, #tpu.memory_space<hbm>>
        %dma_start3A_359 = tpu.memref_slice %arg4[%mul3A_356] : memref<128xi32, #tpu.memory_space<hbm>> -> memref<8xi32, #tpu.memory_space<hbm>>
        %dma_start3A_360 = arith.constant 0 : i32
        %dma_start3A_361 = tpu.memref_slice %arg7[%dma_start3A_360] : memref<16xi32, #tpu.memory_space<vmem>> -> memref<8xi32, #tpu.memory_space<vmem>>
        tpu.enqueue_dma source(%dma_start3A_361 : memref<8xi32, #tpu.memory_space<vmem>>) target(%dma_start3A_359 : memref<8xi32, #tpu.memory_space<hbm>>) target_semaphore(%run_scoped3A : memref<!tpu.dma_semaphore, #tpu.memory_space<semaphore_mem>>)
        %dma_wait3A = arith.constant 0 : i32
        %dma_wait3A_362 = tpu.memref_slice %arg7[%dma_wait3A] : memref<16xi32, #tpu.memory_space<vmem>> -> memref<8xi32, #tpu.memory_space<vmem>>
        %dma_wait3A_363 = tpu.memref_slice %arg4[%mul3A_356] : memref<128xi32, #tpu.memory_space<hbm>> -> memref<8xi32, #tpu.memory_space<hbm>>
        %dma_wait3A_364 = tpu.memref_slice %arg4[%mul3A_356] : memref<128xi32, #tpu.memory_space<hbm>> -> memref<8xi32, #tpu.memory_space<hbm>>
        %dma_wait3A_365 = arith.constant 0 : i32
        %dma_wait3A_366 = tpu.memref_slice %arg7[%dma_wait3A_365] : memref<16xi32, #tpu.memory_space<vmem>> -> memref<8xi32, #tpu.memory_space<vmem>>
        tpu.wait_dma2 semaphore(%run_scoped3A : memref<!tpu.dma_semaphore, #tpu.memory_space<semaphore_mem>>) src(%dma_wait3A_366 : memref<8xi32, #tpu.memory_space<vmem>>) dst(%dma_wait3A_364 : memref<8xi32, #tpu.memory_space<hbm>>)
        tpu.yield
      }) : () -> ()
    } else {
    }
    return
  }
}

</mosaic_0001>

<sc_bundles>
// kernel: kernel.4.cloned.1.call-start
scs
__scs_entry_jumppad:
0x0: {  	(pc) =	sbr.rel $0x88, $3  }
0x1: {  	(tag) =	ssettag $0x0;
	lr =	simm.s32 $0x1  }
0x2: {  	[smem:$0x3FA0] =	sst lr;
	_ =	strace $0xD0000000  }
0x3: {  	_ = 	snop  }
0x4: {  	_ = 	snop  }
0x5: {  	_ = 	snop  }
0x6: {  	_ = 	snop  }
0x7: {  	_ = 	snop  }
__scs_overlays_trampoline_lowered:
0x8: {  	[smem:$0x3FAF] =	sst s0  }
0x9: {  	[smem:$0x3FB0] =	sst s1  }
0xa: {  	[smem:$0x3FB1] =	sst s2  }
0xb: {  	[smem:$0x3FB2] =	sst s3  }
0xc: {  	[smem:$0x3FB3] =	sst s4  }
0xd: {  	[smem:$0x3FB4] =	sst s5  }
0xe: {  	[smem:$0x3FB5] =	sst s6  }
0xf: {  	[smem:$0x3FB6] =	sst s7  }
0x10: {  	[smem:$0x3FB7] =	sst s8  }
0x11: {  	[smem:$0x3FB8] =	sst s9;
	s0 =	simm.s32 @!p0 $0x0  }
0x12: {  	s1 =	sld [smem:$0x3F9E];
	s0 =	simm.s32 @p0 $0x1  }
0x13: {  	[smem:$0x3FB9] =	sst s0;
	s0 =	simm.s32 @!p1 $0x0  }
0x14: {  	s2 =	sld [smem:$0x3F9D];
	s0 =	simm.s32 @p1 $0x1  }
0x15: {  	[smem:$0x3FBA] =	sst s0;
	s0 =	simm.s32 @!p2 $0x0  }
0x16: {  	s3 =	sld [smem:$0x3FDB];
	s0 =	simm.s32 @p2 $0x1  }
0x17: {  	s4 =	simm.s32 $0x1BF5;
	[smem:$0x3FBC] =	sst s0  }
0x18: {  	s0 =	sld [smem:$0x3F9F];
	_ =	swait.ge [sflag:s4], $0x0  }
0x19: {  	s7 =	sld [smem:$0x3FA0]  }
0x1a: {  	s8 =	sadd.s32 $0xFFFFE003, lr  }
0x1b: {  	s9 =	sadd.s32 $0xFFFFFEF7, lr;
	s5 =	simm.s32 $0xFFFFFFFF;
	p2 =	slt.u32 s8, $0xFFFFF086  }
0x1c: {  	p1 =	slt.u32 s9, $0xF7A;
	s5 =	simm.s32 @!p2 $0x0  }
0x1d: {  	s5 =	simm.s32 @p1 $0x1;
	p0 =	seq.s32 s7, s2  }
0x1e: {  	s7 =	smul.u32 @!p0 $0xF7A, s2;
	p2 =	seq.s32 @!p0 s5, $0x0  }
0x1f: {  	s9 =	smul.u32 $0xF7A, s1;
	s8 =	simm.s32 @!p0 $0x1BF5;
	p2 =	por !p2, p0  }
0x20: {  	[sflag:s8] =	ssyncset.s32 @!p0 $0xFFFFF086;
	s6 =	sadd.s32 @!p0 s3, s7;
	s7 =	simm.s32 @!p0 $0x108  }
0x21: {  	s3 =	sadd.s32 s3, s9;
	s6 =	sadd.s32 @!p0 $0x88, s6;
	s7 =	simm.s32 @p2 $0x1082  }
0x22: {  	[simem:s7], [sflag:s8] =	dma.local @!p0 [hbm:s6], $0xF7A  }
0x23: {  	s9 =	sor.u32 $0xD0000000, s2;
	s6 =	simm.s32 $0x108;
	_ =	swait.ge @!p0 [sflag:s8], $0x0  }
0x24: {  	s3 =	sadd.s32 $0x88, s3;
	s6 =	simm.s32 @!p1 $0x1082;
	[sflag:s4] =	ssyncset.s32 $0xFFFFF086  }
0x25: {  	[simem:s6], [sflag:s4] =	dma.local [hbm:s3], $0xF7A  }
0x26: {  	[smem:$0x3FA0] =	sst s1;
	(tag) =	ssettag s2;
	_ =	strace s9  }
0x27: {  	s1 =	sld [smem:$0x3FB0]  }
0x28: {  	s2 =	sld [smem:$0x3FB1]  }
0x29: {  	s4 =	sld [smem:$0x3FB3]  }
0x2a: {  	p0 =	seq.s32 s5, $0x0;
	s5 =	sld [smem:$0x3FB4]  }
0x2b: {  	s6 =	sld [smem:$0x3FB5]  }
0x2c: {  	s7 =	sld [smem:$0x3FB6]  }
0x2d: {  	s3 =	simm.s32 $0x108;
	s8 =	sld [smem:$0x3FB7]  }
0x2e: {  	s3 =	simm.s32 @!p0 $0x1082;
	s9 =	sld [smem:$0x3FB8]  }
0x2f: {  	lr =	sadd.s32 s0, s3;
	s0 =	sld [smem:$0x3FAF]  }
0x30: {  	s3 =	sld [smem:$0x3FB2]  }
0x31: {  	[smem:$0x3FBB] =	sst s10  }
0x32: {  	s10 =	sld [smem:$0x3FB9];
	_ =	sdelay $0x3  }
0x33: {  	p0 =	seq.s32 s10, $0x1;
	s10 =	sld [smem:$0x3FBB];
	_ =	sdelay $0x3  }
0x34: {  	[smem:$0x3FBB] =	sst s10  }
0x35: {  	s10 =	sld [smem:$0x3FBA];
	_ =	sdelay $0x3  }
0x36: {  	p1 =	seq.s32 s10, $0x1;
	s10 =	sld [smem:$0x3FBB];
	_ =	sdelay $0x3  }
0x37: {  	[smem:$0x3FBB] =	sst s10  }
0x38: {  	s10 =	sld [smem:$0x3FBC]  }
0x39: {  	_ = 	snop;
	(pc) =	sbr.ind lr, $3  }
0x3a: {  	_ = 	snop  }
0x3b: {  	_ = 	snop  }
0x3c: {  	p2 =	seq.s32 s10, $0x1;
	s10 =	sld [smem:$0x3FBB]  }
0x3d: {  	_ =	shalt  }
0x3e: {  	_ =	shalt  }
0x3f: {  	_ =	shalt  }
0x40: {  	_ =	shalt  }
0x41: {  	_ =	shalt  }
0x42: {  	_ =	shalt  }
0x43: {  	_ =	shalt  }
0x44: {  	_ =	shalt  }
0x45: {  	_ =	shalt  }
0x46: {  	_ =	shalt  }
0x47: {  	_ =	shalt  }
0x48: {  	_ =	shalt  }
0x49: {  	_ =	shalt  }
0x4a: {  	_ =	shalt  }
0x4b: {  	_ =	shalt  }
0x4c: {  	_ =	shalt  }
0x4d: {  	_ =	shalt  }
0x4e: {  	_ =	shalt  }
0x4f: {  	_ =	shalt  }
0x50: {  	_ =	shalt  }
0x51: {  	_ =	shalt  }
0x52: {  	_ =	shalt  }
0x53: {  	_ =	shalt  }
0x54: {  	_ =	shalt  }
0x55: {  	_ =	shalt  }
0x56: {  	_ =	shalt  }
0x57: {  	_ =	shalt  }
0x58: {  	_ =	shalt  }
0x59: {  	_ =	shalt  }
0x5a: {  	_ =	shalt  }
0x5b: {  	_ =	shalt  }
0x5c: {  	_ =	shalt  }
0x5d: {  	_ =	shalt  }
0x5e: {  	_ =	shalt  }
0x5f: {  	_ =	shalt  }
0x60: {  	_ =	shalt  }
0x61: {  	_ =	shalt  }
0x62: {  	_ =	shalt  }
0x63: {  	_ =	shalt  }
0x64: {  	_ =	shalt  }
0x65: {  	_ =	shalt  }
0x66: {  	_ =	shalt  }
0x67: {  	_ =	shalt  }
0x68: {  	_ =	shalt  }
0x69: {  	_ =	shalt  }
0x6a: {  	_ =	shalt  }
0x6b: {  	_ =	shalt  }
0x6c: {  	_ =	shalt  }
0x6d: {  	_ =	shalt  }
0x6e: {  	_ =	shalt  }
0x6f: {  	_ =	shalt  }
0x70: {  	_ =	shalt  }
0x71: {  	_ =	shalt  }
0x72: {  	_ =	shalt  }
0x73: {  	_ =	shalt  }
0x74: {  	_ =	shalt  }
0x75: {  	_ =	shalt  }
0x76: {  	_ =	shalt  }
0x77: {  	_ =	shalt  }
0x78: {  	_ =	shalt  }
0x79: {  	_ =	shalt  }
0x7a: {  	_ =	shalt  }
0x7b: {  	_ =	shalt  }
0x7c: {  	_ =	shalt  }
0x7d: {  	_ =	shalt  }
0x7e: {  	_ =	shalt  }
0x7f: {  	_ =	shalt  }
0x80: {  	_ =	shalt  }
0x81: {  	_ =	shalt  }
0x82: {  	_ =	shalt  }
0x83: {  	_ =	shalt  }
0x84: {  	_ =	shalt  }
0x85: {  	_ =	shalt  }
0x86: {  	_ =	shalt  }
0x87: {  	_ =	shalt  }
.Lfunc_end0:
.L_simem_size_0:
called_computation_lowered:
.L_overlay_start_0:
0x88: {  	s2 =	sld [smem:$0x3FD9]  }
0x89: {  	s3 =	sld [smem:$0x3FFE];
	_ =	sdelay $0x1  }
0x8a: {  	s1 =	srdreg.scid  }
0x8b: {  	s0 =	sand.u32 $0x1, s1  }
0x8c: {  	s17 =	sshll.u32 s0, $0xA;
	s2 =	sadd.s32 s3, s2  }
0x8d: {  	s2 =	sadd.s32 s2, s17  }
0x8e: {  	[smem:$0x3FC7] =	sst s2  }
0x8f: {  	_ = 	snop  }
0x90: {  	s2 =	sld [smem:$0x3FC9];
	(tm) =	ssettm $0x1  }
0x91: {  	s18 =	sld [smem:$0x3FFB];
	_ =	sdelay $0x3  }
0x92: {  	_ =	strace s18  }
0x93: {  	s3 =	sld [smem:$0x3FFC];
	_ =	sdelay $0x3  }
0x94: {  	_ =	strace s3  }
0x95: {  	s3 =	sld [smem:$0x3FFD];
	_ =	sdelay $0x3  }
0x96: {  	_ =	strace s3  }
0x97: {  	_ =	strace $0x8FFFFFFF  }
0x98: {  	s19 =	sld [smem:$0x3FDB];
	_ =	sdelay $0x1  }
0x99: {  	s4 =	simm.s32 $_scs_section_size  }
0x9a: {  	s5 =	simm.s32 $_size__tile_overlayer_lowered;
	s6 =	simm.s32 $_tile_overlayer_lowered  }
0x9b: {  	s22 =	simm.s32 $0x1BFF;
	s21 =	sshll.u32 s6, $0x1;
	s3 =	sadd.s32 s4, s19  }
0x9c: {  	s7 =	simm.s32 $0x0;
	s20 =	sshll.u32 s5, $0x1;
	s5 =	sadd.s32 s21, s3  }
0x9d: {  	[timem:s7], [sflag:s22] =	dma.local [hbm:s5], s20  }
0x9e: {  	_ =	swait.ge [sflag:s22], s20  }
0x9f: {  	s4 =	ssub.s32 $0x0, s20;
	[sflag:s22] =	ssyncset.done $0x0  }
0xa0: {  	[sflag:s22] =	ssyncadd.s32 s4;
	_ =	sdelay $0x1  }
0xa1: {  	s23 =	simm.s32 $0x1B8B  }
0xa2: {  	_ =	swait.ge [sflag:s23], $0x1  }
0xa3: {  	[sflag:s23] =	ssyncset.done $0x0  }
0xa4: {  	s25 =	simm.s32 $0x1B8E;
	s24 =	sld [smem:$0x3FFE];
	[sflag:s23] =	ssyncadd.s32 $0xFFFFFFFF  }
0xa5: {  	s26 =	simm.s32 $execute0_lowered;
	[smem:$0x3FD2] =	sst s25  }
0xa6: {  	s5 =	sshll.u32 s26, $0x1;
	_ =	strace $0x80000046;
	[dreg:$0x1] =	wrdreg $0xFFFFFFFF  }
0xa7: {  	s28 =	simm.s32 $_size_execute0_lowered;
	s3 =	sadd.s32 s3, s5;
	[dreg:$0x0] =	wrdreg $0x0  }
0xa8: {  	s5 =	sshll.u32 s28, $0x1;
	[dreg:$0x2] =	wrdreg s3  }
0xa9: {  	[dreg:$0x3] =	wrdreg s5  }
0xaa: {  	[dreg:$0x4] =	wrdreg $0xC0  }
0xab: {  	_ =	task [dreg:s7], $0x5FFFF  }
0xac: {  	[dreg:$0x1] =	wrdreg $0xFFFFFFFF  }
0xad: {  	[dreg:$0x0] =	wrdreg $0x60  }
0xae: {  	[dreg:$0x2] =	wrdreg s2  }
0xaf: {  	[dreg:$0x3] =	wrdreg s24  }
0xb0: {  	[dreg:$0x4] =	wrdreg $0x9  }
0xb1: {  	_ =	task.clear_ibuf [dreg:s7], $0x5FFFF;
	_ =	strace $0x90000046  }
0xb2: {  	s29 =	simm.s32 $0x9;
	_ =	strace $0x80000048  }
0xb3: {  	_ =	swait.ge [sflag:s29], $0x1  }
0xb4: {  	[sflag:s29] =	ssyncadd.s32 $0xFFFFFFFF  }
0xb5: {  	_ =	strace $0x90000048  }
0xb6: {  	_ =	sfence  }
0xb7: {  	s30 =	sld [smem:$0x0];
	_ =	sdelay $0x2  }
0xb8: {  	s31 =	sshll.u32 s1, $0xD;
	s1 =	sshrl.u32 s1, $0x2  }
0xb9: {  	s3 =	sand.u32 $0x4000, s31;
	s1 =	sadd.s32 s1, s30  }
0xba: {  	s0 =	sor.u32 s3, s0;
	s1 =	sshll.u32 s1, $0x11  }
0xbb: {  	s0 =	sor.u32 s1, s0  }
0xbc: {  	s0 =	sadd.s32 $0x8F2B, s0  }
0xbd: {  	[sflag:s0] =	ssyncadd.remote.s32 $0x1  }
0xbe: {  	_ =	sfence.sel $0xFFFF  }
0xbf: {  	[dreg:$0x0] =	wrdreg $0xFFFFFFFF;
	(pc) =	sbr.abs _section_cstart, $3  }
0xc0: {  	[dreg:$0x1] =	wrdreg $0xFFFFFFFF  }
0xc1: {  	_ =	task.clear_ibuf [dreg:s7], $0x2FFFF;
	_ =	strace $0x9FFFFFFF  }
0xc2: {  	(tm) =	ssettm $0x7FFFFFFF  }
0xc3: {  	_ =	shalt  }
tec
execute0_lowered:
.L_overlay_start_1:
0x0: {  	(tag) =	ssettag $0x1  }
0x1: {  	s0 =	srdreg.scid  }
0x2: {  	s9 =	stileid.u32;
	s2 =	rddreg [dreg:$0x0]  }
0x3: {  	s5 =	rddreg [dreg:$0x1];
	s3 =	simm.s32 $0x0;
	s18 =	simm.s32 $0x6000  }
0x4: {  	s19 =	simm.s32 $0x1;
	s20 =	simm.s32 $0x2;
	s21 =	simm.s32 $0x3  }
0x5: {  	s22 =	simm.s32 $0x4;
	s24 =	simm.s32 $0x5;
	s26 =	simm.s32 $0x0  }
0x6: {  	s0 =	sand.u32 $0x1, s0;
	s1 =	sshll.u32 s9, $0x1;
	s15 =	smul.u32 $0x1870, s9  }
0x7: {  	s1 =	sor.u32 s0, s1;
	s7 =	ssub.s32 $0x2, s0;
	s0 =	smul.u32 $0xC38, s0  }
0x8: {  	[smem:$0x7FF] =	sst s3;
	s4 =	smul.u32 $0xC38, s1;
	s1 =	sshll.u32 s1, $0x4  }
0x9: {  	_ =	strace $0x80000047;
	s8 =	sshrl.u32 s7, $0x1;
	s1 =	sadd.s32 s1, s5  }
0xa: {  	s29 =	ssub.s32 s7, s8;
	s0 =	sadd.s32 s0, s15;
	s6 =	smin.u32 s4, $0x17A68  }
0xb: {  	s12 =	sadd.s32 $0xC00, s1;
	s13 =	sadd.s32 $0xE00, s1;
	s4 =	sshll.u32 s6, $0x4  }
0xc: {  	s14 =	smax.u32 s29, $0x1;
	s15 =	smin.u32 s0, $0x17A68;
	s4 =	sadd.s32 s2, s4  }
0xd: {  	s8 =	sadd.s32 $0x100, s6;
	s9 =	sadd.s32 $0x140, s6;
	s30 =	sadd.s32 $0x400, s4  }
0xe: {  	s10 =	sadd.s32 $0x180, s6;
	s31 =	sadd.s32 $0x800, s4;
	[dreg:$0x3] =	wrdreg s30  }
0xf: {  	s11 =	sadd.s32 $0x1C0, s6;
	s7 =	sadd.s32 $0xC00, s4;
	[dreg:$0x4] =	wrdreg s31  }
.LBB2_1:
0x10: {  	[tilespmem:s3], [sflag:$0x1] =	stream.linear.gather [hbm4b:s4+s3], $0x2000, $0x38;
	[tilespmem:$0x8100] =	vst v63  }
0x11: {  	s0 =	rddreg [dreg:$0x3];
	s1 =	simm.s32 $0x2000;
	v19 =	vimm.f32 $-Inf  }
0x12: {  	v1 =	vimm.s32 $0x0;
	v18 =	vimm.s32 $0x0;
	v25 =	vimm.s32 $0x0;
	[tilespmem:s1], [sflag:$0x2] =	stream.linear.gather [hbm4b:s0+s3], $0x2000, $0x38;
	[tilespmem:$0x8100] =	vst v63  }
0x13: {  	s30 =	rddreg [dreg:$0x4];
	s31 =	simm.s32 $0x4000;
	v16 =	vimm.s32 $0x0;
	v2 =	vimm.s32 $0x0;
	v0 =	vimm.s32 $0x0  }
0x14: {  	v14 =	vimm.s32 $0x0;
	v15 =	vimm.s32 $0x0;
	v4 =	vimm.f32 $-Inf;
	[tilespmem:s31], [sflag:$0x3] =	stream.linear.gather [hbm4b:s30+s3], $0x2000, $0x38;
	[tilespmem:$0x8100] =	vst v63  }
0x15: {  	v22 =	vimm.f32 $-Inf;
	v13 =	vimm.f32 $-Inf;
	v21 =	vimm.f32 $-Inf;
	s28 =	smov.u32 s15;
	s29 =	simm.s32 $0x0  }
0x16: {  	v3 =	vimm.f32 $-Inf;
	v17 =	vimm.f32 $-Inf;
	v20 =	vimm.f32 $-Inf;
	[tilespmem:s18], [sflag:$0x4] =	stream.linear.gather [hbm4b:s7+s3], $0x2000, $0x38;
	[tilespmem:$0x8100] =	vst v63  }
.LBB2_2:
0x17: {  	_ =	swait.ge [sflag:s19], $0x2000  }
0x18: {  	[sflag:s19] =	ssyncset.done $0x0  }
0x19: {  	s31 =	simm.s32 $0x100;
	[sflag:s19] =	ssyncadd.s32 $0xFFFFE000  }
0x1a: {  	v6 =	vld [tilespmem:s31+$0xFFFFFFB0]  }
0x1b: {  	v8 =	vld [tilespmem:s31+$0x60]  }
0x1c: {  	v9 =	vld [tilespmem:s31+$0x50]  }
0x1d: {  	v12 =	vld [tilespmem:s31+$0xFFFFFFE0]  }
0x1e: {  	v11 =	vld [tilespmem:s31+$0xFFFFFFD0]  }
0x1f: {  	v23 =	vld [tilespmem:s31+$0xFFFFFF70]  }
0x20: {  	v24 =	vld [tilespmem:s31+$0xFFFFFF60]  }
0x21: {  	v27 =	vld [tilespmem:s31+$0xFFFFFF50]  }
0x22: {  	v28 =	vld [tilespmem:s31+$0xFFFFFF40]  }
0x23: {  	v32 =	vld [tilespmem:s31+$0xFFFFFF00]  }
0x24: {  	v26 =	vld [tilespmem:s31+$0xFFFFFFF0]  }
0x25: {  	v30 =	vld [tilespmem:s31+$0xFFFFFF30]  }
0x26: {  	v10 =	vld [tilespmem:s31+$0x70];
	vm0 =	vgt.f32 v23, v19;
	v29 =	vmax.f32 v19, v23  }
0x27: {  	s0 =	sadd.s32 $0x0, s28;
	v5 =	vld [tilespmem:s31+$0x40];
	vm3 =	vgt.f32 v24, v4;
	v24 =	vmax.f32 v4, v24;
	v4 =	vmax.f32 v22, v27  }
0x28: {  	v7 =	vld [tilespmem:s31+$0xFFFFFFC0];
	vm1 =	vgt.f32 v28, v13;
	vm5 =	vgt.f32 v32, v20;
	v31 =	vsel vm0, s0, v18  }
0x29: {  	v18 =	vld [tilespmem:s31+$0xFFFFFF20];
	vm0 =	vgt.f32 v27, v22;
	v23 =	vmax.f32 v29, v26;
	v33 =	vmax.f32 v4, v11  }
0x2a: {  	v27 =	vld [tilespmem:s31+$0xFFFFFF10];
	v22 =	vmax.f32 v24, v12;
	v25 =	vsel vm3, s0, v25;
	vm3 =	vgt.f32 v30, v21  }
0x2b: {  	s1 =	sadd.s32 $0x1, s0;
	v34 =	vld [tilespmem:s31+$0xFFFFFF80];
	v21 =	vmax.f32 v21, v30;
	v16 =	vsel vm0, s0, v16;
	vm0 =	vgt.f32 v11, v4  }
0x2c: {  	s16 =	sadd.s32 $0x2, s0;
	v11 =	vmax.f32 v13, v28;
	v13 =	vld [tilespmem:s31+$0xFFFFFF90];
	vm4 =	vgt.f32 v9, v33;
	v4 =	vsel vm0, s1, v16  }
0x2d: {  	v19 =	vld [tilespmem:s31+$0xE0];
	vm2 =	vgt.f32 v10, v23;
	v4 =	vsel vm4, s16, v4;
	vm4 =	vgt.f32 v26, v29  }
0x2e: {  	v16 =	vsel vm3, s0, v2;
	v29 =	vld [tilespmem:s31+$0x0];
	v26 =	vmax.f32 v22, v8;
	v2 =	vsel vm4, s1, v31  }
0x2f: {  	v28 =	vld [tilespmem:s31+$0x80];
	vm0 =	vgt.f32 v18, v3;
	vm3 =	vgt.f32 v27, v17;
	v27 =	vmax.f32 v17, v27  }
0x30: {  	v30 =	vsel vm3, s0, v14;
	v14 =	vmax.f32 v33, v9;
	v9 =	vmax.f32 v20, v32;
	v20 =	vld [tilespmem:s31+$0x10]  }
0x31: {  	v17 =	vsel vm5, s0, v15;
	v15 =	vld [tilespmem:s31+$0x90];
	vm3 =	vgt.f32 v13, v27;
	v27 =	vmax.f32 v27, v13  }
0x32: {  	s30 =	sshll.u32 s29, $0x8;
	s17 =	simm.s32 $0x4;
	s23 =	simm.s32 $0x300;
	v13 =	vld [tilespmem:s31+$0xB0];
	vm4 =	vgt.f32 v34, v9;
	v31 =	vmax.f32 v9, v34;
	v9 =	vmax.f32 v26, v19  }
.LBB2_3:
0x33: {  	v32 =	vld [tilespmem:s23+$0xFFFFFFB0];
	p0 =	sne.s32 s17, $0x3C;
	v30 =	vsel vm3, s1, v30;
	vm3 =	vgt.f32 v12, v24;
	vm5 =	vgt.f32 v29, v31;
	s25 =	smov.u32 s17;
	s17 =	sadd.s32 $0x4, s17  }
0x34: {  	v12 =	vsel vm4, s1, v17;
	v17 =	vmax.f32 v31, v29;
	v24 =	vsel vm2, s16, v2;
	v29 =	vld [tilespmem:s31+$0xD0]  }
0x35: {  	v23 =	vmax.f32 v23, v10;
	v12 =	vsel vm5, s16, v12;
	v31 =	vld [tilespmem:s31+$0xFFFFFFA0];
	vm4 =	vgt.f32 v20, v27  }
0x36: {  	s5 =	sadd.s32 $0x3, s0;
	v10 =	vsel vm3, s1, v25;
	vm2 =	vgt.f32 v28, v17;
	v2 =	vmax.f32 v17, v28;
	v25 =	vld [tilespmem:s31+$0x20]  }
0x37: {  	v3 =	vmax.f32 v3, v18;
	vm5 =	vgt.f32 v8, v22;
	v17 =	vsel vm2, s5, v12;
	v18 =	vld [tilespmem:s31+$0xF0]  }
0x38: {  	v22 =	vmax.f32 v21, v6;
	v20 =	vmax.f32 v27, v20;
	vm2 =	vgt.f32 v19, v26;
	v27 =	vld [tilespmem:s31+$0xA0]  }
0x39: {  	vm6 =	vgt.f32 v6, v21;
	v19 =	vsel vm4, s16, v30;
	v6 =	vmovc v32;
	v21 =	vld [tilespmem:s31+$0x30];
	v26 =	vmax.f32 v14, v29  }
0x3a: {  	vm3 =	vgt.f32 v7, v11;
	v28 =	vsel vm5, s16, v10;
	v12 =	vmax.f32 v3, v31;
	v30 =	vld [tilespmem:s31+$0xC0];
	s31 =	smov.u32 s23  }
0x3b: {  	v1 =	vsel vm1, s0, v1;
	vm5 =	vgt.f32 v31, v3;
	v8 =	vld [tilespmem:s23+$0x60];
	vm4 =	vgt.f32 v25, v12  }
0x3c: {  	v16 =	vsel vm6, s1, v16;
	v3 =	vmax.f32 v12, v25;
	v31 =	vld [tilespmem:s23+$0x50];
	vm6 =	vgt.f32 v18, v23  }
0x3d: {  	vm8 =	vgt.f32 v29, v14;
	v12 =	vld [tilespmem:s23+$0xFFFFFFE0];
	vm7 =	vgt.f32 v27, v3;
	v3 =	vmax.f32 v3, v27  }
0x3e: {  	v7 =	vmax.f32 v11, v7;
	vm9 =	vgt.f32 v15, v20;
	v10 =	vld [tilespmem:s23+$0x70];
	vm1 =	vgt.f32 v21, v22  }
0x3f: {  	v0 =	vsel vm0, s0, v0;
	vm0 =	vgt.f32 v5, v7;
	v14 =	vmax.f32 v20, v15;
	v11 =	vld [tilespmem:s23+$0xFFFFFFD0]  }
0x40: {  	v5 =	vmax.f32 v7, v5;
	v0 =	vsel vm5, s1, v0;
	v20 =	vmax.f32 v22, v21;
	v15 =	vld [tilespmem:s23+$0xFFFFFFF0]  }
0x41: {  	v4 =	vsel vm8, s5, v4;
	v27 =	vsel vm9, s5, v19;
	v19 =	vmax.f32 v5, v30;
	v21 =	vld [tilespmem:s23+$0xFFFFFF70]  }
0x42: {  	v0 =	vsel vm4, s16, v0;
	v25 =	vsel vm6, s5, v24;
	vm4 =	vgt.f32 v30, v5;
	v22 =	vld [tilespmem:s23+$0xFFFFFF60]  }
0x43: {  	v1 =	vsel vm3, s1, v1;
	v0 =	vsel vm7, s5, v0;
	v30 =	vmax.f32 v20, v13;
	v29 =	vld [tilespmem:s23+$0xFFFFFF50]  }
0x44: {  	v1 =	vsel vm0, s16, v1;
	vm0 =	vgt.f32 v13, v20;
	v13 =	vmax.f32 v23, v18;
	v5 =	vld [tilespmem:s23+$0x40]  }
0x45: {  	v16 =	vsel vm1, s16, v16;
	v20 =	vsel vm2, s5, v28;
	v1 =	vsel vm4, s5, v1;
	v7 =	vld [tilespmem:s23+$0xFFFFFFC0]  }
0x46: {  	s0 =	sadd.s32 s25, s28;
	v16 =	vsel vm0, s5, v16;
	v28 =	vld [tilespmem:s23+$0xFFFFFF40];
	vm1 =	vgt.f32 v21, v13;
	v13 =	vmax.f32 v13, v21  }
0x47: {  	v21 =	vld [tilespmem:s23+$0xFFFFFF30];
	vm0 =	vgt.f32 v22, v9;
	v24 =	vmax.f32 v9, v22;
	v9 =	vsel vm1, s0, v25  }
0x48: {  	v23 =	vmax.f32 v13, v15;
	v18 =	vld [tilespmem:s23+$0xFFFFFF20];
	vm1 =	vgt.f32 v29, v26;
	v22 =	vmax.f32 v26, v29  }
0x49: {  	s1 =	sadd.s32 $0x1, s0;
	vm2 =	vgt.f32 v10, v23;
	v26 =	vld [tilespmem:s23+$0xFFFFFF10];
	v4 =	vsel vm1, s0, v4;
	vm1 =	vgt.f32 v11, v22  }
0x4a: {  	v33 =	vmax.f32 v22, v11;
	v22 =	vmax.f32 v24, v12;
	v32 =	vld [tilespmem:s23+$0xFFFFFF00];
	v4 =	vsel vm1, s1, v4  }
0x4b: {  	v25 =	vsel vm0, s0, v20;
	vm1 =	vgt.f32 v28, v19;
	v11 =	vmax.f32 v19, v28;
	v19 =	vld [tilespmem:s23+$0xE0]  }
0x4c: {  	s16 =	sadd.s32 $0x2, s0;
	vm4 =	vgt.f32 v31, v33;
	vm3 =	vgt.f32 v21, v30;
	v21 =	vmax.f32 v30, v21;
	v34 =	vld [tilespmem:s23+$0xFFFFFF90]  }
0x4d: {  	v4 =	vsel vm4, s16, v4;
	vm0 =	vgt.f32 v18, v3;
	v16 =	vsel vm3, s0, v16;
	v35 =	vld [tilespmem:s23+$0xFFFFFF80]  }
.Ltmp0:
0x4e: {  	vm4 =	vgt.f32 v15, v13;
	vm3 =	vgt.f32 v26, v14;
	v26 =	vmax.f32 v14, v26;
	v29 =	vld [tilespmem:s23+$0x0];
	(pc) =	sbr.rel @p0 .LBB2_3-.Ltmp0, $4  }
0x4f: {  	v14 =	vmax.f32 v33, v31;
	vm5 =	vgt.f32 v32, v2;
	v30 =	vsel vm3, s0, v27;
	v28 =	vld [tilespmem:s23+$0x80]  }
0x50: {  	v15 =	vmax.f32 v2, v32;
	v2 =	vsel vm4, s1, v9;
	v17 =	vsel vm5, s0, v17;
	v20 =	vld [tilespmem:s23+$0x10]  }
0x51: {  	vm3 =	vgt.f32 v34, v26;
	v27 =	vmax.f32 v26, v34;
	v26 =	vmax.f32 v22, v8;
	v13 =	vld [tilespmem:s23+$0xB0]  }
0x52: {  	s23 =	sadd.s32 $0x200, s23;
	vm4 =	vgt.f32 v35, v15;
	v31 =	vmax.f32 v15, v35;
	v15 =	vld [tilespmem:s31+$0x90];
	v9 =	vmax.f32 v26, v19  }
0x53: {  	v32 =	vld [tilespmem:s31+$0xD0]  }
0x54: {  	v33 =	vld [tilespmem:s31+$0xFFFFFFA0]  }
0x55: {  	v34 =	vld [tilespmem:s31+$0x20];
	s5 =	smin.u32 s30, $0xAF8  }
0x56: {  	v35 =	vld [tilespmem:s31+$0xF0];
	s5 =	sadd.s32 s5, s8  }
0x57: {  	v36 =	vld [tilespmem:s31+$0xA0];
	s5 =	sshll.u32 s5, $0x4  }
0x58: {  	v37 =	vld [tilespmem:s31+$0x30];
	vm5 =	vgt.f32 v12, v24;
	vm6 =	vgt.f32 v29, v31;
	v12 =	vmax.f32 v31, v29;
	s6 =	simm.s32 $0x0;
	s5 =	sadd.s32 s2, s5  }
0x59: {  	v24 =	vld [tilespmem:s31+$0xC0];
	v10 =	vmax.f32 v23, v10;
	v3 =	vmax.f32 v3, v18;
	v17 =	vsel vm4, s1, v17;
	[tilespmem:s6], [sflag:$0x1] =	stream.linear.gather [hbm4b:s5+s6], $0x2000, $0x38  }
0x5a: {  	v18 =	vsel vm2, s16, v2;
	vm4 =	vgt.f32 v8, v22;
	v8 =	vmax.f32 v21, v6;
	_ =	swait.ge [sflag:s20], $0x2000  }
0x5b: {  	vm2 =	vgt.f32 v19, v26;
	v1 =	vsel vm1, s0, v1;
	v0 =	vsel vm0, s0, v0;
	[sflag:s20] =	ssyncset.done $0x0  }
0x5c: {  	s25 =	sadd.s32 $0x3, s0;
	s31 =	simm.s32 $0x2100;
	vm7 =	vgt.f32 v28, v12;
	v23 =	vmax.f32 v12, v28;
	v2 =	vsel vm6, s16, v17;
	[sflag:s20] =	ssyncadd.s32 $0xFFFFE000  }
0x5d: {  	v12 =	vsel vm3, s1, v30;
	v17 =	vsel vm5, s1, v25;
	v29 =	vsel vm7, s25, v2;
	v2 =	vld [tilespmem:s31+$0xFFFFFFA0]  }
0x5e: {  	vm5 =	vgt.f32 v6, v21;
	vm3 =	vgt.f32 v20, v27;
	v20 =	vmax.f32 v27, v20;
	v6 =	vld [tilespmem:s31+$0xFFFFFF90]  }
0x5f: {  	v12 =	vsel vm3, s16, v12;
	vm3 =	vgt.f32 v7, v11;
	v7 =	vmax.f32 v11, v7;
	v22 =	vld [tilespmem:s31+$0xE0]  }
0x60: {  	v17 =	vsel vm4, s16, v17;
	vm9 =	vgt.f32 v15, v20;
	vm0 =	vgt.f32 v5, v7;
	v30 =	vld [tilespmem:s31+$0x60]  }
0x61: {  	v26 =	vmax.f32 v20, v15;
	v21 =	vmax.f32 v3, v33;
	vm1 =	vgt.f32 v33, v3;
	v3 =	vld [tilespmem:s31+$0x50]  }
0x62: {  	v5 =	vmax.f32 v7, v5;
	v1 =	vsel vm3, s1, v1;
	v19 =	vmax.f32 v14, v32;
	v25 =	vld [tilespmem:s31+$0xFFFFFFE0]  }
0x63: {  	vm7 =	vgt.f32 v32, v14;
	vm8 =	vgt.f32 v37, v8;
	v15 =	vmax.f32 v8, v37;
	v31 =	vld [tilespmem:s31+$0x70]  }
0x64: {  	v7 =	vmax.f32 v5, v24;
	vm4 =	vgt.f32 v34, v21;
	v21 =	vmax.f32 v21, v34;
	v27 =	vld [tilespmem:s31+$0xFFFFFF70]  }
0x65: {  	v14 =	vsel vm1, s1, v0;
	v20 =	vsel vm7, s25, v4;
	vm1 =	vgt.f32 v24, v5;
	v24 =	vld [tilespmem:s31+$0xFFFFFF60]  }
0x66: {  	v28 =	vmax.f32 v15, v13;
	vm6 =	vgt.f32 v36, v21;
	v4 =	vsel vm4, s16, v14;
	v59 =	vld [tilespmem:s31+$0xFFFFFF50]  }
0x67: {  	v8 =	vsel vm6, s25, v4;
	v4 =	vsel vm0, s16, v1;
	vm0 =	vgt.f32 v13, v15;
	v15 =	vld [tilespmem:s31+$0xFFFFFF40]  }
0x68: {  	v16 =	vsel vm5, s1, v16;
	vm5 =	vgt.f32 v35, v10;
	v58 =	vsel vm9, s25, v12;
	v60 =	vld [tilespmem:s31+$0xFFFFFF00]  }
0x69: {  	v10 =	vmax.f32 v10, v35;
	v18 =	vsel vm5, s25, v18;
	v5 =	vsel vm8, s16, v16;
	v0 =	vld [tilespmem:s31+$0xFFFFFFF0]  }
0x6a: {  	v21 =	vmax.f32 v21, v36;
	v11 =	vld [tilespmem:s31+$0xFFFFFFD0];
	v13 =	vsel vm2, s25, v17;
	v12 =	vsel vm1, s25, v4  }
0x6b: {  	v16 =	vld [tilespmem:s31+$0xFFFFFF30];
	v5 =	vsel vm0, s25, v5;
	vm0 =	vgt.f32 v27, v10;
	v14 =	vmax.f32 v10, v27  }
0x6c: {  	s17 =	sadd.s32 $0x0, s28;
	v63 =	vld [tilespmem:s31+$0xFFFFFF80];
	vm1 =	vgt.f32 v24, v9;
	v9 =	vmax.f32 v9, v24;
	v17 =	vmax.f32 v19, v59  }
0x6d: {  	v1 =	vld [tilespmem:s31+$0x40];
	s16 =	sadd.s32 $0x40, s17;
	vm4 =	vgt.f32 v15, v7;
	vm15 =	vgt.f32 v60, v23;
	v23 =	vmax.f32 v23, v60  }
0x6e: {  	v10 =	vsel vm0, s16, v18;
	v18 =	vld [tilespmem:s31+$0xFFFFFF20];
	vm0 =	vgt.f32 v59, v19;
	v19 =	vmax.f32 v14, v0  }
0x6f: {  	v4 =	vld [tilespmem:s31+$0xFFFFFFC0];
	vm2 =	vgt.f32 v11, v17;
	v17 =	vmax.f32 v17, v11;
	v61 =	vmax.f32 v9, v25  }
0x70: {  	v27 =	vld [tilespmem:s31+$0xFFFFFF10];
	v11 =	vmax.f32 v7, v15;
	v62 =	vsel vm1, s16, v13;
	v15 =	vmax.f32 v28, v16  }
0x71: {  	s1 =	sadd.s32 $0x41, s17;
	v24 =	vld [tilespmem:s31+$0x0];
	vm6 =	vgt.f32 v25, v9;
	vm7 =	vgt.f32 v63, v23;
	v20 =	vsel vm0, s16, v20  }
0x72: {  	v9 =	vld [tilespmem:s31+$0xC0];
	vm0 =	vgt.f32 v31, v19;
	v20 =	vsel vm2, s1, v20;
	vm2 =	vgt.f32 v16, v28  }
0x73: {  	v16 =	vmax.f32 v61, v30;
	vm3 =	vgt.f32 v18, v21;
	v18 =	vmax.f32 v21, v18;
	v21 =	vld [tilespmem:s31+$0xF0]  }
0x74: {  	v13 =	vld [tilespmem:s31+$0xB0];
	v28 =	vmax.f32 v23, v63;
	v23 =	vmax.f32 v19, v31;
	v7 =	vmax.f32 v16, v22  }
0x75: {  	vm1 =	vgt.f32 v22, v16;
	vm8 =	vgt.f32 v27, v26;
	v25 =	vmax.f32 v26, v27;
	v27 =	vld [tilespmem:s31+$0x10]  }
0x76: {  	v19 =	vld [tilespmem:s31+$0x90];
	v26 =	vsel vm6, s1, v62;
	v16 =	vmax.f32 v28, v24;
	vm6 =	vgt.f32 v30, v61  }
0x77: {  	s23 =	simm.s32 $0x4;
	s0 =	sadd.s32 $0x42, s17;
	s25 =	simm.s32 $0x2300;
	v22 =	vld [tilespmem:s31+$0x20];
	v30 =	vsel vm15, s16, v29;
	vm5 =	vgt.f32 v6, v25;
	v29 =	vsel vm8, s16, v58  }
.LBB2_5:
0x78: {  	v31 =	vld [tilespmem:s25+$0xFFFFFFA0];
	p0 =	sne.s32 s23, $0x3C;
	v30 =	vsel vm7, s1, v30;
	v6 =	vmax.f32 v25, v6;
	v25 =	vmax.f32 v23, v21;
	s5 =	smov.u32 s23;
	s23 =	sadd.s32 $0x4, s23  }
0x79: {  	v29 =	vsel vm5, s1, v29;
	vm5 =	vgt.f32 v24, v28;
	v24 =	vsel vm6, s0, v26;
	v32 =	vld [tilespmem:s31+$0xFFFFFFB0]  }
0x7a: {  	vm7 =	vgt.f32 v3, v17;
	vm6 =	vgt.f32 v27, v6;
	v6 =	vmax.f32 v6, v27;
	v26 =	vld [tilespmem:s31+$0xD0]  }
0x7b: {  	v20 =	vsel vm7, s0, v20;
	v27 =	vsel vm5, s0, v30;
	v28 =	vsel vm6, s0, v29;
	v29 =	vld [tilespmem:s31+$0x80]  }
0x7c: {  	vm8 =	vgt.f32 v0, v14;
	s6 =	sadd.s32 $0x43, s17;
	vm5 =	vgt.f32 v19, v6;
	v30 =	vmax.f32 v6, v19;
	v0 =	vld [tilespmem:s31+$0xA0]  }
0x7d: {  	v14 =	vmax.f32 v18, v2;
	v17 =	vmax.f32 v17, v3;
	v33 =	vld [tilespmem:s31+$0x30];
	v19 =	vsel vm5, s6, v28;
	s31 =	smov.u32 s25  }
0x7e: {  	vm6 =	vgt.f32 v22, v14;
	vm5 =	vgt.f32 v21, v23;
	v6 =	vld [tilespmem:s25+$0xFFFFFF90];
	v28 =	vmax.f32 v15, v32  }
0x7f: {  	v12 =	vsel vm4, s16, v12;
	vm7 =	vgt.f32 v2, v18;
	v14 =	vmax.f32 v14, v22;
	v2 =	vmovc v31;
	v23 =	vld [tilespmem:s25+$0xE0]  }
0x80: {  	vm9 =	vgt.f32 v32, v15;
	vm4 =	vgt.f32 v26, v17;
	v31 =	vld [tilespmem:s25+$0x60];
	vm10 =	vgt.f32 v29, v16  }
0x81: {  	v8 =	vsel vm3, s16, v8;
	v10 =	vsel vm8, s1, v10;
	v3 =	vld [tilespmem:s25+$0x50];
	vm3 =	vgt.f32 v0, v14  }
0x82: {  	v5 =	vsel vm2, s16, v5;
	v32 =	vsel vm10, s6, v27;
	v18 =	vld [tilespmem:s25+$0xFFFFFFE0];
	v15 =	vmax.f32 v28, v33  }
0x83: {  	v21 =	vmax.f32 v11, v4;
	v5 =	vsel vm9, s1, v5;
	v22 =	vmax.f32 v14, v0;
	v34 =	vld [tilespmem:s25+$0x70]  }
0x84: {  	v16 =	vmax.f32 v16, v29;
	v14 =	vmax.f32 v21, v1;
	vm2 =	vgt.f32 v33, v28;
	v27 =	vld [tilespmem:s25+$0xFFFFFFD0]  }
0x85: {  	vm8 =	vgt.f32 v4, v11;
	vm9 =	vgt.f32 v13, v15;
	v13 =	vmax.f32 v15, v13;
	v0 =	vld [tilespmem:s25+$0xFFFFFFF0]  }
0x86: {  	v12 =	vsel vm8, s1, v12;
	v4 =	vsel vm7, s1, v8;
	v5 =	vsel vm2, s0, v5;
	v11 =	vld [tilespmem:s25+$0xFFFFFF70]  }
0x87: {  	v17 =	vmax.f32 v17, v26;
	v28 =	vmax.f32 v14, v9;
	v5 =	vsel vm9, s6, v5;
	v15 =	vld [tilespmem:s25+$0xFFFFFF60]  }
0x88: {  	v10 =	vsel vm0, s0, v10;
	v4 =	vsel vm6, s0, v4;
	vm0 =	vgt.f32 v9, v14;
	v26 =	vld [tilespmem:s25+$0xFFFFFF50]  }
0x89: {  	v8 =	vsel vm3, s6, v4;
	v9 =	vsel vm1, s6, v24;
	vm2 =	vgt.f32 v1, v21;
	v1 =	vld [tilespmem:s25+$0x40]  }
0x8a: {  	s17 =	sadd.s32 s5, s28;
	v10 =	vsel vm5, s6, v10;
	v20 =	vsel vm4, s6, v20;
	v12 =	vsel vm2, s0, v12;
	v4 =	vld [tilespmem:s25+$0xFFFFFFC0]  }
0x8b: {  	s16 =	sadd.s32 $0x40, s17;
	s0 =	sadd.s32 $0x42, s17;
	v12 =	vsel vm0, s6, v12;
	v21 =	vld [tilespmem:s25+$0xFFFFFF40];
	vm1 =	vgt.f32 v11, v25;
	v14 =	vmax.f32 v25, v11  }
0x8c: {  	v24 =	vld [tilespmem:s25+$0xFFFFFF30];
	vm2 =	vgt.f32 v15, v7;
	v7 =	vmax.f32 v7, v15;
	v10 =	vsel vm1, s16, v10  }
0x8d: {  	v33 =	vmax.f32 v14, v0;
	v25 =	vld [tilespmem:s25+$0xFFFFFF20];
	vm0 =	vgt.f32 v26, v17;
	v11 =	vmax.f32 v17, v26  }
0x8e: {  	s1 =	sadd.s32 $0x41, s17;
	v26 =	vld [tilespmem:s25+$0xFFFFFF10];
	v15 =	vsel vm0, s16, v20;
	vm1 =	vgt.f32 v27, v11;
	vm0 =	vgt.f32 v34, v33  }
0x8f: {  	v35 =	vmax.f32 v7, v18;
	v17 =	vmax.f32 v11, v27;
	v29 =	vld [tilespmem:s25+$0xFFFFFF00];
	v20 =	vsel vm1, s1, v15  }
0x90: {  	v27 =	vsel vm2, s16, v9;
	vm4 =	vgt.f32 v21, v28;
	v11 =	vmax.f32 v28, v21;
	v36 =	vld [tilespmem:s25+$0xFFFFFF80]  }
0x91: {  	vm6 =	vgt.f32 v18, v7;
	vm2 =	vgt.f32 v24, v13;
	v15 =	vmax.f32 v13, v24;
	v24 =	vld [tilespmem:s25+$0x0]  }
0x92: {  	vm3 =	vgt.f32 v25, v22;
	v18 =	vmax.f32 v22, v25;
	v22 =	vmax.f32 v35, v31;
	v9 =	vld [tilespmem:s25+$0xC0]  }
.Ltmp1:
0x93: {  	vm8 =	vgt.f32 v26, v30;
	v25 =	vmax.f32 v30, v26;
	v7 =	vmax.f32 v22, v23;
	v21 =	vld [tilespmem:s25+$0xF0];
	(pc) =	sbr.rel @p0 .LBB2_5-.Ltmp1, $4  }
0x94: {  	vm1 =	vgt.f32 v23, v22;
	vm9 =	vgt.f32 v29, v16;
	v16 =	vmax.f32 v16, v29;
	v13 =	vld [tilespmem:s25+$0xB0]  }
0x95: {  	v26 =	vsel vm6, s1, v27;
	vm5 =	vgt.f32 v6, v25;
	v28 =	vmax.f32 v16, v36;
	v27 =	vld [tilespmem:s25+$0x10]  }
0x96: {  	vm6 =	vgt.f32 v31, v35;
	vm7 =	vgt.f32 v36, v16;
	v16 =	vmax.f32 v28, v24;
	v22 =	vld [tilespmem:s25+$0x20]  }
0x97: {  	v23 =	vmax.f32 v33, v34;
	v29 =	vsel vm8, s16, v19;
	v30 =	vsel vm9, s16, v32;
	s25 =	sadd.s32 $0x200, s25;
	v19 =	vld [tilespmem:s31+$0x90]  }
0x98: {  	p0 =	seq.s32 s29, $0xB  }
0x99: {  	v31 =	vld [tilespmem:s31+$0xFFFFFFB0];
	s5 =	smin.u32 @!p0 s30, $0xAB8  }
0x9a: {  	v32 =	vld [tilespmem:s31+$0xD0];
	s5 =	sadd.s32 @!p0 s5, s9  }
0x9b: {  	v33 =	vld [tilespmem:s31+$0x80];
	vm8 =	vgt.f32 v24, v28;
	s5 =	sshll.u32 @!p0 s5, $0x4  }
0x9c: {  	v34 =	vld [tilespmem:s31+$0xA0];
	v24 =	vsel vm7, s1, v30;
	v6 =	vmax.f32 v25, v6;
	v28 =	vsel vm5, s1, v29;
	s6 =	simm.s32 @!p0 $0x0;
	s23 =	simm.s32 @!p0 $0x2000;
	s5 =	sadd.s32 @!p0 s2, s5  }
0x9d: {  	v25 =	vld [tilespmem:s31+$0x30];
	v26 =	vsel vm6, s0, v26;
	vm5 =	vgt.f32 v3, v17;
	v17 =	vmax.f32 v17, v3;
	[tilespmem:s23], [sflag:$0x2] =	stream.linear.gather @!p0 [hbm4b:s5+s6], $0x2000, $0x38  }
0x9e: {  	v12 =	vsel vm4, s16, v12;
	v5 =	vsel vm2, s16, v5;
	v24 =	vsel vm8, s0, v24;
	_ =	swait.ge [sflag:s21], $0x2000  }
0x9f: {  	v20 =	vsel vm5, s0, v20;
	vm8 =	vgt.f32 v2, v18;
	vm7 =	vgt.f32 v27, v6;
	[sflag:s21] =	ssyncset.done $0x0  }
0xa0: {  	s31 =	simm.s32 $0x4100;
	v6 =	vmax.f32 v6, v27;
	v27 =	vmax.f32 v23, v21;
	v28 =	vsel vm7, s0, v28;
	[sflag:s21] =	ssyncadd.s32 $0xFFFFE000  }
0xa1: {  	vm7 =	vgt.f32 v0, v14;
	v14 =	vmax.f32 v18, v2;
	vm5 =	vgt.f32 v19, v6;
	v0 =	vld [tilespmem:s31+$0xFFFFFFA0]  }
0xa2: {  	s25 =	sadd.s32 $0x43, s17;
	v19 =	vmax.f32 v6, v19;
	vm6 =	vgt.f32 v22, v14;
	v14 =	vmax.f32 v14, v22;
	v6 =	vld [tilespmem:s31+$0xFFFFFF90]  }
0xa3: {  	v10 =	vsel vm7, s1, v10;
	vm7 =	vgt.f32 v4, v11;
	v29 =	vsel vm5, s25, v28;
	v22 =	vld [tilespmem:s31+$0xE0]  }
0xa4: {  	v3 =	vmax.f32 v15, v31;
	vm5 =	vgt.f32 v21, v23;
	vm9 =	vgt.f32 v31, v15;
	v23 =	vld [tilespmem:s31+$0x60]  }
0xa5: {  	v15 =	vsel vm3, s16, v8;
	vm3 =	vgt.f32 v34, v14;
	v21 =	vmax.f32 v11, v4;
	v2 =	vld [tilespmem:s31+$0x50]  }
0xa6: {  	v28 =	vmax.f32 v14, v34;
	v11 =	vsel vm7, s1, v12;
	v8 =	vmax.f32 v3, v25;
	v18 =	vld [tilespmem:s31+$0xFFFFFFE0]  }
0xa7: {  	v5 =	vsel vm9, s1, v5;
	vm2 =	vgt.f32 v25, v3;
	v14 =	vmax.f32 v21, v1;
	v31 =	vld [tilespmem:s31+$0x70]  }
0xa8: {  	v4 =	vsel vm8, s1, v15;
	v3 =	vsel vm2, s0, v5;
	vm2 =	vgt.f32 v1, v21;
	v15 =	vld [tilespmem:s31+$0xFFFFFF70]  }
0xa9: {  	v10 =	vsel vm0, s0, v10;
	vm0 =	vgt.f32 v9, v14;
	v11 =	vsel vm2, s0, v11;
	v60 =	vld [tilespmem:s31+$0xFFFFFF60]  }
0xaa: {  	vm10 =	vgt.f32 v33, v16;
	v12 =	vsel vm0, s25, v11;
	v11 =	vld [tilespmem:s31+$0xFFFFFF40]  }
0xab: {  	vm4 =	vgt.f32 v32, v17;
	v16 =	vmax.f32 v16, v33;
	v21 =	vsel vm1, s25, v26;
	v26 =	vld [tilespmem:s31+$0xFFFFFF20]  }
0xac: {  	v17 =	vmax.f32 v17, v32;
	v30 =	vsel vm10, s25, v24;
	v20 =	vsel vm4, s25, v20;
	v62 =	vld [tilespmem:s31+$0xFFFFFF00]  }
0xad: {  	v10 =	vsel vm5, s25, v10;
	vm14 =	vgt.f32 v13, v8;
	v25 =	vmax.f32 v14, v9;
	v9 =	vld [tilespmem:s31+$0xFFFFFF50]  }
0xae: {  	v13 =	vmax.f32 v8, v13;
	v4 =	vsel vm6, s0, v4;
	v3 =	vsel vm14, s25, v3;
	v8 =	vld [tilespmem:s31+$0xFFFFFFF0]  }
0xaf: {  	v5 =	vsel vm3, s25, v4;
	v24 =	vld [tilespmem:s31+$0xFFFFFFD0];
	vm0 =	vgt.f32 v15, v27;
	v14 =	vmax.f32 v27, v15  }
0xb0: {  	s17 =	sadd.s32 $0x0, s28;
	v36 =	vld [tilespmem:s31+$0xFFFFFF80];
	vm1 =	vgt.f32 v60, v7;
	v7 =	vmax.f32 v7, v60;
	vm4 =	vgt.f32 v11, v25  }
0xb1: {  	s16 =	sadd.s32 $0x80, s17;
	v1 =	vld [tilespmem:s31+$0x40];
	v11 =	vmax.f32 v25, v11;
	vm3 =	vgt.f32 v26, v28;
	vm15 =	vgt.f32 v62, v16  }
0xb2: {  	v4 =	vld [tilespmem:s31+$0xFFFFFFC0];
	v16 =	vmax.f32 v16, v62;
	v10 =	vsel vm0, s16, v10;
	vm0 =	vgt.f32 v9, v17  }
0xb3: {  	v15 =	vld [tilespmem:s31+$0xFFFFFF30];
	v9 =	vmax.f32 v17, v9;
	v61 =	vmax.f32 v14, v8;
	v63 =	vmax.f32 v7, v18  }
0xb4: {  	v27 =	vld [tilespmem:s31+$0xFFFFFF10];
	v35 =	vsel vm1, s16, v21;
	vm6 =	vgt.f32 v18, v7;
	v18 =	vmax.f32 v28, v26  }
0xb5: {  	v21 =	vld [tilespmem:s31+$0xF0];
	v28 =	vmax.f32 v16, v36;
	vm7 =	vgt.f32 v36, v16;
	v30 =	vsel vm15, s16, v30  }
0xb6: {  	s1 =	sadd.s32 $0x81, s17;
	v20 =	vsel vm0, s16, v20;
	vm2 =	vgt.f32 v24, v9;
	v17 =	vmax.f32 v9, v24;
	v24 =	vld [tilespmem:s31+$0x0]  }
0xb7: {  	vm0 =	vgt.f32 v31, v61;
	v26 =	vmax.f32 v63, v23;
	v9 =	vld [tilespmem:s31+$0xC0];
	v20 =	vsel vm2, s1, v20  }
0xb8: {  	v7 =	vmax.f32 v26, v22;
	vm1 =	vgt.f32 v22, v26;
	v26 =	vsel vm6, s1, v35;
	v22 =	vld [tilespmem:s31+$0x20]  }
0xb9: {  	vm6 =	vgt.f32 v23, v63;
	vm8 =	vgt.f32 v27, v19;
	v25 =	vmax.f32 v19, v27;
	v27 =	vld [tilespmem:s31+$0x10]  }
0xba: {  	v23 =	vmax.f32 v61, v31;
	vm2 =	vgt.f32 v15, v13;
	v15 =	vmax.f32 v13, v15;
	v13 =	vld [tilespmem:s31+$0xB0]  }
0xbb: {  	s23 =	simm.s32 $0x4;
	s0 =	sadd.s32 $0x82, s17;
	s25 =	simm.s32 $0x4300;
	v19 =	vld [tilespmem:s31+$0x90];
	vm5 =	vgt.f32 v6, v25;
	v29 =	vsel vm8, s16, v29;
	v16 =	vmax.f32 v28, v24  }
.LBB2_7:
0xbc: {  	v31 =	vld [tilespmem:s25+$0xFFFFFFA0];
	p1 =	sne.s32 s23, $0x3C;
	v30 =	vsel vm7, s1, v30;
	v6 =	vmax.f32 v25, v6;
	v25 =	vmax.f32 v23, v21;
	s5 =	smov.u32 s23;
	s23 =	sadd.s32 $0x4, s23  }
0xbd: {  	v29 =	vsel vm5, s1, v29;
	vm5 =	vgt.f32 v24, v28;
	v24 =	vsel vm6, s0, v26;
	v32 =	vld [tilespmem:s31+$0xFFFFFFB0]  }
0xbe: {  	vm7 =	vgt.f32 v2, v17;
	vm6 =	vgt.f32 v27, v6;
	v6 =	vmax.f32 v6, v27;
	v26 =	vld [tilespmem:s31+$0xD0]  }
0xbf: {  	v20 =	vsel vm7, s0, v20;
	v27 =	vsel vm5, s0, v30;
	v28 =	vsel vm6, s0, v29;
	v29 =	vld [tilespmem:s31+$0x80]  }
0xc0: {  	vm8 =	vgt.f32 v8, v14;
	s6 =	sadd.s32 $0x83, s17;
	vm5 =	vgt.f32 v19, v6;
	v30 =	vmax.f32 v6, v19;
	v8 =	vld [tilespmem:s31+$0xA0]  }
0xc1: {  	v14 =	vmax.f32 v18, v0;
	v17 =	vmax.f32 v17, v2;
	v33 =	vld [tilespmem:s31+$0x30];
	v19 =	vsel vm5, s6, v28;
	s31 =	smov.u32 s25  }
0xc2: {  	vm6 =	vgt.f32 v22, v14;
	vm5 =	vgt.f32 v21, v23;
	v6 =	vld [tilespmem:s25+$0xFFFFFF90];
	v28 =	vmax.f32 v15, v32  }
0xc3: {  	v12 =	vsel vm4, s16, v12;
	vm7 =	vgt.f32 v0, v18;
	v14 =	vmax.f32 v14, v22;
	v0 =	vmovc v31;
	v23 =	vld [tilespmem:s25+$0xE0]  }
0xc4: {  	vm9 =	vgt.f32 v32, v15;
	vm4 =	vgt.f32 v26, v17;
	v31 =	vld [tilespmem:s25+$0x60];
	vm10 =	vgt.f32 v29, v16  }
0xc5: {  	v5 =	vsel vm3, s16, v5;
	v10 =	vsel vm8, s1, v10;
	v2 =	vld [tilespmem:s25+$0x50];
	vm3 =	vgt.f32 v8, v14  }
0xc6: {  	v3 =	vsel vm2, s16, v3;
	v32 =	vsel vm10, s6, v27;
	v18 =	vld [tilespmem:s25+$0xFFFFFFE0];
	v15 =	vmax.f32 v28, v33  }
0xc7: {  	v21 =	vmax.f32 v11, v4;
	v3 =	vsel vm9, s1, v3;
	v22 =	vmax.f32 v14, v8;
	v34 =	vld [tilespmem:s25+$0x70]  }
0xc8: {  	v16 =	vmax.f32 v16, v29;
	v14 =	vmax.f32 v21, v1;
	vm2 =	vgt.f32 v33, v28;
	v27 =	vld [tilespmem:s25+$0xFFFFFFD0]  }
0xc9: {  	vm8 =	vgt.f32 v4, v11;
	vm9 =	vgt.f32 v13, v15;
	v13 =	vmax.f32 v15, v13;
	v8 =	vld [tilespmem:s25+$0xFFFFFFF0]  }
0xca: {  	v12 =	vsel vm8, s1, v12;
	v4 =	vsel vm7, s1, v5;
	v3 =	vsel vm2, s0, v3;
	v11 =	vld [tilespmem:s25+$0xFFFFFF70]  }
0xcb: {  	v17 =	vmax.f32 v17, v26;
	v28 =	vmax.f32 v14, v9;
	v3 =	vsel vm9, s6, v3;
	v15 =	vld [tilespmem:s25+$0xFFFFFF60]  }
0xcc: {  	v10 =	vsel vm0, s0, v10;
	v4 =	vsel vm6, s0, v4;
	vm0 =	vgt.f32 v9, v14;
	v26 =	vld [tilespmem:s25+$0xFFFFFF50]  }
0xcd: {  	v5 =	vsel vm3, s6, v4;
	v9 =	vsel vm1, s6, v24;
	vm2 =	vgt.f32 v1, v21;
	v1 =	vld [tilespmem:s25+$0x40]  }
0xce: {  	s17 =	sadd.s32 s5, s28;
	v10 =	vsel vm5, s6, v10;
	v20 =	vsel vm4, s6, v20;
	v12 =	vsel vm2, s0, v12;
	v4 =	vld [tilespmem:s25+$0xFFFFFFC0]  }
0xcf: {  	s16 =	sadd.s32 $0x80, s17;
	s0 =	sadd.s32 $0x82, s17;
	v12 =	vsel vm0, s6, v12;
	v21 =	vld [tilespmem:s25+$0xFFFFFF40];
	vm1 =	vgt.f32 v11, v25;
	v14 =	vmax.f32 v25, v11  }
0xd0: {  	v24 =	vld [tilespmem:s25+$0xFFFFFF30];
	vm2 =	vgt.f32 v15, v7;
	v7 =	vmax.f32 v7, v15;
	v10 =	vsel vm1, s16, v10  }
0xd1: {  	v33 =	vmax.f32 v14, v8;
	v25 =	vld [tilespmem:s25+$0xFFFFFF20];
	vm0 =	vgt.f32 v26, v17;
	v11 =	vmax.f32 v17, v26  }
0xd2: {  	s1 =	sadd.s32 $0x81, s17;
	v26 =	vld [tilespmem:s25+$0xFFFFFF10];
	v15 =	vsel vm0, s16, v20;
	vm1 =	vgt.f32 v27, v11;
	vm0 =	vgt.f32 v34, v33  }
0xd3: {  	v35 =	vmax.f32 v7, v18;
	v17 =	vmax.f32 v11, v27;
	v29 =	vld [tilespmem:s25+$0xFFFFFF00];
	v20 =	vsel vm1, s1, v15  }
0xd4: {  	v27 =	vsel vm2, s16, v9;
	vm4 =	vgt.f32 v21, v28;
	v11 =	vmax.f32 v28, v21;
	v36 =	vld [tilespmem:s25+$0xFFFFFF80]  }
0xd5: {  	vm6 =	vgt.f32 v18, v7;
	vm2 =	vgt.f32 v24, v13;
	v15 =	vmax.f32 v13, v24;
	v24 =	vld [tilespmem:s25+$0x0]  }
0xd6: {  	vm3 =	vgt.f32 v25, v22;
	v18 =	vmax.f32 v22, v25;
	v22 =	vmax.f32 v35, v31;
	v9 =	vld [tilespmem:s25+$0xC0]  }
.Ltmp2:
0xd7: {  	vm8 =	vgt.f32 v26, v30;
	v25 =	vmax.f32 v30, v26;
	v7 =	vmax.f32 v22, v23;
	v21 =	vld [tilespmem:s25+$0xF0];
	(pc) =	sbr.rel @p1 .LBB2_7-.Ltmp2, $4  }
0xd8: {  	vm1 =	vgt.f32 v23, v22;
	vm9 =	vgt.f32 v29, v16;
	v16 =	vmax.f32 v16, v29;
	v13 =	vld [tilespmem:s25+$0xB0]  }
0xd9: {  	v26 =	vsel vm6, s1, v27;
	vm5 =	vgt.f32 v6, v25;
	v28 =	vmax.f32 v16, v36;
	v27 =	vld [tilespmem:s25+$0x10]  }
0xda: {  	vm6 =	vgt.f32 v31, v35;
	vm7 =	vgt.f32 v36, v16;
	v16 =	vmax.f32 v28, v24;
	v22 =	vld [tilespmem:s25+$0x20]  }
0xdb: {  	v23 =	vmax.f32 v33, v34;
	v29 =	vsel vm8, s16, v19;
	v30 =	vsel vm9, s16, v32;
	s25 =	sadd.s32 $0x200, s25;
	v19 =	vld [tilespmem:s31+$0x90]  }
0xdc: {  	v31 =	vld [tilespmem:s31+$0xFFFFFFB0];
	s5 =	smin.u32 @!p0 s30, $0xA78  }
0xdd: {  	v32 =	vld [tilespmem:s31+$0xD0];
	s5 =	sadd.s32 @!p0 s5, s10  }
0xde: {  	v33 =	vld [tilespmem:s31+$0x80];
	s5 =	sshll.u32 @!p0 s5, $0x4  }
0xdf: {  	v34 =	vld [tilespmem:s31+$0xA0];
	vm8 =	vgt.f32 v24, v28;
	v24 =	vsel vm7, s1, v30;
	v6 =	vmax.f32 v25, v6;
	s6 =	simm.s32 @!p0 $0x0;
	s23 =	simm.s32 @!p0 $0x4000;
	s5 =	sadd.s32 @!p0 s2, s5  }
0xe0: {  	v25 =	vld [tilespmem:s31+$0x30];
	v28 =	vsel vm5, s1, v29;
	v26 =	vsel vm6, s0, v26;
	vm5 =	vgt.f32 v2, v17;
	[tilespmem:s23], [sflag:$0x3] =	stream.linear.gather @!p0 [hbm4b:s5+s6], $0x2000, $0x38  }
0xe1: {  	s25 =	sadd.s32 $0x83, s17;
	v12 =	vsel vm4, s16, v12;
	v3 =	vsel vm2, s16, v3;
	v24 =	vsel vm8, s0, v24;
	_ =	swait.ge [sflag:s22], $0x2000  }
0xe2: {  	v20 =	vsel vm5, s0, v20;
	vm8 =	vgt.f32 v0, v18;
	v26 =	vsel vm1, s25, v26;
	[sflag:s22] =	ssyncset.done $0x0  }
0xe3: {  	s31 =	simm.s32 $0x6100;
	vm7 =	vgt.f32 v27, v6;
	v6 =	vmax.f32 v6, v27;
	v27 =	vmax.f32 v23, v21;
	[sflag:s22] =	ssyncadd.s32 $0xFFFFE000  }
0xe4: {  	v28 =	vsel vm7, s0, v28;
	vm7 =	vgt.f32 v8, v14;
	v14 =	vmax.f32 v17, v2;
	v2 =	vld [tilespmem:s31+$0xFFFFFFA0]  }
0xe5: {  	v8 =	vmax.f32 v18, v0;
	vm5 =	vgt.f32 v19, v6;
	v19 =	vmax.f32 v6, v19;
	v6 =	vld [tilespmem:s31+$0xFFFFFF90]  }
0xe6: {  	vm6 =	vgt.f32 v22, v8;
	v0 =	vmax.f32 v8, v22;
	v8 =	vsel vm3, s16, v5;
	v18 =	vld [tilespmem:s31+$0xE0]  }
0xe7: {  	v17 =	vsel vm5, s25, v28;
	v28 =	vmax.f32 v15, v31;
	vm5 =	vgt.f32 v21, v23;
	v29 =	vld [tilespmem:s31+$0x60]  }
0xe8: {  	vm9 =	vgt.f32 v31, v15;
	vm10 =	vgt.f32 v33, v16;
	vm4 =	vgt.f32 v32, v14;
	v5 =	vld [tilespmem:s31+$0x50]  }
0xe9: {  	v15 =	vsel vm7, s1, v10;
	vm3 =	vgt.f32 v34, v0;
	v21 =	vmax.f32 v11, v4;
	v22 =	vld [tilespmem:s31+$0xFFFFFFE0]  }
0xea: {  	v23 =	vmax.f32 v0, v34;
	v16 =	vmax.f32 v16, v33;
	v10 =	vmax.f32 v28, v25;
	v31 =	vld [tilespmem:s31+$0x70]  }
0xeb: {  	vm7 =	vgt.f32 v4, v11;
	vm14 =	vgt.f32 v13, v10;
	v4 =	vmax.f32 v10, v13;
	v10 =	vld [tilespmem:s31+$0xFFFFFFF0]  }
0xec: {  	v8 =	vsel vm8, s1, v8;
	v14 =	vmax.f32 v14, v32;
	v30 =	vsel vm10, s25, v24;
	v13 =	vld [tilespmem:s31+$0xFFFFFF70]  }
0xed: {  	v3 =	vsel vm9, s1, v3;
	vm2 =	vgt.f32 v25, v28;
	v0 =	vmax.f32 v21, v1;
	v28 =	vld [tilespmem:s31+$0xFFFFFF60]  }
0xee: {  	v11 =	vsel vm7, s1, v12;
	v8 =	vsel vm6, s0, v8;
	v12 =	vsel vm0, s0, v15;
	v60 =	vld [tilespmem:s31+$0xFFFFFF40]  }
0xef: {  	v3 =	vsel vm2, s0, v3;
	v25 =	vmax.f32 v0, v9;
	vm0 =	vgt.f32 v9, v0;
	v62 =	vld [tilespmem:s31+$0xFFFFFF00]  }
0xf0: {  	vm2 =	vgt.f32 v1, v21;
	v8 =	vsel vm3, s25, v8;
	v3 =	vsel vm14, s25, v3;
	v15 =	vld [tilespmem:s31+$0xFFFFFF50]  }
0xf1: {  	v9 =	vsel vm2, s0, v11;
	v11 =	vsel vm4, s25, v20;
	v20 =	vsel vm5, s25, v12;
	v63 =	vld [tilespmem:s31+$0xFFFFFF80]  }
0xf2: {  	s23 =	sadd.s32 $0x0, s28;
	v24 =	vld [tilespmem:s31+$0xFFFFFFD0];
	v12 =	vsel vm0, s25, v9;
	vm0 =	vgt.f32 v13, v27;
	v13 =	vmax.f32 v27, v13  }
0xf3: {  	s16 =	sadd.s32 $0xC0, s23;
	v0 =	vld [tilespmem:s31+$0x40];
	vm1 =	vgt.f32 v28, v7;
	v7 =	vmax.f32 v7, v28;
	vm3 =	vgt.f32 v60, v25  }
0xf4: {  	v27 =	vld [tilespmem:s31+$0xFFFFFF30];
	vm15 =	vgt.f32 v62, v16;
	v34 =	vmax.f32 v16, v62;
	v9 =	vsel vm0, s16, v20  }
0xf5: {  	v28 =	vld [tilespmem:s31+$0xFFFFFF10];
	vm0 =	vgt.f32 v15, v14;
	v14 =	vmax.f32 v14, v15;
	v61 =	vmax.f32 v13, v10  }
0xf6: {  	v1 =	vld [tilespmem:s31+$0xFFFFFFC0];
	v35 =	vmax.f32 v7, v22;
	vm6 =	vgt.f32 v22, v7;
	vm7 =	vgt.f32 v63, v34  }
0xf7: {  	s1 =	sadd.s32 $0xC1, s23;
	v20 =	vld [tilespmem:s31+$0xFFFFFF20];
	v30 =	vsel vm15, s16, v30;
	v11 =	vsel vm0, s16, v11;
	vm2 =	vgt.f32 v24, v14  }
0xf8: {  	v16 =	vld [tilespmem:s31+$0xB0];
	vm0 =	vgt.f32 v31, v61;
	v14 =	vmax.f32 v14, v24;
	v21 =	vsel vm2, s1, v11  }
0xf9: {  	v24 =	vld [tilespmem:s31+$0x0];
	v11 =	vmax.f32 v25, v60;
	v25 =	vsel vm1, s16, v26;
	vm2 =	vgt.f32 v27, v4  }
0xfa: {  	v22 =	vld [tilespmem:s31+$0xF0];
	v15 =	vmax.f32 v4, v27;
	vm8 =	vgt.f32 v28, v19;
	v19 =	vmax.f32 v19, v28  }
0xfb: {  	v7 =	vld [tilespmem:s31+$0xC0];
	v27 =	vmax.f32 v34, v63;
	v28 =	vsel vm6, s1, v25;
	vm6 =	vgt.f32 v29, v35  }
0xfc: {  	v26 =	vld [tilespmem:s31+$0x10];
	v25 =	vmax.f32 v61, v31;
	vm4 =	vgt.f32 v20, v23;
	v20 =	vmax.f32 v23, v20  }
0xfd: {  	v23 =	vmax.f32 v35, v29;
	vm5 =	vgt.f32 v6, v19;
	v29 =	vsel vm8, s16, v17;
	v17 =	vld [tilespmem:s31+$0x90]  }
0xfe: {  	s17 =	simm.s32 $0x4;
	s0 =	sadd.s32 $0xC2, s23;
	s25 =	simm.s32 $0x6300;
	v4 =	vmax.f32 v23, v18;
	vm1 =	vgt.f32 v18, v23;
	v18 =	vmax.f32 v27, v24;
	v23 =	vld [tilespmem:s31+$0x20]  }
.LBB2_9:
0xff: {  	v31 =	vld [tilespmem:s25+$0xFFFFFFA0];
	p1 =	sne.s32 s17, $0x3C;
	v30 =	vsel vm7, s1, v30;
	v6 =	vmax.f32 v19, v6;
	v19 =	vmax.f32 v25, v22;
	s5 =	smov.u32 s17;
	s17 =	sadd.s32 $0x4, s17  }
0x100: {  	v29 =	vsel vm5, s1, v29;
	vm5 =	vgt.f32 v24, v27;
	v24 =	vsel vm6, s0, v28;
	v32 =	vld [tilespmem:s31+$0xFFFFFFB0]  }
0x101: {  	vm7 =	vgt.f32 v5, v14;
	vm6 =	vgt.f32 v26, v6;
	v6 =	vmax.f32 v6, v26;
	v26 =	vld [tilespmem:s31+$0xD0]  }
0x102: {  	v27 =	vsel vm5, s0, v30;
	v21 =	vsel vm7, s0, v21;
	v28 =	vsel vm6, s0, v29;
	v29 =	vld [tilespmem:s31+$0x80]  }
0x103: {  	vm8 =	vgt.f32 v10, v13;
	s6 =	sadd.s32 $0xC3, s23;
	vm5 =	vgt.f32 v17, v6;
	v30 =	vmax.f32 v6, v17;
	v10 =	vld [tilespmem:s31+$0xA0]  }
0x104: {  	v13 =	vmax.f32 v20, v2;
	v14 =	vmax.f32 v14, v5;
	v33 =	vld [tilespmem:s31+$0x30];
	v17 =	vsel vm5, s6, v28;
	s31 =	smov.u32 s25  }
0x105: {  	vm6 =	vgt.f32 v23, v13;
	vm5 =	vgt.f32 v22, v25;
	v6 =	vld [tilespmem:s25+$0xFFFFFF90];
	v28 =	vmax.f32 v15, v32  }
0x106: {  	v12 =	vsel vm3, s16, v12;
	vm7 =	vgt.f32 v2, v20;
	v13 =	vmax.f32 v13, v23;
	v2 =	vmovc v31;
	v25 =	vld [tilespmem:s25+$0xE0]  }
0x107: {  	vm9 =	vgt.f32 v32, v15;
	vm3 =	vgt.f32 v26, v14;
	v31 =	vld [tilespmem:s25+$0x60];
	vm10 =	vgt.f32 v29, v18  }
0x108: {  	v8 =	vsel vm4, s16, v8;
	v9 =	vsel vm8, s1, v9;
	v5 =	vld [tilespmem:s25+$0x50];
	vm4 =	vgt.f32 v10, v13  }
0x109: {  	v3 =	vsel vm2, s16, v3;
	v32 =	vsel vm10, s6, v27;
	v20 =	vld [tilespmem:s25+$0xFFFFFFE0];
	v15 =	vmax.f32 v28, v33  }
0x10a: {  	v22 =	vmax.f32 v11, v1;
	v3 =	vsel vm9, s1, v3;
	v23 =	vmax.f32 v13, v10;
	v34 =	vld [tilespmem:s25+$0x70]  }
0x10b: {  	v18 =	vmax.f32 v18, v29;
	v13 =	vmax.f32 v22, v0;
	vm2 =	vgt.f32 v33, v28;
	v27 =	vld [tilespmem:s25+$0xFFFFFFD0]  }
0x10c: {  	vm8 =	vgt.f32 v1, v11;
	vm9 =	vgt.f32 v16, v15;
	v15 =	vmax.f32 v15, v16;
	v10 =	vld [tilespmem:s25+$0xFFFFFFF0]  }
0x10d: {  	v12 =	vsel vm8, s1, v12;
	v1 =	vsel vm7, s1, v8;
	v3 =	vsel vm2, s0, v3;
	v11 =	vld [tilespmem:s25+$0xFFFFFF70]  }
0x10e: {  	v14 =	vmax.f32 v14, v26;
	v28 =	vmax.f32 v13, v7;
	v3 =	vsel vm9, s6, v3;
	v16 =	vld [tilespmem:s25+$0xFFFFFF60]  }
0x10f: {  	v9 =	vsel vm0, s0, v9;
	v1 =	vsel vm6, s0, v1;
	vm0 =	vgt.f32 v7, v13;
	v26 =	vld [tilespmem:s25+$0xFFFFFF50]  }
0x110: {  	v8 =	vsel vm4, s6, v1;
	v7 =	vsel vm1, s6, v24;
	vm2 =	vgt.f32 v0, v22;
	v0 =	vld [tilespmem:s25+$0x40]  }
0x111: {  	s23 =	sadd.s32 s5, s28;
	v9 =	vsel vm5, s6, v9;
	v21 =	vsel vm3, s6, v21;
	v12 =	vsel vm2, s0, v12;
	v1 =	vld [tilespmem:s25+$0xFFFFFFC0]  }
0x112: {  	s16 =	sadd.s32 $0xC0, s23;
	s0 =	sadd.s32 $0xC2, s23;
	v12 =	vsel vm0, s6, v12;
	v22 =	vld [tilespmem:s25+$0xFFFFFF40];
	vm1 =	vgt.f32 v11, v19;
	v13 =	vmax.f32 v19, v11  }
0x113: {  	v19 =	vld [tilespmem:s25+$0xFFFFFF30];
	vm2 =	vgt.f32 v16, v4;
	v4 =	vmax.f32 v4, v16;
	v9 =	vsel vm1, s16, v9  }
0x114: {  	v33 =	vmax.f32 v13, v10;
	v16 =	vld [tilespmem:s25+$0xFFFFFF20];
	vm0 =	vgt.f32 v26, v14;
	v11 =	vmax.f32 v14, v26  }
0x115: {  	s1 =	sadd.s32 $0xC1, s23;
	v26 =	vld [tilespmem:s25+$0xFFFFFF10];
	v21 =	vsel vm0, s16, v21;
	vm1 =	vgt.f32 v27, v11;
	vm0 =	vgt.f32 v34, v33  }
0x116: {  	v35 =	vmax.f32 v4, v20;
	v14 =	vmax.f32 v11, v27;
	v29 =	vld [tilespmem:s25+$0xFFFFFF00];
	v21 =	vsel vm1, s1, v21  }
0x117: {  	vm3 =	vgt.f32 v22, v28;
	v11 =	vmax.f32 v28, v22;
	v28 =	vsel vm2, s16, v7;
	v36 =	vld [tilespmem:s25+$0xFFFFFF80]  }
0x118: {  	vm6 =	vgt.f32 v20, v4;
	vm2 =	vgt.f32 v19, v15;
	v15 =	vmax.f32 v15, v19;
	v24 =	vld [tilespmem:s25+$0x0]  }
0x119: {  	vm4 =	vgt.f32 v16, v23;
	v20 =	vmax.f32 v23, v16;
	v23 =	vmax.f32 v35, v31;
	v7 =	vld [tilespmem:s25+$0xC0]  }
.Ltmp3:
0x11a: {  	vm8 =	vgt.f32 v26, v30;
	v19 =	vmax.f32 v30, v26;
	v4 =	vmax.f32 v23, v25;
	v22 =	vld [tilespmem:s25+$0xF0];
	(pc) =	sbr.rel @p1 .LBB2_9-.Ltmp3, $4  }
0x11b: {  	vm1 =	vgt.f32 v25, v23;
	vm9 =	vgt.f32 v29, v18;
	v18 =	vmax.f32 v18, v29;
	v16 =	vld [tilespmem:s25+$0xB0]  }
0x11c: {  	v28 =	vsel vm6, s1, v28;
	vm5 =	vgt.f32 v6, v19;
	v27 =	vmax.f32 v18, v36;
	v26 =	vld [tilespmem:s25+$0x10]  }
0x11d: {  	vm6 =	vgt.f32 v31, v35;
	vm7 =	vgt.f32 v36, v18;
	v18 =	vmax.f32 v27, v24;
	v23 =	vld [tilespmem:s25+$0x20]  }
0x11e: {  	v25 =	vmax.f32 v33, v34;
	v29 =	vsel vm8, s16, v17;
	v30 =	vsel vm9, s16, v32;
	s25 =	sadd.s32 $0x200, s25;
	v17 =	vld [tilespmem:s31+$0x90]  }
0x11f: {  	v30 =	vsel vm7, s1, v30  }
0x120: {  	v6 =	vmax.f32 v19, v6;
	v19 =	vmax.f32 v25, v22;
	v29 =	vsel vm5, s1, v29  }
0x121: {  	vm9 =	vgt.f32 v24, v27;
	v24 =	vsel vm6, s0, v28;
	vm11 =	vgt.f32 v5, v14  }
0x122: {  	vm12 =	vgt.f32 v10, v13;
	v60 =	vmax.f32 v20, v2;
	v5 =	vmax.f32 v14, v5  }
0x123: {  	vm5 =	vgt.f32 v22, v25;
	v12 =	vsel vm3, s16, v12;
	vm14 =	vgt.f32 v2, v20  }
0x124: {  	v31 =	vld [tilespmem:s31+$0xFFFFFFB0];
	v8 =	vsel vm4, s16, v8;
	v3 =	vsel vm2, s16, v3;
	v27 =	vsel vm9, s0, v30  }
0x125: {  	s5 =	sadd.s32 $0xC3, s23;
	v59 =	vsel vm11, s0, v21;
	v21 =	vld [tilespmem:s31+$0x80];
	v9 =	vsel vm12, s1, v9;
	vm12 =	vgt.f32 v1, v11  }
0x126: {  	v13 =	vld [tilespmem:s31+$0x30];
	v8 =	vsel vm14, s1, v8;
	v25 =	vsel vm1, s5, v24;
	vm10 =	vgt.f32 v26, v6  }
0x127: {  	v6 =	vmax.f32 v6, v26;
	v26 =	vld [tilespmem:s31+$0xD0];
	v63 =	vsel vm12, s1, v12;
	v58 =	vsel vm10, s0, v29  }
0x128: {  	vm7 =	vgt.f32 v23, v60;
	v2 =	vmax.f32 v60, v23;
	vm13 =	vgt.f32 v17, v6  }
0x129: {  	v23 =	vmax.f32 v11, v1;
	v17 =	vmax.f32 v6, v17;
	v14 =	vsel vm13, s5, v58  }
0x12a: {  	v6 =	vld [tilespmem:s31+$0xA0];
	v61 =	vmax.f32 v15, v31;
	vm8 =	vgt.f32 v31, v15;
	vm9 =	vgt.f32 v21, v18  }
0x12b: {  	v62 =	vmax.f32 v61, v13;
	v22 =	vsel vm8, s1, v3;
	vm15 =	vgt.f32 v13, v61  }
0x12c: {  	v20 =	vmax.f32 v18, v21;
	vm10 =	vgt.f32 v26, v5;
	v15 =	vsel vm9, s5, v27  }
0x12d: {  	vm13 =	vgt.f32 v16, v62;
	v21 =	vmax.f32 v62, v16;
	v1 =	vsel vm15, s0, v22  }
.Ltmp4:
0x12e: {  	v22 =	vmax.f32 v5, v26;
	v5 =	vsel vm0, s0, v9;
	vm15 =	vgt.f32 v0, v23;
	(pc) =	sbr.rel @p0 .LBB2_12-.Ltmp4, $4  }
0x12f: {  	v16 =	vsel vm10, s5, v59;
	vm4 =	vgt.f32 v6, v2;
	v3 =	vmax.f32 v2, v6  }
0x130: {  	v6 =	vmax.f32 v23, v0;
	v2 =	vsel vm13, s5, v1;
	v1 =	vsel vm7, s0, v8  }
0x131: {  	vm14 =	vgt.f32 v7, v6;
	v0 =	vsel vm4, s5, v1;
	v1 =	vsel vm15, s0, v63  }
0x132: {  	v18 =	vsel vm5, s5, v5;
	v13 =	vmax.f32 v6, v7;
	v1 =	vsel vm14, s5, v1  }
.Ltmp5:
0x133: {  	s0 =	smin.u32 s30, $0xA38;
	(pc) =	sbr.rel .LBB2_2-.Ltmp5, $4  }
0x134: {  	s0 =	sadd.s32 s0, s11  }
0x135: {  	s0 =	sshll.u32 s0, $0x4  }
0x136: {  	s29 =	sadd.s32 $0x1, s29;
	s28 =	sadd.s32 $0x100, s28;
	s0 =	sadd.s32 s2, s0  }
0x137: {  	[tilespmem:s18], [sflag:$0x4] =	stream.linear.gather [hbm4b:s0+s3], $0x2000, $0x38;
	[tilespmem:$0x8100] =	vst v63  }
.LBB2_12:
0x138: {  	_ =	swait.ge [sflag:s19], $0x2000  }
0x139: {  	[sflag:s19] =	ssyncset.done $0x0  }
0x13a: {  	s28 =	simm.s32 $0x100;
	[sflag:s19] =	ssyncadd.s32 $0xFFFFE000  }
0x13b: {  	v7 =	vld [tilespmem:s28+$0xFFFFFFA0]  }
0x13c: {  	v10 =	vld [tilespmem:s28+$0xFFFFFF90]  }
0x13d: {  	v23 =	vld [tilespmem:s28+$0xE0]  }
0x13e: {  	v29 =	vld [tilespmem:s28+$0x60]  }
0x13f: {  	v6 =	vld [tilespmem:s28+$0x50]  }
0x140: {  	v12 =	vld [tilespmem:s28+$0xFFFFFFE0]  }
0x141: {  	v31 =	vld [tilespmem:s28+$0x70]  }
0x142: {  	v11 =	vld [tilespmem:s28+$0xFFFFFF70]  }
0x143: {  	v26 =	vld [tilespmem:s28+$0xFFFFFF60]  }
0x144: {  	v28 =	vld [tilespmem:s28+$0xFFFFFF40]  }
0x145: {  	v30 =	vld [tilespmem:s28+$0xFFFFFF20]  }
0x146: {  	v33 =	vld [tilespmem:s28+$0xFFFFFF00]  }
0x147: {  	v27 =	vld [tilespmem:s28+$0xFFFFFF50]  }
0x148: {  	v8 =	vld [tilespmem:s28+$0xFFFFFFF0]  }
0x149: {  	v35 =	vld [tilespmem:s28+$0xFFFFFF80];
	vm0 =	vgt.f32 v11, v19;
	v11 =	vmax.f32 v19, v11  }
0x14a: {  	s25 =	sadd.s32 $0xFFFFFFC0, s15;
	v24 =	vld [tilespmem:s28+$0xFFFFFFD0];
	vm1 =	vgt.f32 v26, v4;
	v26 =	vmax.f32 v4, v26;
	vm3 =	vgt.f32 v28, v13  }
0x14b: {  	s16 =	sadd.s32 $0xC38, s25;
	v5 =	vld [tilespmem:s28+$0x40];
	v13 =	vmax.f32 v13, v28;
	vm4 =	vgt.f32 v30, v3;
	vm9 =	vgt.f32 v33, v20  }
0x14c: {  	v19 =	vld [tilespmem:s28+$0xFFFFFF30];
	v20 =	vmax.f32 v20, v33;
	v4 =	vsel vm0, s16, v18;
	vm0 =	vgt.f32 v27, v22  }
0x14d: {  	v9 =	vld [tilespmem:s28+$0xFFFFFFC0];
	v18 =	vmax.f32 v22, v27;
	v32 =	vmax.f32 v11, v8;
	v34 =	vmax.f32 v26, v12  }
0x14e: {  	v27 =	vld [tilespmem:s28+$0xFFFFFF10];
	vm5 =	vgt.f32 v12, v26;
	vm7 =	vgt.f32 v35, v20;
	v22 =	vsel vm0, s16, v16  }
0x14f: {  	s1 =	sadd.s32 $0xC39, s25;
	v12 =	vld [tilespmem:s28+$0xC0];
	vm2 =	vgt.f32 v24, v18;
	vm0 =	vgt.f32 v31, v32;
	v16 =	vmax.f32 v18, v24  }
0x150: {  	v24 =	vsel vm1, s16, v25;
	v25 =	vld [tilespmem:s28+$0x0];
	v28 =	vmax.f32 v34, v29;
	v18 =	vsel vm2, s1, v22  }
0x151: {  	v22 =	vmax.f32 v3, v30;
	vm2 =	vgt.f32 v19, v21;
	v21 =	vmax.f32 v21, v19;
	v19 =	vld [tilespmem:s28+$0xF0]  }
0x152: {  	v3 =	vmax.f32 v28, v23;
	vm1 =	vgt.f32 v23, v28;
	v23 =	vsel vm5, s1, v24;
	v24 =	vld [tilespmem:s28+$0x20]  }
0x153: {  	v28 =	vmax.f32 v20, v35;
	vm8 =	vgt.f32 v27, v17;
	v26 =	vmax.f32 v17, v27;
	v27 =	vld [tilespmem:s28+$0x10]  }
0x154: {  	vm5 =	vgt.f32 v29, v34;
	v30 =	vsel vm9, s16, v15;
	v15 =	vmax.f32 v32, v31;
	v17 =	vld [tilespmem:s28+$0xB0]  }
0x155: {  	s17 =	simm.s32 $0xFFFFFFC4;
	s23 =	simm.s32 $0x300;
	s0 =	sadd.s32 $0xC3A, s25;
	vm6 =	vgt.f32 v10, v26;
	v20 =	vmax.f32 v28, v25;
	v29 =	vsel vm8, s16, v14;
	v14 =	vld [tilespmem:s28+$0x90]  }
.LBB2_13:
0x156: {  	v31 =	vld [tilespmem:s23+$0xFFFFFFA0];
	p0 =	sne.s32 s17, $0xFFFFFFFC;
	v30 =	vsel vm7, s1, v30;
	v10 =	vmax.f32 v26, v10;
	v26 =	vmax.f32 v15, v19;
	s5 =	smov.u32 s17;
	s17 =	sadd.s32 $0x4, s17  }
0x157: {  	v29 =	vsel vm6, s1, v29;
	vm6 =	vgt.f32 v25, v28;
	v23 =	vsel vm5, s0, v23;
	v32 =	vld [tilespmem:s28+$0xFFFFFFB0]  }
0x158: {  	vm7 =	vgt.f32 v6, v16;
	vm5 =	vgt.f32 v27, v10;
	v10 =	vmax.f32 v10, v27;
	v25 =	vld [tilespmem:s28+$0xD0]  }
0x159: {  	v18 =	vsel vm7, s0, v18;
	v27 =	vsel vm6, s0, v30;
	v28 =	vsel vm5, s0, v29;
	v29 =	vld [tilespmem:s28+$0x80]  }
0x15a: {  	vm8 =	vgt.f32 v8, v11;
	s6 =	sadd.s32 $0xC3B, s25;
	vm5 =	vgt.f32 v14, v10;
	v30 =	vmax.f32 v10, v14;
	v8 =	vld [tilespmem:s28+$0xA0]  }
0x15b: {  	v11 =	vmax.f32 v22, v7;
	v16 =	vmax.f32 v16, v6;
	v33 =	vld [tilespmem:s28+$0x30];
	v14 =	vsel vm5, s6, v28;
	s28 =	smov.u32 s23  }
0x15c: {  	vm6 =	vgt.f32 v24, v11;
	vm5 =	vgt.f32 v19, v15;
	v10 =	vld [tilespmem:s23+$0xFFFFFF90];
	v28 =	vmax.f32 v21, v32  }
0x15d: {  	v1 =	vsel vm3, s16, v1;
	vm7 =	vgt.f32 v7, v22;
	v11 =	vmax.f32 v11, v24;
	v7 =	vmovc v31;
	v15 =	vld [tilespmem:s23+$0xE0]  }
0x15e: {  	vm9 =	vgt.f32 v32, v21;
	vm3 =	vgt.f32 v25, v16;
	v31 =	vld [tilespmem:s23+$0x60];
	vm10 =	vgt.f32 v29, v20  }
0x15f: {  	v0 =	vsel vm4, s16, v0;
	v4 =	vsel vm8, s1, v4;
	v6 =	vld [tilespmem:s23+$0x50];
	vm4 =	vgt.f32 v8, v11  }
0x160: {  	v2 =	vsel vm2, s16, v2;
	v32 =	vsel vm10, s6, v27;
	v19 =	vld [tilespmem:s23+$0xFFFFFFE0];
	v21 =	vmax.f32 v28, v33  }
0x161: {  	v22 =	vmax.f32 v13, v9;
	v2 =	vsel vm9, s1, v2;
	v24 =	vmax.f32 v11, v8;
	v34 =	vld [tilespmem:s23+$0x70]  }
0x162: {  	v20 =	vmax.f32 v20, v29;
	v11 =	vmax.f32 v22, v5;
	vm2 =	vgt.f32 v33, v28;
	v27 =	vld [tilespmem:s23+$0xFFFFFFD0]  }
0x163: {  	vm8 =	vgt.f32 v9, v13;
	vm9 =	vgt.f32 v17, v21;
	v17 =	vmax.f32 v21, v17;
	v8 =	vld [tilespmem:s23+$0xFFFFFFF0]  }
0x164: {  	v0 =	vsel vm7, s1, v0;
	v1 =	vsel vm8, s1, v1;
	v2 =	vsel vm2, s0, v2;
	v13 =	vld [tilespmem:s23+$0xFFFFFF70]  }
0x165: {  	v16 =	vmax.f32 v16, v25;
	v28 =	vmax.f32 v11, v12;
	v2 =	vsel vm9, s6, v2;
	v21 =	vld [tilespmem:s23+$0xFFFFFF60]  }
0x166: {  	v4 =	vsel vm0, s0, v4;
	v0 =	vsel vm6, s0, v0;
	vm0 =	vgt.f32 v12, v11;
	v25 =	vld [tilespmem:s23+$0xFFFFFF50]  }
0x167: {  	v0 =	vsel vm4, s6, v0;
	v12 =	vsel vm1, s6, v23;
	vm2 =	vgt.f32 v5, v22;
	v5 =	vld [tilespmem:s23+$0x40]  }
0x168: {  	s25 =	sadd.s32 s5, s15;
	v4 =	vsel vm5, s6, v4;
	v18 =	vsel vm3, s6, v18;
	v1 =	vsel vm2, s0, v1;
	v9 =	vld [tilespmem:s23+$0xFFFFFFC0]  }
0x169: {  	s16 =	sadd.s32 $0xC38, s25;
	s0 =	sadd.s32 $0xC3A, s25;
	v1 =	vsel vm0, s6, v1;
	v22 =	vld [tilespmem:s23+$0xFFFFFF40];
	vm1 =	vgt.f32 v13, v26;
	v11 =	vmax.f32 v26, v13  }
0x16a: {  	v23 =	vld [tilespmem:s23+$0xFFFFFF30];
	vm2 =	vgt.f32 v21, v3;
	v3 =	vmax.f32 v3, v21;
	v4 =	vsel vm1, s16, v4  }
0x16b: {  	v33 =	vmax.f32 v11, v8;
	v26 =	vld [tilespmem:s23+$0xFFFFFF20];
	vm0 =	vgt.f32 v25, v16;
	v13 =	vmax.f32 v16, v25  }
0x16c: {  	s1 =	sadd.s32 $0xC39, s25;
	v29 =	vld [tilespmem:s23+$0xFFFFFF10];
	v18 =	vsel vm0, s16, v18;
	vm1 =	vgt.f32 v27, v13;
	vm0 =	vgt.f32 v34, v33  }
0x16d: {  	v36 =	vmax.f32 v3, v19;
	v16 =	vmax.f32 v13, v27;
	v35 =	vld [tilespmem:s23+$0xFFFFFF00];
	v18 =	vsel vm1, s1, v18  }
0x16e: {  	v27 =	vsel vm2, s16, v12;
	vm3 =	vgt.f32 v22, v28;
	v13 =	vmax.f32 v28, v22;
	v37 =	vld [tilespmem:s23+$0xFFFFFF80]  }
0x16f: {  	vm5 =	vgt.f32 v19, v3;
	vm2 =	vgt.f32 v23, v17;
	v21 =	vmax.f32 v17, v23;
	v25 =	vld [tilespmem:s23+$0x0]  }
0x170: {  	v23 =	vmax.f32 v36, v31;
	vm4 =	vgt.f32 v26, v24;
	v22 =	vmax.f32 v24, v26;
	v12 =	vld [tilespmem:s23+$0xC0]  }
.Ltmp6:
0x171: {  	v3 =	vmax.f32 v23, v15;
	vm8 =	vgt.f32 v29, v30;
	v26 =	vmax.f32 v30, v29;
	v19 =	vld [tilespmem:s23+$0xF0];
	(pc) =	sbr.rel @p0 .LBB2_13-.Ltmp6, $4  }
0x172: {  	vm1 =	vgt.f32 v15, v23;
	vm9 =	vgt.f32 v35, v20;
	v20 =	vmax.f32 v20, v35;
	v17 =	vld [tilespmem:s23+$0xB0]  }
0x173: {  	v23 =	vsel vm5, s1, v27;
	vm6 =	vgt.f32 v10, v26;
	v28 =	vmax.f32 v20, v37;
	v27 =	vld [tilespmem:s23+$0x10]  }
0x174: {  	vm5 =	vgt.f32 v31, v36;
	vm7 =	vgt.f32 v37, v20;
	v20 =	vmax.f32 v28, v25;
	v24 =	vld [tilespmem:s23+$0x20]  }
0x175: {  	v15 =	vmax.f32 v33, v34;
	v29 =	vsel vm8, s16, v14;
	v30 =	vsel vm9, s16, v32;
	s23 =	sadd.s32 $0x200, s23;
	v14 =	vld [tilespmem:s28+$0x90]  }
0x176: {  	v30 =	vsel vm7, s1, v30;
	v10 =	vmax.f32 v26, v10;
	v39 =	vsel vm6, s1, v29  }
0x177: {  	v31 =	vld [tilespmem:s28+$0xFFFFFFB0];
	vm9 =	vgt.f32 v25, v28;
	v44 =	vmax.f32 v22, v7;
	v1 =	vsel vm3, s16, v1  }
0x178: {  	v40 =	vld [tilespmem:s28+$0x80];
	vm12 =	vgt.f32 v7, v22;
	v0 =	vsel vm4, s16, v0;
	v2 =	vsel vm2, s16, v2  }
0x179: {  	v42 =	vld [tilespmem:s28+$0xA0];
	v51 =	vmax.f32 v13, v9;
	v58 =	vmax.f32 v16, v6;
	v63 =	vmax.f32 v15, v19  }
0x17a: {  	v43 =	vld [tilespmem:s28+$0x30];
	v41 =	vsel vm9, s0, v30;
	v0 =	vsel vm12, s1, v0;
	v53 =	vmax.f32 v51, v5  }
0x17b: {  	v46 =	vld [tilespmem:s28+$0xD0];
	[tilespmem:$0x8060] =	vst v3;
	vm12 =	vgt.f32 v6, v16;
	vm10 =	vgt.f32 v27, v10;
	v10 =	vmax.f32 v10, v27  }
0x17c: {  	[tilespmem:$0x8070] =	vst v63;
	v57 =	vmax.f32 v53, v12;
	v59 =	vsel vm12, s0, v18;
	v26 =	vsel vm10, s0, v39  }
0x17d: {  	vm6 =	vgt.f32 v24, v44;
	[tilespmem:$0x8040] =	vst v57;
	vm11 =	vgt.f32 v14, v10;
	v10 =	vmax.f32 v10, v14  }
0x17e: {  	s5 =	sadd.s32 $0xC3B, s25;
	v47 =	vmax.f32 v44, v24;
	vm10 =	vgt.f32 v5, v51;
	v48 =	vmax.f32 v20, v40;
	[tilespmem:$0x8010] =	vst v10  }
0x17f: {  	v0 =	vsel vm6, s0, v0;
	v26 =	vsel vm11, s5, v26;
	v45 =	vmax.f32 v21, v31;
	[tilespmem:$0x8000] =	vst v48  }
0x180: {  	vm13 =	vgt.f32 v40, v20;
	vm8 =	vgt.f32 v31, v21;
	v52 =	vmax.f32 v47, v42;
	[tilespmem:$0x8090] =	vst v26  }
0x181: {  	vm14 =	vgt.f32 v42, v47;
	vm11 =	vgt.f32 v12, v53;
	v49 =	vsel vm13, s5, v41;
	[tilespmem:$0x8020] =	vst v52  }
0x182: {  	v50 =	vmax.f32 v45, v43;
	v2 =	vsel vm8, s1, v2;
	v0 =	vsel vm14, s5, v0;
	[tilespmem:$0x8080] =	vst v49  }
0x183: {  	vm15 =	vgt.f32 v43, v45;
	vm8 =	vgt.f32 v9, v13;
	v54 =	vmax.f32 v50, v17;
	[tilespmem:$0x80A0] =	vst v0  }
0x184: {  	vm13 =	vgt.f32 v46, v58;
	v55 =	vsel vm8, s1, v1;
	v1 =	vmax.f32 v58, v46;
	[tilespmem:$0x8030] =	vst v54  }
0x185: {  	vm9 =	vgt.f32 v17, v50;
	v2 =	vsel vm15, s0, v2;
	v60 =	vsel vm13, s5, v59;
	[tilespmem:$0x8050] =	vst v1  }
0x186: {  	vm14 =	vgt.f32 v8, v11;
	v56 =	vsel vm9, s5, v2;
	v0 =	vsel vm10, s0, v55;
	[tilespmem:$0x80D0] =	vst v60  }
0x187: {  	v61 =	vsel vm5, s0, v23;
	v62 =	vsel vm14, s1, v4;
	[tilespmem:$0x80B0] =	vst v56;
	v0 =	vsel vm11, s5, v0  }
0x188: {  	vm15 =	vgt.f32 v19, v15;
	v1 =	vsel vm1, s5, v61;
	[tilespmem:$0x80C0] =	vst v0;
	v0 =	vsel vm0, s0, v62  }
0x189: {  	[tilespmem:$0x80E0] =	vst v1;
	v0 =	vsel vm15, s5, v0  }
0x18a: {  	s30 =	simm.s32 $0x8000;
	[tilespmem:$0x80F0] =	vst v0  }
0x18b: {  	[hbm4b:s12+s3] =	stream.linear.scatter [tilespmem:s30], [sflag:$0x5], $0x80, $0x38;
	[tilespmem:$0x8100] =	vst v63  }
0x18c: {  	s26 =	sadd.s32 $0x1, s26;
	_ =	swait.ge [sflag:s24], $0x80  }
0x18d: {  	p0 =	sne.s32 s26, s14;
	[sflag:s24] =	ssyncset.done $0x0  }
.Ltmp7:
0x18e: {  	s31 =	simm.s32 $0x8080;
	[sflag:s24] =	ssyncadd.s32 $0xFFFFFF80;
	(pc) =	sbr.rel @p0 .LBB2_1-.Ltmp7, $4  }
0x18f: {  	[hbm4b:s13+s3] =	stream.linear.scatter [tilespmem:s31], [sflag:$0x5], $0x80, $0x38;
	[tilespmem:$0x8100] =	vst v63  }
0x190: {  	_ =	swait.ge [sflag:s24], $0x80  }
0x191: {  	[sflag:s24] =	ssyncset.done $0x0  }
0x192: {  	[sflag:s24] =	ssyncadd.s32 $0xFFFFFF80  }
0x193: {  	_ =	sfence.sel $0x180000  }
0x194: {  	[bflag:$0x0] =	sbarrier.arrive $0xFFFF  }
0x195: {  	_ =	strace $0x90000047  }
0x196: {  	s0 =	stileid.u32;
	[bflag:$0x2] =	sbarrier.arrive $0xFFFF  }
0x197: {  	p0 =	sne.s32 s0, $0x0;
	s0 =	rddreg [dreg:$0x2]  }
0x198: {  	s0 =	sadd.s32 @!p0 $0x100000, s0  }
0x199: {  	[sflag:s0] =	ssyncadd.tile.s32 @!p0 $0x1;
	_ =	shalt  }
.Lfunc_end2:
_tile_overlayer_lowered:
.L_overlay_start_2:
0x19a: {  	(tag) =	ssettag $0x2  }
0x19b: {  	s0 =	rddreg [dreg:$0x0];
	s2 =	stileid.u32  }
0x19c: {  	s1 =	rddreg [dreg:$0x1];
	p0 =	sne.s32 s2, $0x0  }
0x19d: {  	s3 =	rddreg [dreg:$0x2];
	[bflag:$0x3] =	sbarrier.arrive $0xFFFF;
	s2 =	simm.s32 @!p0 $0x1C05  }
0x19e: {  	[timem:s3], [sflag:s2] =	dma.local @!p0 [hbm:s0], s1  }
0x19f: {  	s0 =	simm.s32 @!p0 $0x5  }
0x1a0: {  	_ =	swait.ge @!p0 [sflag:s0], s1  }
0x1a1: {  	s1 =	ssub.s32 @!p0 $0x0, s1;
	[sflag:s0] =	ssyncset.done @!p0 $0x0  }
0x1a2: {  	[sflag:s0] =	ssyncadd.s32 @!p0 s1  }
0x1a3: {  	[bflag:$0x3] =	sbarrier.arrive $0xFFFF  }
0x1a4: {  	_ =	shalt  }

// kernel: kernel.7.cloned.1.call-start
scs
__scs_entry_jumppad:
0x0: {  	(pc) =	sbr.rel $0x88, $3  }
0x1: {  	(tag) =	ssettag $0x0;
	lr =	simm.s32 $0x1  }
0x2: {  	[smem:$0x3FA0] =	sst lr;
	_ =	strace $0xD0000000  }
0x3: {  	_ = 	snop  }
0x4: {  	_ = 	snop  }
0x5: {  	_ = 	snop  }
0x6: {  	_ = 	snop  }
0x7: {  	_ = 	snop  }
__scs_overlays_trampoline_lowered:
0x8: {  	[smem:$0x3FAF] =	sst s0  }
0x9: {  	[smem:$0x3FB0] =	sst s1  }
0xa: {  	[smem:$0x3FB1] =	sst s2  }
0xb: {  	[smem:$0x3FB2] =	sst s3  }
0xc: {  	[smem:$0x3FB3] =	sst s4  }
0xd: {  	[smem:$0x3FB4] =	sst s5  }
0xe: {  	[smem:$0x3FB5] =	sst s6  }
0xf: {  	[smem:$0x3FB6] =	sst s7  }
0x10: {  	[smem:$0x3FB7] =	sst s8  }
0x11: {  	[smem:$0x3FB8] =	sst s9;
	s0 =	simm.s32 @!p0 $0x0  }
0x12: {  	s1 =	sld [smem:$0x3F9E];
	s0 =	simm.s32 @p0 $0x1  }
0x13: {  	[smem:$0x3FB9] =	sst s0;
	s0 =	simm.s32 @!p1 $0x0  }
0x14: {  	s2 =	sld [smem:$0x3F9D];
	s0 =	simm.s32 @p1 $0x1  }
0x15: {  	[smem:$0x3FBA] =	sst s0;
	s0 =	simm.s32 @!p2 $0x0  }
0x16: {  	s3 =	sld [smem:$0x3FDB];
	s0 =	simm.s32 @p2 $0x1  }
0x17: {  	s4 =	simm.s32 $0x1BF5;
	[smem:$0x3FBC] =	sst s0  }
0x18: {  	s0 =	sld [smem:$0x3F9F];
	_ =	swait.ge [sflag:s4], $0x0  }
0x19: {  	s7 =	sld [smem:$0x3FA0]  }
0x1a: {  	s8 =	sadd.s32 $0xFFFFE003, lr  }
0x1b: {  	s9 =	sadd.s32 $0xFFFFFEF7, lr;
	s5 =	simm.s32 $0xFFFFFFFF;
	p2 =	slt.u32 s8, $0xFFFFF086  }
0x1c: {  	p1 =	slt.u32 s9, $0xF7A;
	s5 =	simm.s32 @!p2 $0x0  }
0x1d: {  	s5 =	simm.s32 @p1 $0x1;
	p0 =	seq.s32 s7, s2  }
0x1e: {  	s7 =	smul.u32 @!p0 $0xF7A, s2;
	p2 =	seq.s32 @!p0 s5, $0x0  }
0x1f: {  	s9 =	smul.u32 $0xF7A, s1;
	s8 =	simm.s32 @!p0 $0x1BF5;
	p2 =	por !p2, p0  }
0x20: {  	[sflag:s8] =	ssyncset.s32 @!p0 $0xFFFFF086;
	s6 =	sadd.s32 @!p0 s3, s7;
	s7 =	simm.s32 @!p0 $0x108  }
0x21: {  	s3 =	sadd.s32 s3, s9;
	s6 =	sadd.s32 @!p0 $0x88, s6;
	s7 =	simm.s32 @p2 $0x1082  }
0x22: {  	[simem:s7], [sflag:s8] =	dma.local @!p0 [hbm:s6], $0xF7A  }
0x23: {  	s9 =	sor.u32 $0xD0000000, s2;
	s6 =	simm.s32 $0x108;
	_ =	swait.ge @!p0 [sflag:s8], $0x0  }
0x24: {  	s3 =	sadd.s32 $0x88, s3;
	s6 =	simm.s32 @!p1 $0x1082;
	[sflag:s4] =	ssyncset.s32 $0xFFFFF086  }
0x25: {  	[simem:s6], [sflag:s4] =	dma.local [hbm:s3], $0xF7A  }
0x26: {  	[smem:$0x3FA0] =	sst s1;
	(tag) =	ssettag s2;
	_ =	strace s9  }
0x27: {  	s1 =	sld [smem:$0x3FB0]  }
0x28: {  	s2 =	sld [smem:$0x3FB1]  }
0x29: {  	s4 =	sld [smem:$0x3FB3]  }
0x2a: {  	p0 =	seq.s32 s5, $0x0;
	s5 =	sld [smem:$0x3FB4]  }
0x2b: {  	s6 =	sld [smem:$0x3FB5]  }
0x2c: {  	s7 =	sld [smem:$0x3FB6]  }
0x2d: {  	s3 =	simm.s32 $0x108;
	s8 =	sld [smem:$0x3FB7]  }
0x2e: {  	s3 =	simm.s32 @!p0 $0x1082;
	s9 =	sld [smem:$0x3FB8]  }
0x2f: {  	lr =	sadd.s32 s0, s3;
	s0 =	sld [smem:$0x3FAF]  }
0x30: {  	s3 =	sld [smem:$0x3FB2]  }
0x31: {  	[smem:$0x3FBB] =	sst s10  }
0x32: {  	s10 =	sld [smem:$0x3FB9];
	_ =	sdelay $0x3  }
0x33: {  	p0 =	seq.s32 s10, $0x1;
	s10 =	sld [smem:$0x3FBB];
	_ =	sdelay $0x3  }
0x34: {  	[smem:$0x3FBB] =	sst s10  }
0x35: {  	s10 =	sld [smem:$0x3FBA];
	_ =	sdelay $0x3  }
0x36: {  	p1 =	seq.s32 s10, $0x1;
	s10 =	sld [smem:$0x3FBB];
	_ =	sdelay $0x3  }
0x37: {  	[smem:$0x3FBB] =	sst s10  }
0x38: {  	s10 =	sld [smem:$0x3FBC]  }
0x39: {  	_ = 	snop;
	(pc) =	sbr.ind lr, $3  }
0x3a: {  	_ = 	snop  }
0x3b: {  	_ = 	snop  }
0x3c: {  	p2 =	seq.s32 s10, $0x1;
	s10 =	sld [smem:$0x3FBB]  }
0x3d: {  	_ =	shalt  }
0x3e: {  	_ =	shalt  }
0x3f: {  	_ =	shalt  }
0x40: {  	_ =	shalt  }
0x41: {  	_ =	shalt  }
0x42: {  	_ =	shalt  }
0x43: {  	_ =	shalt  }
0x44: {  	_ =	shalt  }
0x45: {  	_ =	shalt  }
0x46: {  	_ =	shalt  }
0x47: {  	_ =	shalt  }
0x48: {  	_ =	shalt  }
0x49: {  	_ =	shalt  }
0x4a: {  	_ =	shalt  }
0x4b: {  	_ =	shalt  }
0x4c: {  	_ =	shalt  }
0x4d: {  	_ =	shalt  }
0x4e: {  	_ =	shalt  }
0x4f: {  	_ =	shalt  }
0x50: {  	_ =	shalt  }
0x51: {  	_ =	shalt  }
0x52: {  	_ =	shalt  }
0x53: {  	_ =	shalt  }
0x54: {  	_ =	shalt  }
0x55: {  	_ =	shalt  }
0x56: {  	_ =	shalt  }
0x57: {  	_ =	shalt  }
0x58: {  	_ =	shalt  }
0x59: {  	_ =	shalt  }
0x5a: {  	_ =	shalt  }
0x5b: {  	_ =	shalt  }
0x5c: {  	_ =	shalt  }
0x5d: {  	_ =	shalt  }
0x5e: {  	_ =	shalt  }
0x5f: {  	_ =	shalt  }
0x60: {  	_ =	shalt  }
0x61: {  	_ =	shalt  }
0x62: {  	_ =	shalt  }
0x63: {  	_ =	shalt  }
0x64: {  	_ =	shalt  }
0x65: {  	_ =	shalt  }
0x66: {  	_ =	shalt  }
0x67: {  	_ =	shalt  }
0x68: {  	_ =	shalt  }
0x69: {  	_ =	shalt  }
0x6a: {  	_ =	shalt  }
0x6b: {  	_ =	shalt  }
0x6c: {  	_ =	shalt  }
0x6d: {  	_ =	shalt  }
0x6e: {  	_ =	shalt  }
0x6f: {  	_ =	shalt  }
0x70: {  	_ =	shalt  }
0x71: {  	_ =	shalt  }
0x72: {  	_ =	shalt  }
0x73: {  	_ =	shalt  }
0x74: {  	_ =	shalt  }
0x75: {  	_ =	shalt  }
0x76: {  	_ =	shalt  }
0x77: {  	_ =	shalt  }
0x78: {  	_ =	shalt  }
0x79: {  	_ =	shalt  }
0x7a: {  	_ =	shalt  }
0x7b: {  	_ =	shalt  }
0x7c: {  	_ =	shalt  }
0x7d: {  	_ =	shalt  }
0x7e: {  	_ =	shalt  }
0x7f: {  	_ =	shalt  }
0x80: {  	_ =	shalt  }
0x81: {  	_ =	shalt  }
0x82: {  	_ =	shalt  }
0x83: {  	_ =	shalt  }
0x84: {  	_ =	shalt  }
0x85: {  	_ =	shalt  }
0x86: {  	_ =	shalt  }
0x87: {  	_ =	shalt  }
.Lfunc_end0:
.L_simem_size_0:
called_computation.1_lowered:
.L_overlay_start_0:
0x88: {  	s2 =	sld [smem:$0x3FD9]  }
0x89: {  	s3 =	sld [smem:$0x3FFE];
	_ =	sdelay $0x1  }
0x8a: {  	s1 =	srdreg.scid  }
0x8b: {  	s0 =	sand.u32 $0x1, s1  }
0x8c: {  	s17 =	sshll.u32 s0, $0xA;
	s2 =	sadd.s32 s3, s2  }
0x8d: {  	s2 =	sadd.s32 s2, s17  }
0x8e: {  	[smem:$0x3FC7] =	sst s2  }
0x8f: {  	_ = 	snop  }
0x90: {  	s2 =	sld [smem:$0x3FD0];
	(tm) =	ssettm $0x1  }
0x91: {  	s18 =	sld [smem:$0x3FFB];
	_ =	sdelay $0x3  }
0x92: {  	_ =	strace s18  }
0x93: {  	s3 =	sld [smem:$0x3FFC];
	_ =	sdelay $0x3  }
0x94: {  	_ =	strace s3  }
0x95: {  	s3 =	sld [smem:$0x3FFD];
	_ =	sdelay $0x3  }
0x96: {  	_ =	strace s3  }
0x97: {  	_ =	strace $0x8FFFFFFF  }
0x98: {  	s19 =	sld [smem:$0x3FDB];
	_ =	sdelay $0x1  }
0x99: {  	s4 =	simm.s32 $_scs_section_size  }
0x9a: {  	s5 =	simm.s32 $_size__tile_overlayer_lowered;
	s6 =	simm.s32 $_tile_overlayer_lowered  }
0x9b: {  	s22 =	simm.s32 $0x1BFF;
	s21 =	sshll.u32 s6, $0x1;
	s3 =	sadd.s32 s4, s19  }
0x9c: {  	s7 =	simm.s32 $0x0;
	s20 =	sshll.u32 s5, $0x1;
	s5 =	sadd.s32 s21, s3  }
0x9d: {  	[timem:s7], [sflag:s22] =	dma.local [hbm:s5], s20  }
0x9e: {  	_ =	swait.ge [sflag:s22], s20  }
0x9f: {  	s4 =	ssub.s32 $0x0, s20;
	[sflag:s22] =	ssyncset.done $0x0  }
0xa0: {  	[sflag:s22] =	ssyncadd.s32 s4;
	_ =	sdelay $0x1  }
0xa1: {  	s23 =	simm.s32 $0x1B8B  }
0xa2: {  	_ =	swait.ge [sflag:s23], $0x1  }
0xa3: {  	[sflag:s23] =	ssyncset.done $0x0  }
0xa4: {  	s25 =	simm.s32 $0x1B8E;
	s24 =	sld [smem:$0x3FFE];
	[sflag:s23] =	ssyncadd.s32 $0xFFFFFFFF  }
0xa5: {  	s26 =	simm.s32 $execute0_lowered;
	[smem:$0x3FD2] =	sst s25  }
0xa6: {  	s5 =	sshll.u32 s26, $0x1;
	_ =	strace $0x80000049;
	[dreg:$0x1] =	wrdreg $0xFFFFFFFF  }
0xa7: {  	s28 =	simm.s32 $_size_execute0_lowered;
	s3 =	sadd.s32 s3, s5;
	[dreg:$0x0] =	wrdreg $0x0  }
0xa8: {  	s5 =	sshll.u32 s28, $0x1;
	[dreg:$0x2] =	wrdreg s3  }
0xa9: {  	[dreg:$0x3] =	wrdreg s5  }
0xaa: {  	[dreg:$0x4] =	wrdreg $0xC0  }
0xab: {  	_ =	task [dreg:s7], $0x5FFFF  }
0xac: {  	[dreg:$0x1] =	wrdreg $0xFFFFFFFF  }
0xad: {  	[dreg:$0x0] =	wrdreg $0x60  }
0xae: {  	[dreg:$0x2] =	wrdreg s24  }
0xaf: {  	[dreg:$0x3] =	wrdreg s2  }
0xb0: {  	[dreg:$0x4] =	wrdreg $0x9  }
0xb1: {  	_ =	task.clear_ibuf [dreg:s7], $0x5FFFF;
	_ =	strace $0x90000049  }
0xb2: {  	s29 =	simm.s32 $0x9;
	_ =	strace $0x8000004B  }
0xb3: {  	_ =	swait.ge [sflag:s29], $0x1  }
0xb4: {  	[sflag:s29] =	ssyncadd.s32 $0xFFFFFFFF  }
0xb5: {  	_ =	strace $0x9000004B  }
0xb6: {  	_ =	sfence  }
0xb7: {  	s30 =	sld [smem:$0x0];
	_ =	sdelay $0x2  }
0xb8: {  	s31 =	sshll.u32 s1, $0xD;
	s1 =	sshrl.u32 s1, $0x2  }
0xb9: {  	s3 =	sand.u32 $0x4000, s31;
	s1 =	sadd.s32 s1, s30  }
0xba: {  	s0 =	sor.u32 s3, s0;
	s1 =	sshll.u32 s1, $0x11  }
0xbb: {  	s0 =	sor.u32 s1, s0  }
0xbc: {  	s0 =	sadd.s32 $0x8F2B, s0  }
0xbd: {  	[sflag:s0] =	ssyncadd.remote.s32 $0x1  }
0xbe: {  	_ =	sfence.sel $0xFFFF  }
0xbf: {  	[dreg:$0x0] =	wrdreg $0xFFFFFFFF;
	(pc) =	sbr.abs _section_cstart, $3  }
0xc0: {  	[dreg:$0x1] =	wrdreg $0xFFFFFFFF  }
0xc1: {  	_ =	task.clear_ibuf [dreg:s7], $0x2FFFF;
	_ =	strace $0x9FFFFFFF  }
0xc2: {  	(tm) =	ssettm $0x7FFFFFFF  }
0xc3: {  	_ =	shalt  }
tec
execute0_lowered:
.L_overlay_start_1:
0x0: {  	(tag) =	ssettag $0x1  }
0x1: {  	s5 =	rddreg [dreg:$0x0]  }
0x2: {  	s7 =	rddreg [dreg:$0x1]  }
0x3: {  	s0 =	rddreg [dreg:$0x2];
	s2 =	simm.s32 $0x0  }
0x4: {  	s1 =	stileid.u32;
	[smem:$0x7FF] =	sst s2  }
0x5: {  	v0 =	vlaneseq.u32;
	s4 =	simm.s32 $0x1;
	s3 =	sadd.s32 $0xC00, s5;
	_ =	strace $0x8000004A  }
0x6: {  	v15 =	vmul.u32 $0x80, v0;
	[tilespmem:s2], [sflag:$0x1] =	stream.linear.gather [hbm4b:s3+s2], $0x1000, $0x38;
	[tilespmem:$0x2080] =	vst v63  }
0x7: {  	s8 =	sshll.u32 s1, $0x3;
	_ =	swait.ge [sflag:s4], $0x1000  }
0x8: {  	s6 =	simm.s32 $0x1000;
	s9 =	sor.u32 $0x5, s8;
	v13 =	vor.u32 $0x800, v15;
	[sflag:s4] =	ssyncset.done $0x0  }
0x9: {  	s5 =	sadd.s32 $0xE00, s5;
	s10 =	sor.u32 $0x1, s8;
	v0 =	vor.u32 s9, v13;
	[sflag:s4] =	ssyncadd.s32 $0xFFFFF000  }
0xa: {  	v1 =	vor.u32 s10, v13;
	[tilespmem:s6], [sflag:$0x1] =	stream.linear.gather [hbm4b:s5+s2], $0x1000, $0x38;
	[tilespmem:$0x2080] =	vst v63  }
0xb: {  	s25 =	sor.u32 $0x6, s8;
	v2 =	vor.u32 s10, v15;
	_ =	swait.ge [sflag:s4], $0x1000  }
0xc: {  	s11 =	sor.u32 $0x2, s8;
	v3 =	vor.u32 s25, v13;
	[sflag:s4] =	ssyncset.done $0x0  }
0xd: {  	v4 =	vor.u32 s11, v13;
	[sflag:s4] =	ssyncadd.s32 $0xFFFFF000  }
0xe: {  	s26 =	sor.u32 $0x4, s8;
	v5 =	vor.u32 s25, v15;
	v20 =	vld.idx.msk [tilespmem:v0+s2+$0x0], $0xffff  }
0xf: {  	v6 =	vor.u32 s26, v13;
	v21 =	vld.idx.msk [tilespmem:v1+s2+$0x0], $0xffff  }
0x10: {  	v7 =	vor.u32 s26, v15;
	v22 =	vld.idx.msk [tilespmem:v2+s2+$0x0], $0xffff  }
0x11: {  	v8 =	vor.u32 s11, v15;
	v16 =	vld.idx.msk [tilespmem:v3+s2+$0x0], $0xffff  }
0x12: {  	v9 =	vor.u32 s8, v15;
	v23 =	vld.idx.msk [tilespmem:v4+s2+$0x0], $0xffff  }
0x13: {  	v11 =	vor.u32 s9, v15;
	v24 =	vld.idx.msk [tilespmem:v5+s2+$0x0], $0xffff  }
0x14: {  	v10 =	vor.u32 s8, v13;
	v25 =	vld.idx.msk [tilespmem:v6+s2+$0x0], $0xffff  }
0x15: {  	v26 =	vld.idx.msk [tilespmem:v7+s2+$0x0], $0xffff  }
0x16: {  	s28 =	sshllo.u32 s1, $0x3;
	s8 =	sor.u32 $0x3, s8;
	v27 =	vld.idx.msk [tilespmem:v8+s2+$0x0], $0xffff  }
0x17: {  	v12 =	vor.u32 s28, v13;
	v13 =	vor.u32 s8, v13;
	v28 =	vld.idx.msk [tilespmem:v9+s2+$0x0], $0xffff  }
0x18: {  	v14 =	vor.u32 s8, v15;
	v30 =	vld.idx.msk [tilespmem:v11+s2+$0x0], $0xffff  }
0x19: {  	v29 =	vld.idx.msk [tilespmem:v10+s2+$0x0], $0xffff;
	v17 =	vmax.f32 v24, v16  }
0x1a: {  	v18 =	vmax.f32 v22, v21;
	(xrf0) =	vmax.scan.msk.f32 $0xffff, v17  }
0x1b: {  	v19 =	vmax.f32 v26, v25;
	(xrf0) =	vmax.scan.msk.f32 $0xffff, v18  }
0x1c: {  	v15 =	vor.u32 s28, v15;
	v31 =	vld.idx.msk [tilespmem:v13+s2+$0x0], $0xffff;
	v18 =	vmax.f32 v27, v23;
	(xrf0) =	vmax.scan.msk.f32 $0xffff, v19  }
0x1d: {  	v32 =	vld.idx.msk [tilespmem:v14+s2+$0x0], $0xffff;
	v19 =	vmax.f32 v30, v20;
	(xrf0) =	vmax.scan.msk.f32 $0xffff, v18  }
0x1e: {  	v33 =	vld.idx.msk [tilespmem:v1+s6+$0x0], $0xffff;
	v18 =	vmax.f32 v28, v29  }
0x1f: {  	vm5 =	vcmask $0x300;
	v34 =	vld.idx.msk [tilespmem:v2+s6+$0x0], $0xffff;
	(xrf0) =	vmax.scan.msk.f32 $0xffff, v18  }
0x20: {  	vm6 =	vcmask $0x704;
	vm7 =	vcmask $0xB08;
	vm1 =	vcmask $0xF0C;
	v17 =	vld.idx.msk [tilespmem:v12+s2+$0x0], $0xffff;
	(xrf0) =	vmax.scan.msk.f32 $0xffff, v19;
	v19, _, _ =	vpop (xrf0)  }
0x21: {  	vm4 =	vcmask $0x1310;
	vm0 =	vcmask $0x1714;
	v18 =	vld.idx.msk [tilespmem:v15+s2+$0x0], $0xffff;
	v19 =	vbroadcast v19, $0xF;
	v35, _, _ =	vpop (xrf0)  }
0x22: {  	vm2 =	vcmask $0x1B18;
	vm3 =	vcmask $0x1F1C;
	v36 =	vld.idx.msk [tilespmem:v8+s6+$0x0], $0xffff;
	v35 =	vbroadcast v35, $0xF;
	v37, _, _ =	vpop (xrf0)  }
0x23: {  	v38 =	vld.idx.msk [tilespmem:v10+s6+$0x0], $0xffff;
	v39 =	vmax.f32 v32, v31;
	v37 =	vbroadcast v37, $0xF;
	vm8 =	veq.f32 v24, v19;
	v24, _, _ =	vpop (xrf0)  }
0x24: {  	v40 =	vld.idx.msk [tilespmem:v9+s6+$0x0], $0xffff;
	(xrf0) =	vmax.scan.msk.f32 $0xffff, v39;
	vm9 =	veq.f32 v22, v35;
	vm10 =	veq.f32 v21, v35;
	v21 =	vbroadcast v24, $0xF  }
0x25: {  	v22 =	vld.idx.msk [tilespmem:v6+s6+$0x0], $0xffff;
	v24 =	vnsel vm9, $0x1000000, v34;
	v33 =	vnsel vm10, $0x1000000, v33;
	vm9 =	veq.f32 v26, v37;
	v26, _, _ =	vpop (xrf0)  }
0x26: {  	s29 =	srdreg.scid;
	v26 =	vbroadcast v26, $0xF;
	vm10 =	veq.f32 v27, v21;
	v27 =	vmax.f32 v18, v17  }
0x27: {  	s30 =	sand.u32 $0x1, s29;
	v59 =	vld.idx.msk [tilespmem:v7+s6+$0x0], $0xffff;
	v60, _, _ =	vpop (xrf0);
	vm13 =	vlt.s32 v24, v33;
	v36 =	vnsel vm10, $0x1000000, v36;
	vm10 =	veq.f32 v25, v37  }
0x28: {  	s8 =	ssub.s32 $0x2, s30;
	v61 =	vld.idx.msk [tilespmem:v13+s6+$0x0], $0xffff;
	v35 =	vbroadcast v60, $0xF;
	(xrf0) =	vmax.scan.msk.f32 $0xffff, v27;
	vm11 =	veq.f32 v28, v26;
	vm12 =	veq.f32 v29, v26  }
0x29: {  	s31 =	sshrl.u32 s8, $0x1;
	v25 =	vld.idx.msk [tilespmem:v14+s6+$0x0], $0xffff;
	v24 =	vsel vm13, v24, v33;
	v26 =	vnsel vm11, $0x1000000, v40;
	v27 =	vnsel vm12, $0x1000000, v38  }
0x2a: {  	s8 =	ssub.s32 s8, s31;
	v28 =	vld.idx.msk [tilespmem:v4+s6+$0x0], $0xffff;
	v24 =	vxor.u32 $0x80000000, v24;
	v29, _, _ =	vpop (xrf0);
	v22 =	vnsel vm10, $0x1000000, v22;
	vm11 =	vlt.s32 v26, v27  }
0x2b: {  	s8 =	smax.u32 s8, $0x1;
	v62 =	vld.idx.msk [tilespmem:v11+s6+$0x0], $0xffff;
	(xrf0) =	vmin.scan.msk.u32 $0xffff, v24;
	vm10 =	veq.f32 v30, v35;
	v26 =	vsel vm11, v26, v27;
	v27 =	vbroadcast v29, $0xF  }
0x2c: {  	s8 =	sadd.s32 $0xFFFFFFFF, s8;
	v63 =	vld.idx.msk [tilespmem:v0+s6+$0x0], $0xffff;
	v29 =	vnsel vm9, $0x1000000, v59;
	vm9 =	veq.f32 v23, v21;
	v24 =	vxor.u32 $0x80000000, v26  }
0x2d: {  	p1 =	sne.s32 s8, $0x0;
	vm13 =	vlt.s32 v29, v22;
	vm11 =	veq.f32 v32, v27;
	vm12 =	veq.f32 v31, v27;
	(xrf0) =	vmin.scan.msk.u32 $0xffff, v24  }
.Ltmp0:
0x2e: {  	v21 =	vld.idx.msk [tilespmem:v15+s6+$0x0], $0xffff;
	v23, _, _ =	vpop (xrf0);
	v22 =	vsel vm13, v29, v22;
	v26 =	vnsel vm11, $0x1000000, v25;
	v27 =	vnsel vm12, $0x1000000, v61;
	(pc) =	sbr.rel @!p1 .LBB2_2-.Ltmp0, $4  }
0x2f: {  	v28 =	vnsel vm9, $0x1000000, v28;
	v25 =	vbroadcast v23, $0xF;
	v23 =	vld.idx.msk [tilespmem:v5+s6+$0x0], $0xffff;
	vm9 =	vlt.s32 v26, v27  }
0x30: {  	v24 =	vld.idx.msk [tilespmem:v3+s6+$0x0], $0xffff;
	v27 =	vsel vm9, v26, v27;
	v26 =	vnsel vm10, $0x1000000, v62;
	vm9 =	veq.f32 v20, v35  }
0x31: {  	v30, _, _ =	vpop (xrf0);
	vm10 =	vlt.s32 v36, v28;
	v20 =	vld.idx.msk [tilespmem:v12+s6+$0x0], $0xffff;
	v29 =	vxor.u32 $0x80000000, v27;
	v27 =	vnsel vm9, $0x1000000, v63  }
0x32: {  	s7 =	sadd.s32 s7, s1;
	p0 =	sne.s32 s30, $0x0;
	(v2sf) =	vpush v30, $0xF;
	v28 =	vsel vm10, v36, v28;
	vm9 =	vlt.s32 v26, v27;
	(xrf0) =	vmin.scan.msk.u32 $0xffff, v29  }
.LBB2_1:
0x33: {  	s8 =	sadd.s32 $0xFFFFFFFF, s8;
	v28 =	vxor.u32 $0x80000000, v28;
	vm10 =	veq.f32 v16, v19;
	vm11 =	veq.f32 v18, v25;
	v16, _, _ =	vpop (xrf0)  }
0x34: {  	v18 =	vnsel vm8, $0x1000000, v23;
	vm8 =	veq.f32 v17, v25;
	p1 =	sne.s32 s8, $0x0;
	(v2sf) =	vpush v16, $0xF;
	(xrf0) =	vmin.scan.msk.u32 $0xffff, v28  }
0x35: {  	v16 =	vsel vm9, v26, v27;
	v17 =	vnsel vm10, $0x1000000, v24;
	v19 =	vnsel vm11, $0x1000000, v21  }
0x36: {  	v21 =	vxor.u32 $0x80000000, v22;
	vm9 =	vlt.s32 v18, v17;
	v20 =	vnsel vm8, $0x1000000, v20  }
0x37: {  	v16 =	vxor.u32 $0x80000000, v16;
	v17 =	vsel vm9, v18, v17;
	vm8 =	vlt.s32 v19, v20;
	(xrf0) =	vmin.scan.msk.u32 $0xffff, v21  }
0x38: {  	v21 =	vxor.u32 $0x80000000, v17;
	v18 =	vsel vm8, v19, v20;
	v19, _, _ =	vpop (xrf0);
	(xrf0) =	vmin.scan.msk.u32 $0xffff, v16  }
0x39: {  	v16 =	vxor.u32 $0x80000000, v18;
	(v2sf) =	vpush v19, $0xF;
	(xrf0) =	vmin.scan.msk.u32 $0xffff, v21  }
0x3a: {  	v17, _, _ =	vpop (xrf0);
	(xrf0) =	vmin.scan.msk.u32 $0xffff, v16  }
0x3b: {  	(v2sf) =	vpush v17, $0xF;
	_ =	sdelay $0x1  }
0x3c: {  	v16, _, _ =	vpop (xrf0)  }
0x3d: {  	(v2sf) =	vpush v16, $0xF;
	v16, _, _ =	vpop (xrf0)  }
0x3e: {  	(v2sf) =	vpush v16, $0xF;
	v16, _, _ =	vpop (xrf0)  }
0x3f: {  	(v2sf) =	vpush v16, $0xF;
	v16, _, _ =	vpop (xrf0)  }
0x40: {  	s9 =	spop (v2sf);
	(v2sf) =	vpush v16, $0xF;
	_ =	sdelay $0x1  }
0x41: {  	s10 =	spop (v2sf)  }
0x42: {  	s10 =	sxor.u32 $0x80000000, s10  }
0x43: {  	v16 =	vmov s10  }
0x44: {  	v16 =	vnsel vm5, $0x0, v16;
	_ =	sdelay $0x1  }
0x45: {  	s10 =	spop (v2sf);
	_ =	sdelay $0x1  }
0x46: {  	s9 =	sxor.u32 $0x80000000, s9;
	s11 =	spop (v2sf)  }
0x47: {  	v16 =	vsel vm6, s9, v16;
	s11 =	sxor.u32 $0x80000000, s11  }
0x48: {  	v16 =	vsel vm7, s11, v16  }
0x49: {  	s9 =	sxor.u32 $0x80000000, s10;
	s10 =	spop (v2sf)  }
0x4a: {  	v16 =	vsel vm1, s9, v16;
	s10 =	sxor.u32 $0x80000000, s10;
	s9 =	spop (v2sf)  }
0x4b: {  	s9 =	sxor.u32 $0x80000000, s9;
	v16 =	vsel vm4, s10, v16;
	s10 =	spop (v2sf)  }
0x4c: {  	s10 =	sxor.u32 $0x80000000, s10;
	v16 =	vsel vm0, s9, v16;
	s9 =	spop (v2sf)  }
0x4d: {  	s9 =	sxor.u32 $0x80000000, s9;
	v16 =	vsel vm2, s10, v16  }
0x4e: {  	v16 =	vsel vm3, s9, v16  }
0x4f: {  	s11 =	simm.s32 @!p0 $0x2;
	s10 =	simm.s32 @!p0 $0x2000;
	s9 =	simm.s32 @!p0 $0x0;
	[tilespmem:$0x2000] =	vst v16  }
0x50: {  	[hbm4b:s7+s9] =	stream.linear.scatter @!p0 [tilespmem:s10], [sflag:$0x2], $0x8, $0x38;
	[tilespmem:$0x2080] =	vst v63  }
0x51: {  	_ =	swait.ge @!p0 [sflag:s11], $0x8  }
0x52: {  	[sflag:s11] =	ssyncset.done @!p0 $0x0  }
0x53: {  	[sflag:s11] =	ssyncadd.s32 @!p0 $0xFFFFFFF8  }
0x54: {  	[tilespmem:s2], [sflag:$0x1] =	stream.linear.gather [hbm4b:s3+s2], $0x1000, $0x38;
	[tilespmem:$0x2080] =	vst v63  }
0x55: {  	_ =	swait.ge [sflag:s4], $0x1000  }
0x56: {  	[sflag:s4] =	ssyncset.done $0x0  }
0x57: {  	[sflag:s4] =	ssyncadd.s32 $0xFFFFF000  }
0x58: {  	[tilespmem:s6], [sflag:$0x1] =	stream.linear.gather [hbm4b:s5+s2], $0x1000, $0x38;
	[tilespmem:$0x2080] =	vst v63  }
0x59: {  	_ =	swait.ge [sflag:s4], $0x1000  }
0x5a: {  	[sflag:s4] =	ssyncset.done $0x0  }
0x5b: {  	[sflag:s4] =	ssyncadd.s32 $0xFFFFF000  }
0x5c: {  	v20 =	vld.idx.msk [tilespmem:v0+s2+$0x0], $0xffff  }
0x5d: {  	v21 =	vld.idx.msk [tilespmem:v1+s2+$0x0], $0xffff  }
0x5e: {  	v22 =	vld.idx.msk [tilespmem:v2+s2+$0x0], $0xffff  }
0x5f: {  	v16 =	vld.idx.msk [tilespmem:v3+s2+$0x0], $0xffff  }
0x60: {  	v23 =	vld.idx.msk [tilespmem:v4+s2+$0x0], $0xffff  }
0x61: {  	v24 =	vld.idx.msk [tilespmem:v5+s2+$0x0], $0xffff  }
0x62: {  	v25 =	vld.idx.msk [tilespmem:v6+s2+$0x0], $0xffff  }
0x63: {  	v26 =	vld.idx.msk [tilespmem:v7+s2+$0x0], $0xffff  }
0x64: {  	v27 =	vld.idx.msk [tilespmem:v8+s2+$0x0], $0xffff  }
0x65: {  	v28 =	vld.idx.msk [tilespmem:v9+s2+$0x0], $0xffff  }
0x66: {  	v29 =	vld.idx.msk [tilespmem:v10+s2+$0x0], $0xffff  }
0x67: {  	v18 =	vmax.f32 v22, v21;
	v17 =	vmax.f32 v24, v16;
	v30 =	vld.idx.msk [tilespmem:v11+s2+$0x0], $0xffff  }
0x68: {  	(xrf0) =	vmax.scan.msk.f32 $0xffff, v17  }
0x69: {  	v19 =	vmax.f32 v26, v25;
	v17 =	vld.idx.msk [tilespmem:v12+s2+$0x0], $0xffff;
	(xrf0) =	vmax.scan.msk.f32 $0xffff, v18  }
0x6a: {  	v18 =	vmax.f32 v27, v23;
	v31 =	vld.idx.msk [tilespmem:v13+s2+$0x0], $0xffff;
	(xrf0) =	vmax.scan.msk.f32 $0xffff, v19  }
0x6b: {  	v32 =	vld.idx.msk [tilespmem:v14+s2+$0x0], $0xffff;
	(xrf0) =	vmax.scan.msk.f32 $0xffff, v18  }
0x6c: {  	v18 =	vmax.f32 v28, v29;
	v33 =	vld.idx.msk [tilespmem:v1+s6+$0x0], $0xffff  }
0x6d: {  	v35 =	vmax.f32 v30, v20;
	v34 =	vld.idx.msk [tilespmem:v2+s6+$0x0], $0xffff;
	(xrf0) =	vmax.scan.msk.f32 $0xffff, v18  }
0x6e: {  	v18 =	vld.idx.msk [tilespmem:v15+s2+$0x0], $0xffff;
	(xrf0) =	vmax.scan.msk.f32 $0xffff, v35;
	v19, _, _ =	vpop (xrf0)  }
0x6f: {  	v35 =	vld.idx.msk [tilespmem:v8+s6+$0x0], $0xffff;
	v19 =	vbroadcast v19, $0xF;
	v36, _, _ =	vpop (xrf0)  }
0x70: {  	v37 =	vld.idx.msk [tilespmem:v10+s6+$0x0], $0xffff;
	v36 =	vbroadcast v36, $0xF;
	v38, _, _ =	vpop (xrf0)  }
0x71: {  	v40 =	vmax.f32 v32, v31;
	v39 =	vld.idx.msk [tilespmem:v9+s6+$0x0], $0xffff;
	v38 =	vbroadcast v38, $0xF;
	vm8 =	veq.f32 v24, v19;
	v24, _, _ =	vpop (xrf0)  }
0x72: {  	vm9 =	veq.f32 v22, v36;
	vm10 =	veq.f32 v21, v36;
	v21 =	vbroadcast v24, $0xF;
	v22 =	vld.idx.msk [tilespmem:v6+s6+$0x0], $0xffff;
	(xrf0) =	vmax.scan.msk.f32 $0xffff, v40  }
0x73: {  	v24 =	vnsel vm9, $0x1000000, v34;
	v33 =	vnsel vm10, $0x1000000, v33;
	v34 =	vld.idx.msk [tilespmem:v7+s6+$0x0], $0xffff;
	vm9 =	veq.f32 v26, v38;
	v26, _, _ =	vpop (xrf0)  }
0x74: {  	v26 =	vbroadcast v26, $0xF;
	vm10 =	veq.f32 v27, v21;
	v27 =	vmax.f32 v18, v17;
	v36, _, _ =	vpop (xrf0)  }
0x75: {  	v35 =	vnsel vm10, $0x1000000, v35;
	v40 =	vld.idx.msk [tilespmem:v13+s6+$0x0], $0xffff;
	vm10 =	veq.f32 v25, v38;
	v36 =	vbroadcast v36, $0xF;
	(xrf0) =	vmax.scan.msk.f32 $0xffff, v27  }
0x76: {  	vm13 =	vlt.s32 v24, v33;
	vm11 =	veq.f32 v28, v26;
	vm12 =	veq.f32 v29, v26;
	v25 =	vld.idx.msk [tilespmem:v14+s6+$0x0], $0xffff  }
0x77: {  	v24 =	vsel vm13, v24, v33;
	v26 =	vnsel vm11, $0x1000000, v39;
	v27 =	vnsel vm12, $0x1000000, v37;
	v28 =	vld.idx.msk [tilespmem:v4+s6+$0x0], $0xffff  }
0x78: {  	v24 =	vxor.u32 $0x80000000, v24;
	v22 =	vnsel vm10, $0x1000000, v22;
	vm11 =	vlt.s32 v26, v27;
	v29 =	vld.idx.msk [tilespmem:v11+s6+$0x0], $0xffff;
	v33, _, _ =	vpop (xrf0)  }
0x79: {  	v37 =	vsel vm11, v26, v27;
	v27 =	vbroadcast v33, $0xF;
	v33 =	vnsel vm9, $0x1000000, v34;
	v34 =	vld.idx.msk [tilespmem:v0+s6+$0x0], $0xffff;
	(xrf0) =	vmin.scan.msk.u32 $0xffff, v24  }
0x7a: {  	vm10 =	veq.f32 v30, v36;
	vm9 =	veq.f32 v23, v21;
	v24 =	vxor.u32 $0x80000000, v37;
	v21 =	vld.idx.msk [tilespmem:v15+s6+$0x0], $0xffff  }
0x7b: {  	vm13 =	vlt.s32 v33, v22;
	vm11 =	veq.f32 v32, v27;
	vm12 =	veq.f32 v31, v27;
	(xrf0) =	vmin.scan.msk.u32 $0xffff, v24;
	v26, _, _ =	vpop (xrf0)  }
.Ltmp1:
0x7c: {  	v22 =	vsel vm13, v33, v22;
	v27 =	vnsel vm11, $0x1000000, v25;
	v30 =	vnsel vm12, $0x1000000, v40;
	v23 =	vld.idx.msk [tilespmem:v5+s6+$0x0], $0xffff;
	(pc) =	sbr.rel @p1 .LBB2_1-.Ltmp1, $4  }
0x7d: {  	v28 =	vnsel vm9, $0x1000000, v28;
	v25 =	vbroadcast v26, $0xF;
	vm9 =	vlt.s32 v27, v30;
	v24 =	vld.idx.msk [tilespmem:v3+s6+$0x0], $0xffff  }
0x7e: {  	v26 =	vnsel vm10, $0x1000000, v29;
	v27 =	vsel vm9, v27, v30;
	vm9 =	veq.f32 v20, v36;
	v20 =	vld.idx.msk [tilespmem:v12+s6+$0x0], $0xffff  }
0x7f: {  	vm10 =	vlt.s32 v35, v28;
	v29 =	vxor.u32 $0x80000000, v27;
	v27 =	vnsel vm9, $0x1000000, v34;
	v30, _, _ =	vpop (xrf0)  }
0x80: {  	v28 =	vsel vm10, v35, v28;
	vm9 =	vlt.s32 v26, v27;
	(v2sf) =	vpush v30, $0xF;
	(xrf0) =	vmin.scan.msk.u32 $0xffff, v29  }
.LBB2_2:
0x81: {  	v0 =	vxor.u32 $0x80000000, v28;
	vm10 =	veq.f32 v16, v19  }
0x82: {  	vm11 =	veq.f32 v18, v25;
	vm14 =	veq.f32 v17, v25;
	v54 =	vsel vm9, v26, v27  }
0x83: {  	v4 =	vxor.u32 $0x80000000, v22;
	v1 =	vnsel vm8, $0x1000000, v23;
	(xrf0) =	vmin.scan.msk.u32 $0xffff, v0;
	v2 =	vnsel vm10, $0x1000000, v24  }
0x84: {  	v3 =	vnsel vm11, $0x1000000, v21;
	vm15 =	vlt.s32 v1, v2;
	v5 =	vnsel vm14, $0x1000000, v20  }
0x85: {  	v0 =	vxor.u32 $0x80000000, v54;
	(xrf0) =	vmin.scan.msk.u32 $0xffff, v4;
	v1 =	vsel vm15, v1, v2;
	vm8 =	vlt.s32 v3, v5  }
0x86: {  	v55, _, _ =	vpop (xrf0);
	(xrf0) =	vmin.scan.msk.u32 $0xffff, v0;
	v1 =	vxor.u32 $0x80000000, v1;
	v3 =	vsel vm8, v3, v5  }
0x87: {  	(v2sf) =	vpush v55, $0xF;
	v56 =	vxor.u32 $0x80000000, v3;
	(xrf0) =	vmin.scan.msk.u32 $0xffff, v1  }
0x88: {  	v57, _, _ =	vpop (xrf0);
	(xrf0) =	vmin.scan.msk.u32 $0xffff, v56  }
0x89: {  	(v2sf) =	vpush v57, $0xF;
	v58, _, _ =	vpop (xrf0)  }
0x8a: {  	(v2sf) =	vpush v58, $0xF  }
0x8b: {  	v59, _, _ =	vpop (xrf0)  }
0x8c: {  	(v2sf) =	vpush v59, $0xF;
	v60, _, _ =	vpop (xrf0)  }
0x8d: {  	(v2sf) =	vpush v60, $0xF;
	v61, _, _ =	vpop (xrf0)  }
0x8e: {  	(v2sf) =	vpush v61, $0xF;
	v62, _, _ =	vpop (xrf0)  }
0x8f: {  	(v2sf) =	vpush v62, $0xF;
	_ =	sdelay $0x5  }
0x90: {  	s2 =	spop (v2sf)  }
0x91: {  	s3 =	spop (v2sf)  }
0x92: {  	s3 =	sxor.u32 $0x80000000, s3  }
0x93: {  	v63 =	vmov s3;
	s25 =	spop (v2sf)  }
0x94: {  	s2 =	sxor.u32 $0x80000000, s2;
	v0 =	vnsel vm5, $0x0, v63;
	s4 =	spop (v2sf)  }
0x95: {  	v0 =	vsel vm6, s2, v0;
	s4 =	sxor.u32 $0x80000000, s4  }
0x96: {  	s26 =	sxor.u32 $0x80000000, s25;
	s28 =	spop (v2sf);
	v0 =	vsel vm7, s4, v0  }
0x97: {  	s3 =	sxor.u32 $0x80000000, s28;
	s29 =	spop (v2sf);
	v0 =	vsel vm1, s26, v0  }
0x98: {  	s2 =	sxor.u32 $0x80000000, s29;
	v0 =	vsel vm4, s3, v0;
	s30 =	spop (v2sf)  }
0x99: {  	v0 =	vsel vm0, s2, v0;
	s3 =	sxor.u32 $0x80000000, s30;
	s31 =	spop (v2sf)  }
0x9a: {  	s2 =	sxor.u32 $0x80000000, s31;
	v0 =	vsel vm2, s3, v0  }
0x9b: {  	v0 =	vsel vm3, s2, v0  }
0x9c: {  	s4 =	simm.s32 @!p0 $0x2;
	s3 =	simm.s32 @!p0 $0x2000;
	s2 =	simm.s32 @!p0 $0x0;
	[tilespmem:$0x2000] =	vst v0  }
0x9d: {  	[hbm4b:s7+s2] =	stream.linear.scatter @!p0 [tilespmem:s3], [sflag:$0x2], $0x8, $0x38;
	[tilespmem:$0x2080] =	vst v63  }
0x9e: {  	_ =	swait.ge @!p0 [sflag:s4], $0x8  }
0x9f: {  	[sflag:s4] =	ssyncset.done @!p0 $0x0  }
0xa0: {  	[sflag:s4] =	ssyncadd.s32 @!p0 $0xFFFFFFF8  }
0xa1: {  	_ =	sfence.sel $0x180000  }
0xa2: {  	[bflag:$0x0] =	sbarrier.arrive $0xFFFF  }
0xa3: {  	p0 =	sne.s32 s1, $0x0;
	_ =	strace $0x9000004A  }
0xa4: {  	s0 =	sadd.s32 @!p0 $0x100000, s0;
	[bflag:$0x2] =	sbarrier.arrive $0xFFFF  }
0xa5: {  	[sflag:s0] =	ssyncadd.tile.s32 @!p0 $0x1;
	_ =	shalt  }
.Lfunc_end2:
_tile_overlayer_lowered:
.L_overlay_start_2:
0xa6: {  	(tag) =	ssettag $0x2  }
0xa7: {  	s0 =	rddreg [dreg:$0x0];
	s2 =	stileid.u32  }
0xa8: {  	s1 =	rddreg [dreg:$0x1];
	p0 =	sne.s32 s2, $0x0  }
0xa9: {  	s3 =	rddreg [dreg:$0x2];
	[bflag:$0x3] =	sbarrier.arrive $0xFFFF;
	s2 =	simm.s32 @!p0 $0x1C02  }
0xaa: {  	[timem:s3], [sflag:s2] =	dma.local @!p0 [hbm:s0], s1  }
0xab: {  	s0 =	simm.s32 @!p0 $0x2  }
0xac: {  	_ =	swait.ge @!p0 [sflag:s0], s1  }
0xad: {  	s1 =	ssub.s32 @!p0 $0x0, s1;
	[sflag:s0] =	ssyncset.done @!p0 $0x0  }
0xae: {  	[sflag:s0] =	ssyncadd.s32 @!p0 s1  }
0xaf: {  	[bflag:$0x3] =	sbarrier.arrive $0xFFFF  }
0xb0: {  	_ =	shalt  }

</sc_bundles>
